<compile_context>
chip_gen: v7x
topology: tpu7x:2x2x1
jax: 0.10.2.dev20260603
libtpu: 0.0.44.dev20260713+nightly
codegen_flags: <defaults>
</compile_context>

<pallas_src>
import jax
import jax.numpy as jnp
from jax import lax
from jax.experimental import pallas as pl
from jax.experimental.pallas import tpu as pltpu
from jax.experimental.pallas import tpu_sc as plsc

_B = 128
_N = 4096
_G = _N // _B
_T = _G * (_G + 1) // 2


def _sc_body(nv_hbm, np_hbm, rp_hbm, uc_hbm, u_hbm, out_hbm,
             nvv, npv, rpv, ucv, ublk, dbuf, mbuf):
    info = plsc.get_sparse_core_info()
    nc, ns = info.num_cores, info.num_subcores
    nw = nc * ns
    wid = lax.axis_index("s") * nc + lax.axis_index("c")

    pltpu.sync_copy(nv_hbm, nvv)
    pltpu.sync_copy(np_hbm, npv)
    pltpu.sync_copy(rp_hbm, rpv)
    pltpu.sync_copy(uc_hbm, ucv)

    iota = lax.iota(jnp.int32, 16)
    iotaf = iota.astype(jnp.float32)

    npvec = npv[...]
    nvvec = nvv[...]
    rpvec = rpv[...]
    total = npvec[0]
    for k in range(1, 16):
        total = total + npvec[k]
    u0 = ucv[...][0]
    thresh = u0 * total
    idx = jnp.int32(0)
    csums = []
    acc = None
    for k in range(16):
        acc = npvec[k] if acc is None else acc + npvec[k]
        csums.append(acc)
    for k in range(15, -1, -1):
        idx = jnp.where(csums[k] >= thresh, jnp.int32(k), idx)
    n_nodes = jnp.float32(0.0)
    r = jnp.float32(0.0)
    for k in range(16):
        n_nodes = jnp.where(idx == k, nvvec[k], n_nodes)
        r = jnp.where(idx == k, rpvec[k], r)

    nchunks = _B // 16
    qmax = (_T + nw - 1) // nw

    def pair_step(q, carry):
        p = wid + q * nw

        @pl.when(p < _T)
        def _():
            bi = jnp.int32(0)
            for i in range(1, _G):
                start_i = i * _G - i * (i - 1) // 2
                bi = bi + jnp.where(p >= start_i, jnp.int32(1), jnp.int32(0))
            base = lax.shift_right_logical(bi * (2 * _G + 1 - bi),
                                           jnp.int32(1))
            bj = bi + (p - base)
            r0 = bi * _B
            c0 = bj * _B

            pltpu.sync_copy(u_hbm.at[pl.ds(r0, _B), pl.ds(c0, _B)], ublk)

            r0f = r0.astype(jnp.float32)
            c0f = c0.astype(jnp.float32)

            @pl.when(bi != bj)
            def _():
                def row_step(a, rcarry):
                    rf = r0f + a.astype(jnp.float32)
                    r_eff = jnp.where(rf < n_nodes, r, -1.0)
                    acol = jnp.full((16,), a, jnp.int32)
                    for c in range(nchunks):
                        colf = c0f + (c * 16) + iotaf
                        uvec = ublk[a, pl.ds(c * 16, 16)]
                        li = jnp.where((uvec <= r_eff) & (colf < n_nodes),
                                       1, 0).astype(jnp.int32)
                        dbuf[a, pl.ds(c * 16, 16)] = li
                        plsc.store_scatter(mbuf, [c * 16 + iota, acol], li)
                    return rcarry

                lax.fori_loop(0, _B, row_step, 0, unroll=4)
                pltpu.sync_copy(dbuf, out_hbm.at[pl.ds(r0, _B), pl.ds(c0, _B)])
                pltpu.sync_copy(mbuf, out_hbm.at[pl.ds(c0, _B), pl.ds(r0, _B)])

            @pl.when(bi == bj)
            def _():
                def row_step(a, rcarry):
                    rf = r0f + a.astype(jnp.float32)
                    r_eff = jnp.where(rf < n_nodes, r, -1.0)
                    acol = jnp.full((16,), a, jnp.int32)
                    for c in range(nchunks):
                        colf = c0f + (c * 16) + iotaf
                        up = ublk[a, pl.ds(c * 16, 16)]
                        lo = plsc.load_gather(ublk, [c * 16 + iota, acol])
                        hit = ((up <= r_eff) & (colf > rf)) | (
                            (lo <= r_eff) & (colf < rf) & (rf < n_nodes))
                        li = jnp.where(hit & (colf < n_nodes), 1, 0
                                       ).astype(jnp.int32)
                        dbuf[a, pl.ds(c * 16, 16)] = li
                    return rcarry

                lax.fori_loop(0, _B, row_step, 0, unroll=2)
                pltpu.sync_copy(dbuf, out_hbm.at[pl.ds(r0, _B), pl.ds(c0, _B)])

        return carry

    lax.fori_loop(0, qmax, pair_step, 0)


def kernel(N_values, N_probs, r_probs, u_cat, u_links):
    mesh = plsc.VectorSubcoreMesh(core_axis_name="c", subcore_axis_name="s")
    sc = pl.kernel(
        _sc_body,
        mesh=mesh,
        compiler_params=pltpu.CompilerParams(needs_layout_passes=False),
        out_type=jax.ShapeDtypeStruct((_N, _N), jnp.int32),
        scratch_types=[
            pltpu.VMEM((16,), jnp.float32),
            pltpu.VMEM((16,), jnp.float32),
            pltpu.VMEM((16,), jnp.float32),
            pltpu.VMEM((16,), jnp.float32),
            pltpu.VMEM((_B, _B), jnp.float32),
            pltpu.VMEM((_B, _B), jnp.int32),
            pltpu.VMEM((_B, _B), jnp.int32),
        ],
    )
    return sc(
        N_values,
        N_probs,
        r_probs,
        jnp.broadcast_to(u_cat, (16,)),
        u_links,
    )

# --- scband reference (transcript-rebuilt; emitter-appended) ---
"""Pipeline reference for scband-baseline-25632364822618 (READ-ONLY COPY).

The authoritative reference and input builder live on the scoring server;
editing this copy changes nothing except your own understanding.
"""

import jax, jax.numpy as jnp
import numpy as np

N_MAX = 4096
K_SIZES = 16

def setup_inputs(seed: int = 0) -> dict:
    key = jax.random.key(seed)
    k1, k2, k3, k4, k5 = jax.random.split(key, 5)
    # Empirical node-count distribution (N_dist): distinct graph sizes and their probabilities.
    N_values = jnp.sort(jax.random.randint(k1, (K_SIZES,), 2048, N_MAX + 1)).astype(jnp.float32)
    counts = jax.random.uniform(k2, (K_SIZES,)) + 0.1
    N_probs = counts / jnp.sum(counts)
    # Empirical edge probability given N (r_dist): typical Erdos-Renyi densities.
    r_probs = jax.random.uniform(k3, (K_SIZES,), minval=0.001, maxval=0.01)
    # Randomness consumed by sample_graph(): one multinomial draw + per-pair uniforms.
    u_cat = jax.random.uniform(k4, ())
    u_links = jax.random.uniform(k5, (N_MAX, N_MAX))
    return {"N_values": N_values, "N_probs": N_probs, "r_probs": r_probs, "u_cat": u_cat, "u_links": u_links}

def reference(N_values, N_probs, r_probs, u_cat, u_links):
    # 1. torch.multinomial(N_dist[1], 1) -> inverse-CDF categorical sampling with uniform u_cat.
    probs = N_probs / jnp.sum(N_probs)
    cdf = jnp.cumsum(probs)
    idx = jnp.argmax(cdf >= u_cat)
    N = N_values[idx]          # sampled node count
    r = r_probs[idx]           # edge probability given N
    # 2. torch.rand(upper_triu) <= r on strictly-upper-triangular pairs; JAX needs static
    #    shapes so we work on an N_MAX x N_MAX canvas masked to the sampled N.
    Nmax = u_links.shape[0]
    ar = jnp.arange(Nmax)
    row = ar[:, None]
    col = ar[None, :]
    upper = col > row
    valid = (row.astype(jnp.float32) < N) & (col.astype(jnp.float32) < N)
    link = (u_links <= r) & upper & valid
    # 3. symmetric scatter: adj[i,j] = adj[j,i] = 1 for sampled links.
    adj = (link | link.T).astype(jnp.int32)
    return adj

if __name__ == "__main__":
    import jax
    _d = setup_inputs()
    print(jax.jit(kernel)(*tuple(_d.values())))

</pallas_src>

<mosaic_0001>
#map = affine_map<(d0, d1) -> (0)>
#map1 = affine_map<(d0, d1) -> (0, 0)>
module attributes {stable_mosaic.version = 14 : i64} {
  func.func @_sc_body(%arg0: i32, %arg1: i32, %arg2: memref<16xf32, #tpu.memory_space<hbm>>, %arg3: memref<16xf32, #tpu.memory_space<hbm>>, %arg4: memref<16xf32, #tpu.memory_space<hbm>>, %arg5: memref<16xf32, #tpu.memory_space<hbm>>, %arg6: memref<4096x4096xf32, #tpu.memory_space<hbm>>, %arg7: memref<4096x4096xi32, #tpu.memory_space<hbm>>, %arg8: memref<16xf32, #tpu.memory_space<vmem>>, %arg9: memref<16xf32, #tpu.memory_space<vmem>>, %arg10: memref<16xf32, #tpu.memory_space<vmem>>, %arg11: memref<16xf32, #tpu.memory_space<vmem>>, %arg12: memref<128x128xf32, #tpu.memory_space<vmem>>, %arg13: memref<128x128xi32, #tpu.memory_space<vmem>>, %arg14: memref<128x128xi32, #tpu.memory_space<vmem>>) attributes {dimension_semantics = [#tpu.dimension_semantics<core_parallel>, #tpu.dimension_semantics<subcore_parallel>], iteration_bounds = array<i64: 2, 16>, scalar_prefetch = 0 : i64, scratch_operands = 7 : i64, tpu.core_type = #tpu.core_type<sc_vector_subcore>, window_params = [{transform_indices = #map}, {transform_indices = #map}, {transform_indices = #map}, {transform_indices = #map}, {transform_indices = #map1}, {transform_indices = #map1}]} {
    %mul3A = arith.constant 2 : i32
    %mul3A_0 = arith.muli %arg1, %mul3A : i32
    %add3A = arith.addi %mul3A_0, %arg0 : i32
    "tpu.region"() ({
      %run_scoped3A = tpu.sem_alloc : memref<!tpu.dma_semaphore, #tpu.memory_space<semaphore_mem>>
      tpu.enqueue_dma source(%arg2 : memref<16xf32, #tpu.memory_space<hbm>>) target(%arg8 : memref<16xf32, #tpu.memory_space<vmem>>) target_semaphore(%run_scoped3A : memref<!tpu.dma_semaphore, #tpu.memory_space<semaphore_mem>>)
      tpu.wait_dma2 semaphore(%run_scoped3A : memref<!tpu.dma_semaphore, #tpu.memory_space<semaphore_mem>>) src(%arg2 : memref<16xf32, #tpu.memory_space<hbm>>) dst(%arg8 : memref<16xf32, #tpu.memory_space<vmem>>)
      tpu.yield
    }) : () -> ()
    "tpu.region"() ({
      %run_scoped3A = tpu.sem_alloc : memref<!tpu.dma_semaphore, #tpu.memory_space<semaphore_mem>>
      tpu.enqueue_dma source(%arg3 : memref<16xf32, #tpu.memory_space<hbm>>) target(%arg9 : memref<16xf32, #tpu.memory_space<vmem>>) target_semaphore(%run_scoped3A : memref<!tpu.dma_semaphore, #tpu.memory_space<semaphore_mem>>)
      tpu.wait_dma2 semaphore(%run_scoped3A : memref<!tpu.dma_semaphore, #tpu.memory_space<semaphore_mem>>) src(%arg3 : memref<16xf32, #tpu.memory_space<hbm>>) dst(%arg9 : memref<16xf32, #tpu.memory_space<vmem>>)
      tpu.yield
    }) : () -> ()
    "tpu.region"() ({
      %run_scoped3A = tpu.sem_alloc : memref<!tpu.dma_semaphore, #tpu.memory_space<semaphore_mem>>
      tpu.enqueue_dma source(%arg4 : memref<16xf32, #tpu.memory_space<hbm>>) target(%arg10 : memref<16xf32, #tpu.memory_space<vmem>>) target_semaphore(%run_scoped3A : memref<!tpu.dma_semaphore, #tpu.memory_space<semaphore_mem>>)
      tpu.wait_dma2 semaphore(%run_scoped3A : memref<!tpu.dma_semaphore, #tpu.memory_space<semaphore_mem>>) src(%arg4 : memref<16xf32, #tpu.memory_space<hbm>>) dst(%arg10 : memref<16xf32, #tpu.memory_space<vmem>>)
      tpu.yield
    }) : () -> ()
    "tpu.region"() ({
      %run_scoped3A = tpu.sem_alloc : memref<!tpu.dma_semaphore, #tpu.memory_space<semaphore_mem>>
      tpu.enqueue_dma source(%arg5 : memref<16xf32, #tpu.memory_space<hbm>>) target(%arg11 : memref<16xf32, #tpu.memory_space<vmem>>) target_semaphore(%run_scoped3A : memref<!tpu.dma_semaphore, #tpu.memory_space<semaphore_mem>>)
      tpu.wait_dma2 semaphore(%run_scoped3A : memref<!tpu.dma_semaphore, #tpu.memory_space<semaphore_mem>>) src(%arg5 : memref<16xf32, #tpu.memory_space<hbm>>) dst(%arg11 : memref<16xf32, #tpu.memory_space<vmem>>)
      tpu.yield
    }) : () -> ()
    %iota3A = tpu.iota {dimensions = array<i32: 0>} : vector<16xi32>
    %convert_element_type3A = arith.sitofp %iota3A : vector<16xi32> to vector<16xf32>
    %get3A = arith.constant 0 : index
    %get3A_1 = tpu.vector_load %arg9[%get3A] {strides = array<i32>} : memref<16xf32, #tpu.memory_space<vmem>>, vector<16xf32>,
    %get3A_2 = arith.constant 0 : index
    %get3A_3 = tpu.vector_load %arg8[%get3A_2] {strides = array<i32>} : memref<16xf32, #tpu.memory_space<vmem>>, vector<16xf32>,
    %get3A_4 = arith.constant 0 : index
    %get3A_5 = tpu.vector_load %arg10[%get3A_4] {strides = array<i32>} : memref<16xf32, #tpu.memory_space<vmem>>, vector<16xf32>,
    %slice3A = vector.extract_strided_slice %get3A_1 {offsets = [0], sizes = [1], strides = [1]} : vector<16xf32> to vector<1xf32>
    %squeeze3A = vector.extract %slice3A[0] : f32 from vector<1xf32>
    %slice3A_6 = vector.extract_strided_slice %get3A_1 {offsets = [1], sizes = [1], strides = [1]} : vector<16xf32> to vector<1xf32>
    %squeeze3A_7 = vector.extract %slice3A_6[0] : f32 from vector<1xf32>
    %add3A_8 = arith.addf %squeeze3A, %squeeze3A_7 : f32
    %slice3A_9 = vector.extract_strided_slice %get3A_1 {offsets = [2], sizes = [1], strides = [1]} : vector<16xf32> to vector<1xf32>
    %squeeze3A_10 = vector.extract %slice3A_9[0] : f32 from vector<1xf32>
    %add3A_11 = arith.addf %add3A_8, %squeeze3A_10 : f32
    %slice3A_12 = vector.extract_strided_slice %get3A_1 {offsets = [3], sizes = [1], strides = [1]} : vector<16xf32> to vector<1xf32>
    %squeeze3A_13 = vector.extract %slice3A_12[0] : f32 from vector<1xf32>
    %add3A_14 = arith.addf %add3A_11, %squeeze3A_13 : f32
    %slice3A_15 = vector.extract_strided_slice %get3A_1 {offsets = [4], sizes = [1], strides = [1]} : vector<16xf32> to vector<1xf32>
    %squeeze3A_16 = vector.extract %slice3A_15[0] : f32 from vector<1xf32>
    %add3A_17 = arith.addf %add3A_14, %squeeze3A_16 : f32
    %slice3A_18 = vector.extract_strided_slice %get3A_1 {offsets = [5], sizes = [1], strides = [1]} : vector<16xf32> to vector<1xf32>
    %squeeze3A_19 = vector.extract %slice3A_18[0] : f32 from vector<1xf32>
    %add3A_20 = arith.addf %add3A_17, %squeeze3A_19 : f32
    %slice3A_21 = vector.extract_strided_slice %get3A_1 {offsets = [6], sizes = [1], strides = [1]} : vector<16xf32> to vector<1xf32>
    %squeeze3A_22 = vector.extract %slice3A_21[0] : f32 from vector<1xf32>
    %add3A_23 = arith.addf %add3A_20, %squeeze3A_22 : f32
    %slice3A_24 = vector.extract_strided_slice %get3A_1 {offsets = [7], sizes = [1], strides = [1]} : vector<16xf32> to vector<1xf32>
    %squeeze3A_25 = vector.extract %slice3A_24[0] : f32 from vector<1xf32>
    %add3A_26 = arith.addf %add3A_23, %squeeze3A_25 : f32
    %slice3A_27 = vector.extract_strided_slice %get3A_1 {offsets = [8], sizes = [1], strides = [1]} : vector<16xf32> to vector<1xf32>
    %squeeze3A_28 = vector.extract %slice3A_27[0] : f32 from vector<1xf32>
    %add3A_29 = arith.addf %add3A_26, %squeeze3A_28 : f32
    %slice3A_30 = vector.extract_strided_slice %get3A_1 {offsets = [9], sizes = [1], strides = [1]} : vector<16xf32> to vector<1xf32>
    %squeeze3A_31 = vector.extract %slice3A_30[0] : f32 from vector<1xf32>
    %add3A_32 = arith.addf %add3A_29, %squeeze3A_31 : f32
    %slice3A_33 = vector.extract_strided_slice %get3A_1 {offsets = [10], sizes = [1], strides = [1]} : vector<16xf32> to vector<1xf32>
    %squeeze3A_34 = vector.extract %slice3A_33[0] : f32 from vector<1xf32>
    %add3A_35 = arith.addf %add3A_32, %squeeze3A_34 : f32
    %slice3A_36 = vector.extract_strided_slice %get3A_1 {offsets = [11], sizes = [1], strides = [1]} : vector<16xf32> to vector<1xf32>
    %squeeze3A_37 = vector.extract %slice3A_36[0] : f32 from vector<1xf32>
    %add3A_38 = arith.addf %add3A_35, %squeeze3A_37 : f32
    %slice3A_39 = vector.extract_strided_slice %get3A_1 {offsets = [12], sizes = [1], strides = [1]} : vector<16xf32> to vector<1xf32>
    %squeeze3A_40 = vector.extract %slice3A_39[0] : f32 from vector<1xf32>
    %add3A_41 = arith.addf %add3A_38, %squeeze3A_40 : f32
    %slice3A_42 = vector.extract_strided_slice %get3A_1 {offsets = [13], sizes = [1], strides = [1]} : vector<16xf32> to vector<1xf32>
    %squeeze3A_43 = vector.extract %slice3A_42[0] : f32 from vector<1xf32>
    %add3A_44 = arith.addf %add3A_41, %squeeze3A_43 : f32
    %slice3A_45 = vector.extract_strided_slice %get3A_1 {offsets = [14], sizes = [1], strides = [1]} : vector<16xf32> to vector<1xf32>
    %squeeze3A_46 = vector.extract %slice3A_45[0] : f32 from vector<1xf32>
    %add3A_47 = arith.addf %add3A_44, %squeeze3A_46 : f32
    %slice3A_48 = vector.extract_strided_slice %get3A_1 {offsets = [15], sizes = [1], strides = [1]} : vector<16xf32> to vector<1xf32>
    %squeeze3A_49 = vector.extract %slice3A_48[0] : f32 from vector<1xf32>
    %add3A_50 = arith.addf %add3A_47, %squeeze3A_49 : f32
    %get3A_51 = arith.constant 0 : index
    %get3A_52 = tpu.vector_load %arg11[%get3A_51] {strides = array<i32>} : memref<16xf32, #tpu.memory_space<vmem>>, vector<16xf32>,
    %slice3A_53 = vector.extract_strided_slice %get3A_52 {offsets = [0], sizes = [1], strides = [1]} : vector<16xf32> to vector<1xf32>
    %squeeze3A_54 = vector.extract %slice3A_53[0] : f32 from vector<1xf32>
    %mul3A_55 = arith.mulf %squeeze3A_54, %add3A_50 : f32
    %slice3A_56 = vector.extract_strided_slice %get3A_1 {offsets = [0], sizes = [1], strides = [1]} : vector<16xf32> to vector<1xf32>
    %squeeze3A_57 = vector.extract %slice3A_56[0] : f32 from vector<1xf32>
    %slice3A_58 = vector.extract_strided_slice %get3A_1 {offsets = [1], sizes = [1], strides = [1]} : vector<16xf32> to vector<1xf32>
    %squeeze3A_59 = vector.extract %slice3A_58[0] : f32 from vector<1xf32>
    %add3A_60 = arith.addf %squeeze3A_57, %squeeze3A_59 : f32
    %slice3A_61 = vector.extract_strided_slice %get3A_1 {offsets = [2], sizes = [1], strides = [1]} : vector<16xf32> to vector<1xf32>
    %squeeze3A_62 = vector.extract %slice3A_61[0] : f32 from vector<1xf32>
    %add3A_63 = arith.addf %add3A_60, %squeeze3A_62 : f32
    %slice3A_64 = vector.extract_strided_slice %get3A_1 {offsets = [3], sizes = [1], strides = [1]} : vector<16xf32> to vector<1xf32>
    %squeeze3A_65 = vector.extract %slice3A_64[0] : f32 from vector<1xf32>
    %add3A_66 = arith.addf %add3A_63, %squeeze3A_65 : f32
    %slice3A_67 = vector.extract_strided_slice %get3A_1 {offsets = [4], sizes = [1], strides = [1]} : vector<16xf32> to vector<1xf32>
    %squeeze3A_68 = vector.extract %slice3A_67[0] : f32 from vector<1xf32>
    %add3A_69 = arith.addf %add3A_66, %squeeze3A_68 : f32
    %slice3A_70 = vector.extract_strided_slice %get3A_1 {offsets = [5], sizes = [1], strides = [1]} : vector<16xf32> to vector<1xf32>
    %squeeze3A_71 = vector.extract %slice3A_70[0] : f32 from vector<1xf32>
    %add3A_72 = arith.addf %add3A_69, %squeeze3A_71 : f32
    %slice3A_73 = vector.extract_strided_slice %get3A_1 {offsets = [6], sizes = [1], strides = [1]} : vector<16xf32> to vector<1xf32>
    %squeeze3A_74 = vector.extract %slice3A_73[0] : f32 from vector<1xf32>
    %add3A_75 = arith.addf %add3A_72, %squeeze3A_74 : f32
    %slice3A_76 = vector.extract_strided_slice %get3A_1 {offsets = [7], sizes = [1], strides = [1]} : vector<16xf32> to vector<1xf32>
    %squeeze3A_77 = vector.extract %slice3A_76[0] : f32 from vector<1xf32>
    %add3A_78 = arith.addf %add3A_75, %squeeze3A_77 : f32
    %slice3A_79 = vector.extract_strided_slice %get3A_1 {offsets = [8], sizes = [1], strides = [1]} : vector<16xf32> to vector<1xf32>
    %squeeze3A_80 = vector.extract %slice3A_79[0] : f32 from vector<1xf32>
    %add3A_81 = arith.addf %add3A_78, %squeeze3A_80 : f32
    %slice3A_82 = vector.extract_strided_slice %get3A_1 {offsets = [9], sizes = [1], strides = [1]} : vector<16xf32> to vector<1xf32>
    %squeeze3A_83 = vector.extract %slice3A_82[0] : f32 from vector<1xf32>
    %add3A_84 = arith.addf %add3A_81, %squeeze3A_83 : f32
    %slice3A_85 = vector.extract_strided_slice %get3A_1 {offsets = [10], sizes = [1], strides = [1]} : vector<16xf32> to vector<1xf32>
    %squeeze3A_86 = vector.extract %slice3A_85[0] : f32 from vector<1xf32>
    %add3A_87 = arith.addf %add3A_84, %squeeze3A_86 : f32
    %slice3A_88 = vector.extract_strided_slice %get3A_1 {offsets = [11], sizes = [1], strides = [1]} : vector<16xf32> to vector<1xf32>
    %squeeze3A_89 = vector.extract %slice3A_88[0] : f32 from vector<1xf32>
    %add3A_90 = arith.addf %add3A_87, %squeeze3A_89 : f32
    %slice3A_91 = vector.extract_strided_slice %get3A_1 {offsets = [12], sizes = [1], strides = [1]} : vector<16xf32> to vector<1xf32>
    %squeeze3A_92 = vector.extract %slice3A_91[0] : f32 from vector<1xf32>
    %add3A_93 = arith.addf %add3A_90, %squeeze3A_92 : f32
    %slice3A_94 = vector.extract_strided_slice %get3A_1 {offsets = [13], sizes = [1], strides = [1]} : vector<16xf32> to vector<1xf32>
    %squeeze3A_95 = vector.extract %slice3A_94[0] : f32 from vector<1xf32>
    %add3A_96 = arith.addf %add3A_93, %squeeze3A_95 : f32
    %slice3A_97 = vector.extract_strided_slice %get3A_1 {offsets = [14], sizes = [1], strides = [1]} : vector<16xf32> to vector<1xf32>
    %squeeze3A_98 = vector.extract %slice3A_97[0] : f32 from vector<1xf32>
    %add3A_99 = arith.addf %add3A_96, %squeeze3A_98 : f32
    %slice3A_100 = vector.extract_strided_slice %get3A_1 {offsets = [15], sizes = [1], strides = [1]} : vector<16xf32> to vector<1xf32>
    %squeeze3A_101 = vector.extract %slice3A_100[0] : f32 from vector<1xf32>
    %add3A_102 = arith.addf %add3A_99, %squeeze3A_101 : f32
    %ge3A = arith.cmpf oge, %add3A_102, %mul3A_55 : f32
    %jit3A = arith.constant 15 : i32
    %jit3A_103 = arith.constant 0 : i32
    %select_n3A = arith.select %ge3A, %jit3A, %jit3A_103 : i32
    %ge3A_104 = arith.cmpf oge, %add3A_99, %mul3A_55 : f32
    %jit3A_105 = arith.constant 14 : i32
    %select_n3A_106 = arith.select %ge3A_104, %jit3A_105, %select_n3A : i32
    %ge3A_107 = arith.cmpf oge, %add3A_96, %mul3A_55 : f32
    %jit3A_108 = arith.constant 13 : i32
    %select_n3A_109 = arith.select %ge3A_107, %jit3A_108, %select_n3A_106 : i32
    %ge3A_110 = arith.cmpf oge, %add3A_93, %mul3A_55 : f32
    %jit3A_111 = arith.constant 12 : i32
    %select_n3A_112 = arith.select %ge3A_110, %jit3A_111, %select_n3A_109 : i32
    %ge3A_113 = arith.cmpf oge, %add3A_90, %mul3A_55 : f32
    %jit3A_114 = arith.constant 11 : i32
    %select_n3A_115 = arith.select %ge3A_113, %jit3A_114, %select_n3A_112 : i32
    %ge3A_116 = arith.cmpf oge, %add3A_87, %mul3A_55 : f32
    %jit3A_117 = arith.constant 10 : i32
    %select_n3A_118 = arith.select %ge3A_116, %jit3A_117, %select_n3A_115 : i32
    %ge3A_119 = arith.cmpf oge, %add3A_84, %mul3A_55 : f32
    %jit3A_120 = arith.constant 9 : i32
    %select_n3A_121 = arith.select %ge3A_119, %jit3A_120, %select_n3A_118 : i32
    %ge3A_122 = arith.cmpf oge, %add3A_81, %mul3A_55 : f32
    %jit3A_123 = arith.constant 8 : i32
    %select_n3A_124 = arith.select %ge3A_122, %jit3A_123, %select_n3A_121 : i32
    %ge3A_125 = arith.cmpf oge, %add3A_78, %mul3A_55 : f32
    %jit3A_126 = arith.constant 7 : i32
    %select_n3A_127 = arith.select %ge3A_125, %jit3A_126, %select_n3A_124 : i32
    %ge3A_128 = arith.cmpf oge, %add3A_75, %mul3A_55 : f32
    %jit3A_129 = arith.constant 6 : i32
    %select_n3A_130 = arith.select %ge3A_128, %jit3A_129, %select_n3A_127 : i32
    %ge3A_131 = arith.cmpf oge, %add3A_72, %mul3A_55 : f32
    %jit3A_132 = arith.constant 5 : i32
    %select_n3A_133 = arith.select %ge3A_131, %jit3A_132, %select_n3A_130 : i32
    %ge3A_134 = arith.cmpf oge, %add3A_69, %mul3A_55 : f32
    %jit3A_135 = arith.constant 4 : i32
    %select_n3A_136 = arith.select %ge3A_134, %jit3A_135, %select_n3A_133 : i32
    %ge3A_137 = arith.cmpf oge, %add3A_66, %mul3A_55 : f32
    %jit3A_138 = arith.constant 3 : i32
    %select_n3A_139 = arith.select %ge3A_137, %jit3A_138, %select_n3A_136 : i32
    %ge3A_140 = arith.cmpf oge, %add3A_63, %mul3A_55 : f32
    %jit3A_141 = arith.constant 2 : i32
    %select_n3A_142 = arith.select %ge3A_140, %jit3A_141, %select_n3A_139 : i32
    %ge3A_143 = arith.cmpf oge, %add3A_60, %mul3A_55 : f32
    %jit3A_144 = arith.constant 1 : i32
    %select_n3A_145 = arith.select %ge3A_143, %jit3A_144, %select_n3A_142 : i32
    %ge3A_146 = arith.cmpf oge, %squeeze3A_57, %mul3A_55 : f32
    %jit3A_147 = arith.constant 0 : i32
    %select_n3A_148 = arith.select %ge3A_146, %jit3A_147, %select_n3A_145 : i32
    %eq3A = arith.constant 0 : i32
    %eq3A_149 = arith.cmpi eq, %select_n3A_148, %eq3A : i32
    %slice3A_150 = vector.extract_strided_slice %get3A_3 {offsets = [0], sizes = [1], strides = [1]} : vector<16xf32> to vector<1xf32>
    %squeeze3A_151 = vector.extract %slice3A_150[0] : f32 from vector<1xf32>
    %jit3A_152 = arith.constant 0.000000e+00 : f32
    %select_n3A_153 = arith.select %eq3A_149, %squeeze3A_151, %jit3A_152 : f32
    %eq3A_154 = arith.constant 0 : i32
    %eq3A_155 = arith.cmpi eq, %select_n3A_148, %eq3A_154 : i32
    %slice3A_156 = vector.extract_strided_slice %get3A_5 {offsets = [0], sizes = [1], strides = [1]} : vector<16xf32> to vector<1xf32>
    %squeeze3A_157 = vector.extract %slice3A_156[0] : f32 from vector<1xf32>
    %jit3A_158 = arith.constant 0.000000e+00 : f32
    %select_n3A_159 = arith.select %eq3A_155, %squeeze3A_157, %jit3A_158 : f32
    %eq3A_160 = arith.constant 1 : i32
    %eq3A_161 = arith.cmpi eq, %select_n3A_148, %eq3A_160 : i32
    %slice3A_162 = vector.extract_strided_slice %get3A_3 {offsets = [1], sizes = [1], strides = [1]} : vector<16xf32> to vector<1xf32>
    %squeeze3A_163 = vector.extract %slice3A_162[0] : f32 from vector<1xf32>
    %select_n3A_164 = arith.select %eq3A_161, %squeeze3A_163, %select_n3A_153 : f32
    %eq3A_165 = arith.constant 1 : i32
    %eq3A_166 = arith.cmpi eq, %select_n3A_148, %eq3A_165 : i32
    %slice3A_167 = vector.extract_strided_slice %get3A_5 {offsets = [1], sizes = [1], strides = [1]} : vector<16xf32> to vector<1xf32>
    %squeeze3A_168 = vector.extract %slice3A_167[0] : f32 from vector<1xf32>
    %select_n3A_169 = arith.select %eq3A_166, %squeeze3A_168, %select_n3A_159 : f32
    %eq3A_170 = arith.constant 2 : i32
    %eq3A_171 = arith.cmpi eq, %select_n3A_148, %eq3A_170 : i32
    %slice3A_172 = vector.extract_strided_slice %get3A_3 {offsets = [2], sizes = [1], strides = [1]} : vector<16xf32> to vector<1xf32>
    %squeeze3A_173 = vector.extract %slice3A_172[0] : f32 from vector<1xf32>
    %select_n3A_174 = arith.select %eq3A_171, %squeeze3A_173, %select_n3A_164 : f32
    %eq3A_175 = arith.constant 2 : i32
    %eq3A_176 = arith.cmpi eq, %select_n3A_148, %eq3A_175 : i32
    %slice3A_177 = vector.extract_strided_slice %get3A_5 {offsets = [2], sizes = [1], strides = [1]} : vector<16xf32> to vector<1xf32>
    %squeeze3A_178 = vector.extract %slice3A_177[0] : f32 from vector<1xf32>
    %select_n3A_179 = arith.select %eq3A_176, %squeeze3A_178, %select_n3A_169 : f32
    %eq3A_180 = arith.constant 3 : i32
    %eq3A_181 = arith.cmpi eq, %select_n3A_148, %eq3A_180 : i32
    %slice3A_182 = vector.extract_strided_slice %get3A_3 {offsets = [3], sizes = [1], strides = [1]} : vector<16xf32> to vector<1xf32>
    %squeeze3A_183 = vector.extract %slice3A_182[0] : f32 from vector<1xf32>
    %select_n3A_184 = arith.select %eq3A_181, %squeeze3A_183, %select_n3A_174 : f32
    %eq3A_185 = arith.constant 3 : i32
    %eq3A_186 = arith.cmpi eq, %select_n3A_148, %eq3A_185 : i32
    %slice3A_187 = vector.extract_strided_slice %get3A_5 {offsets = [3], sizes = [1], strides = [1]} : vector<16xf32> to vector<1xf32>
    %squeeze3A_188 = vector.extract %slice3A_187[0] : f32 from vector<1xf32>
    %select_n3A_189 = arith.select %eq3A_186, %squeeze3A_188, %select_n3A_179 : f32
    %eq3A_190 = arith.constant 4 : i32
    %eq3A_191 = arith.cmpi eq, %select_n3A_148, %eq3A_190 : i32
    %slice3A_192 = vector.extract_strided_slice %get3A_3 {offsets = [4], sizes = [1], strides = [1]} : vector<16xf32> to vector<1xf32>
    %squeeze3A_193 = vector.extract %slice3A_192[0] : f32 from vector<1xf32>
    %select_n3A_194 = arith.select %eq3A_191, %squeeze3A_193, %select_n3A_184 : f32
    %eq3A_195 = arith.constant 4 : i32
    %eq3A_196 = arith.cmpi eq, %select_n3A_148, %eq3A_195 : i32
    %slice3A_197 = vector.extract_strided_slice %get3A_5 {offsets = [4], sizes = [1], strides = [1]} : vector<16xf32> to vector<1xf32>
    %squeeze3A_198 = vector.extract %slice3A_197[0] : f32 from vector<1xf32>
    %select_n3A_199 = arith.select %eq3A_196, %squeeze3A_198, %select_n3A_189 : f32
    %eq3A_200 = arith.constant 5 : i32
    %eq3A_201 = arith.cmpi eq, %select_n3A_148, %eq3A_200 : i32
    %slice3A_202 = vector.extract_strided_slice %get3A_3 {offsets = [5], sizes = [1], strides = [1]} : vector<16xf32> to vector<1xf32>
    %squeeze3A_203 = vector.extract %slice3A_202[0] : f32 from vector<1xf32>
    %select_n3A_204 = arith.select %eq3A_201, %squeeze3A_203, %select_n3A_194 : f32
    %eq3A_205 = arith.constant 5 : i32
    %eq3A_206 = arith.cmpi eq, %select_n3A_148, %eq3A_205 : i32
    %slice3A_207 = vector.extract_strided_slice %get3A_5 {offsets = [5], sizes = [1], strides = [1]} : vector<16xf32> to vector<1xf32>
    %squeeze3A_208 = vector.extract %slice3A_207[0] : f32 from vector<1xf32>
    %select_n3A_209 = arith.select %eq3A_206, %squeeze3A_208, %select_n3A_199 : f32
    %eq3A_210 = arith.constant 6 : i32
    %eq3A_211 = arith.cmpi eq, %select_n3A_148, %eq3A_210 : i32
    %slice3A_212 = vector.extract_strided_slice %get3A_3 {offsets = [6], sizes = [1], strides = [1]} : vector<16xf32> to vector<1xf32>
    %squeeze3A_213 = vector.extract %slice3A_212[0] : f32 from vector<1xf32>
    %select_n3A_214 = arith.select %eq3A_211, %squeeze3A_213, %select_n3A_204 : f32
    %eq3A_215 = arith.constant 6 : i32
    %eq3A_216 = arith.cmpi eq, %select_n3A_148, %eq3A_215 : i32
    %slice3A_217 = vector.extract_strided_slice %get3A_5 {offsets = [6], sizes = [1], strides = [1]} : vector<16xf32> to vector<1xf32>
    %squeeze3A_218 = vector.extract %slice3A_217[0] : f32 from vector<1xf32>
    %select_n3A_219 = arith.select %eq3A_216, %squeeze3A_218, %select_n3A_209 : f32
    %eq3A_220 = arith.constant 7 : i32
    %eq3A_221 = arith.cmpi eq, %select_n3A_148, %eq3A_220 : i32
    %slice3A_222 = vector.extract_strided_slice %get3A_3 {offsets = [7], sizes = [1], strides = [1]} : vector<16xf32> to vector<1xf32>
    %squeeze3A_223 = vector.extract %slice3A_222[0] : f32 from vector<1xf32>
    %select_n3A_224 = arith.select %eq3A_221, %squeeze3A_223, %select_n3A_214 : f32
    %eq3A_225 = arith.constant 7 : i32
    %eq3A_226 = arith.cmpi eq, %select_n3A_148, %eq3A_225 : i32
    %slice3A_227 = vector.extract_strided_slice %get3A_5 {offsets = [7], sizes = [1], strides = [1]} : vector<16xf32> to vector<1xf32>
    %squeeze3A_228 = vector.extract %slice3A_227[0] : f32 from vector<1xf32>
    %select_n3A_229 = arith.select %eq3A_226, %squeeze3A_228, %select_n3A_219 : f32
    %eq3A_230 = arith.constant 8 : i32
    %eq3A_231 = arith.cmpi eq, %select_n3A_148, %eq3A_230 : i32
    %slice3A_232 = vector.extract_strided_slice %get3A_3 {offsets = [8], sizes = [1], strides = [1]} : vector<16xf32> to vector<1xf32>
    %squeeze3A_233 = vector.extract %slice3A_232[0] : f32 from vector<1xf32>
    %select_n3A_234 = arith.select %eq3A_231, %squeeze3A_233, %select_n3A_224 : f32
    %eq3A_235 = arith.constant 8 : i32
    %eq3A_236 = arith.cmpi eq, %select_n3A_148, %eq3A_235 : i32
    %slice3A_237 = vector.extract_strided_slice %get3A_5 {offsets = [8], sizes = [1], strides = [1]} : vector<16xf32> to vector<1xf32>
    %squeeze3A_238 = vector.extract %slice3A_237[0] : f32 from vector<1xf32>
    %select_n3A_239 = arith.select %eq3A_236, %squeeze3A_238, %select_n3A_229 : f32
    %eq3A_240 = arith.constant 9 : i32
    %eq3A_241 = arith.cmpi eq, %select_n3A_148, %eq3A_240 : i32
    %slice3A_242 = vector.extract_strided_slice %get3A_3 {offsets = [9], sizes = [1], strides = [1]} : vector<16xf32> to vector<1xf32>
    %squeeze3A_243 = vector.extract %slice3A_242[0] : f32 from vector<1xf32>
    %select_n3A_244 = arith.select %eq3A_241, %squeeze3A_243, %select_n3A_234 : f32
    %eq3A_245 = arith.constant 9 : i32
    %eq3A_246 = arith.cmpi eq, %select_n3A_148, %eq3A_245 : i32
    %slice3A_247 = vector.extract_strided_slice %get3A_5 {offsets = [9], sizes = [1], strides = [1]} : vector<16xf32> to vector<1xf32>
    %squeeze3A_248 = vector.extract %slice3A_247[0] : f32 from vector<1xf32>
    %select_n3A_249 = arith.select %eq3A_246, %squeeze3A_248, %select_n3A_239 : f32
    %eq3A_250 = arith.constant 10 : i32
    %eq3A_251 = arith.cmpi eq, %select_n3A_148, %eq3A_250 : i32
    %slice3A_252 = vector.extract_strided_slice %get3A_3 {offsets = [10], sizes = [1], strides = [1]} : vector<16xf32> to vector<1xf32>
    %squeeze3A_253 = vector.extract %slice3A_252[0] : f32 from vector<1xf32>
    %select_n3A_254 = arith.select %eq3A_251, %squeeze3A_253, %select_n3A_244 : f32
    %eq3A_255 = arith.constant 10 : i32
    %eq3A_256 = arith.cmpi eq, %select_n3A_148, %eq3A_255 : i32
    %slice3A_257 = vector.extract_strided_slice %get3A_5 {offsets = [10], sizes = [1], strides = [1]} : vector<16xf32> to vector<1xf32>
    %squeeze3A_258 = vector.extract %slice3A_257[0] : f32 from vector<1xf32>
    %select_n3A_259 = arith.select %eq3A_256, %squeeze3A_258, %select_n3A_249 : f32
    %eq3A_260 = arith.constant 11 : i32
    %eq3A_261 = arith.cmpi eq, %select_n3A_148, %eq3A_260 : i32
    %slice3A_262 = vector.extract_strided_slice %get3A_3 {offsets = [11], sizes = [1], strides = [1]} : vector<16xf32> to vector<1xf32>
    %squeeze3A_263 = vector.extract %slice3A_262[0] : f32 from vector<1xf32>
    %select_n3A_264 = arith.select %eq3A_261, %squeeze3A_263, %select_n3A_254 : f32
    %eq3A_265 = arith.constant 11 : i32
    %eq3A_266 = arith.cmpi eq, %select_n3A_148, %eq3A_265 : i32
    %slice3A_267 = vector.extract_strided_slice %get3A_5 {offsets = [11], sizes = [1], strides = [1]} : vector<16xf32> to vector<1xf32>
    %squeeze3A_268 = vector.extract %slice3A_267[0] : f32 from vector<1xf32>
    %select_n3A_269 = arith.select %eq3A_266, %squeeze3A_268, %select_n3A_259 : f32
    %eq3A_270 = arith.constant 12 : i32
    %eq3A_271 = arith.cmpi eq, %select_n3A_148, %eq3A_270 : i32
    %slice3A_272 = vector.extract_strided_slice %get3A_3 {offsets = [12], sizes = [1], strides = [1]} : vector<16xf32> to vector<1xf32>
    %squeeze3A_273 = vector.extract %slice3A_272[0] : f32 from vector<1xf32>
    %select_n3A_274 = arith.select %eq3A_271, %squeeze3A_273, %select_n3A_264 : f32
    %eq3A_275 = arith.constant 12 : i32
    %eq3A_276 = arith.cmpi eq, %select_n3A_148, %eq3A_275 : i32
    %slice3A_277 = vector.extract_strided_slice %get3A_5 {offsets = [12], sizes = [1], strides = [1]} : vector<16xf32> to vector<1xf32>
    %squeeze3A_278 = vector.extract %slice3A_277[0] : f32 from vector<1xf32>
    %select_n3A_279 = arith.select %eq3A_276, %squeeze3A_278, %select_n3A_269 : f32
    %eq3A_280 = arith.constant 13 : i32
    %eq3A_281 = arith.cmpi eq, %select_n3A_148, %eq3A_280 : i32
    %slice3A_282 = vector.extract_strided_slice %get3A_3 {offsets = [13], sizes = [1], strides = [1]} : vector<16xf32> to vector<1xf32>
    %squeeze3A_283 = vector.extract %slice3A_282[0] : f32 from vector<1xf32>
    %select_n3A_284 = arith.select %eq3A_281, %squeeze3A_283, %select_n3A_274 : f32
    %eq3A_285 = arith.constant 13 : i32
    %eq3A_286 = arith.cmpi eq, %select_n3A_148, %eq3A_285 : i32
    %slice3A_287 = vector.extract_strided_slice %get3A_5 {offsets = [13], sizes = [1], strides = [1]} : vector<16xf32> to vector<1xf32>
    %squeeze3A_288 = vector.extract %slice3A_287[0] : f32 from vector<1xf32>
    %select_n3A_289 = arith.select %eq3A_286, %squeeze3A_288, %select_n3A_279 : f32
    %eq3A_290 = arith.constant 14 : i32
    %eq3A_291 = arith.cmpi eq, %select_n3A_148, %eq3A_290 : i32
    %slice3A_292 = vector.extract_strided_slice %get3A_3 {offsets = [14], sizes = [1], strides = [1]} : vector<16xf32> to vector<1xf32>
    %squeeze3A_293 = vector.extract %slice3A_292[0] : f32 from vector<1xf32>
    %select_n3A_294 = arith.select %eq3A_291, %squeeze3A_293, %select_n3A_284 : f32
    %eq3A_295 = arith.constant 14 : i32
    %eq3A_296 = arith.cmpi eq, %select_n3A_148, %eq3A_295 : i32
    %slice3A_297 = vector.extract_strided_slice %get3A_5 {offsets = [14], sizes = [1], strides = [1]} : vector<16xf32> to vector<1xf32>
    %squeeze3A_298 = vector.extract %slice3A_297[0] : f32 from vector<1xf32>
    %select_n3A_299 = arith.select %eq3A_296, %squeeze3A_298, %select_n3A_289 : f32
    %eq3A_300 = arith.constant 15 : i32
    %eq3A_301 = arith.cmpi eq, %select_n3A_148, %eq3A_300 : i32
    %slice3A_302 = vector.extract_strided_slice %get3A_3 {offsets = [15], sizes = [1], strides = [1]} : vector<16xf32> to vector<1xf32>
    %squeeze3A_303 = vector.extract %slice3A_302[0] : f32 from vector<1xf32>
    %select_n3A_304 = arith.select %eq3A_301, %squeeze3A_303, %select_n3A_294 : f32
    %eq3A_305 = arith.constant 15 : i32
    %eq3A_306 = arith.cmpi eq, %select_n3A_148, %eq3A_305 : i32
    %slice3A_307 = vector.extract_strided_slice %get3A_5 {offsets = [15], sizes = [1], strides = [1]} : vector<16xf32> to vector<1xf32>
    %squeeze3A_308 = vector.extract %slice3A_307[0] : f32 from vector<1xf32>
    %select_n3A_309 = arith.select %eq3A_306, %squeeze3A_308, %select_n3A_299 : f32
    %scan3A = arith.constant 0 : i32
    %scan3A_310 = arith.constant 0 : i32
    %scan3A_311 = arith.constant 17 : i32
    %scan3A_312 = arith.addi %scan3A_310, %scan3A_311 : i32
    %scan3A_313 = arith.constant 1 : i32
    scf.for %scan3A_315 = %scan3A_310 to %scan3A_312 step %scan3A_313  : i32 {
      %mul3A_316 = arith.constant 32 : i32
      %mul3A_317 = arith.muli %scan3A_315, %mul3A_316 : i32
      %add3A_318 = arith.addi %add3A, %mul3A_317 : i32
      %lt3A = arith.constant 528 : i32
      %lt3A_319 = arith.cmpi slt, %add3A_318, %lt3A : i32
      %convert_element_type3A_320 = arith.extui %lt3A_319 : i1 to i32
      %cond3A = arith.constant 0 : i32
      %cond3A_321 = arith.cmpi ne, %convert_element_type3A_320, %cond3A : i32
      scf.if %cond3A_321 {
        %ge3A_322 = arith.constant 32 : i32
        %ge3A_323 = arith.cmpi sge, %add3A_318, %ge3A_322 : i32
        %jit3A_324 = arith.constant 1 : i32
        %jit3A_325 = arith.constant 0 : i32
        %select_n3A_326 = arith.select %ge3A_323, %jit3A_324, %jit3A_325 : i32
        %add3A_327 = arith.constant 0 : i32
        %add3A_328 = arith.addi %add3A_327, %select_n3A_326 : i32
        %ge3A_329 = arith.constant 63 : i32
        %ge3A_330 = arith.cmpi sge, %add3A_318, %ge3A_329 : i32
        %jit3A_331 = arith.constant 1 : i32
        %jit3A_332 = arith.constant 0 : i32
        %select_n3A_333 = arith.select %ge3A_330, %jit3A_331, %jit3A_332 : i32
        %add3A_334 = arith.addi %add3A_328, %select_n3A_333 : i32
        %ge3A_335 = arith.constant 93 : i32
        %ge3A_336 = arith.cmpi sge, %add3A_318, %ge3A_335 : i32
        %jit3A_337 = arith.constant 1 : i32
        %jit3A_338 = arith.constant 0 : i32
        %select_n3A_339 = arith.select %ge3A_336, %jit3A_337, %jit3A_338 : i32
        %add3A_340 = arith.addi %add3A_334, %select_n3A_339 : i32
        %ge3A_341 = arith.constant 122 : i32
        %ge3A_342 = arith.cmpi sge, %add3A_318, %ge3A_341 : i32
        %jit3A_343 = arith.constant 1 : i32
        %jit3A_344 = arith.constant 0 : i32
        %select_n3A_345 = arith.select %ge3A_342, %jit3A_343, %jit3A_344 : i32
        %add3A_346 = arith.addi %add3A_340, %select_n3A_345 : i32
        %ge3A_347 = arith.constant 150 : i32
        %ge3A_348 = arith.cmpi sge, %add3A_318, %ge3A_347 : i32
        %jit3A_349 = arith.constant 1 : i32
        %jit3A_350 = arith.constant 0 : i32
        %select_n3A_351 = arith.select %ge3A_348, %jit3A_349, %jit3A_350 : i32
        %add3A_352 = arith.addi %add3A_346, %select_n3A_351 : i32
        %ge3A_353 = arith.constant 177 : i32
        %ge3A_354 = arith.cmpi sge, %add3A_318, %ge3A_353 : i32
        %jit3A_355 = arith.constant 1 : i32
        %jit3A_356 = arith.constant 0 : i32
        %select_n3A_357 = arith.select %ge3A_354, %jit3A_355, %jit3A_356 : i32
        %add3A_358 = arith.addi %add3A_352, %select_n3A_357 : i32
        %ge3A_359 = arith.constant 203 : i32
        %ge3A_360 = arith.cmpi sge, %add3A_318, %ge3A_359 : i32
        %jit3A_361 = arith.constant 1 : i32
        %jit3A_362 = arith.constant 0 : i32
        %select_n3A_363 = arith.select %ge3A_360, %jit3A_361, %jit3A_362 : i32
        %add3A_364 = arith.addi %add3A_358, %select_n3A_363 : i32
        %ge3A_365 = arith.constant 228 : i32
        %ge3A_366 = arith.cmpi sge, %add3A_318, %ge3A_365 : i32
        %jit3A_367 = arith.constant 1 : i32
        %jit3A_368 = arith.constant 0 : i32
        %select_n3A_369 = arith.select %ge3A_366, %jit3A_367, %jit3A_368 : i32
        %add3A_370 = arith.addi %add3A_364, %select_n3A_369 : i32
        %ge3A_371 = arith.constant 252 : i32
        %ge3A_372 = arith.cmpi sge, %add3A_318, %ge3A_371 : i32
        %jit3A_373 = arith.constant 1 : i32
        %jit3A_374 = arith.constant 0 : i32
        %select_n3A_375 = arith.select %ge3A_372, %jit3A_373, %jit3A_374 : i32
        %add3A_376 = arith.addi %add3A_370, %select_n3A_375 : i32
        %ge3A_377 = arith.constant 275 : i32
        %ge3A_378 = arith.cmpi sge, %add3A_318, %ge3A_377 : i32
        %jit3A_379 = arith.constant 1 : i32
        %jit3A_380 = arith.constant 0 : i32
        %select_n3A_381 = arith.select %ge3A_378, %jit3A_379, %jit3A_380 : i32
        %add3A_382 = arith.addi %add3A_376, %select_n3A_381 : i32
        %ge3A_383 = arith.constant 297 : i32
        %ge3A_384 = arith.cmpi sge, %add3A_318, %ge3A_383 : i32
        %jit3A_385 = arith.constant 1 : i32
        %jit3A_386 = arith.constant 0 : i32
        %select_n3A_387 = arith.select %ge3A_384, %jit3A_385, %jit3A_386 : i32
        %add3A_388 = arith.addi %add3A_382, %select_n3A_387 : i32
        %ge3A_389 = arith.constant 318 : i32
        %ge3A_390 = arith.cmpi sge, %add3A_318, %ge3A_389 : i32
        %jit3A_391 = arith.constant 1 : i32
        %jit3A_392 = arith.constant 0 : i32
        %select_n3A_393 = arith.select %ge3A_390, %jit3A_391, %jit3A_392 : i32
        %add3A_394 = arith.addi %add3A_388, %select_n3A_393 : i32
        %ge3A_395 = arith.constant 338 : i32
        %ge3A_396 = arith.cmpi sge, %add3A_318, %ge3A_395 : i32
        %jit3A_397 = arith.constant 1 : i32
        %jit3A_398 = arith.constant 0 : i32
        %select_n3A_399 = arith.select %ge3A_396, %jit3A_397, %jit3A_398 : i32
        %add3A_400 = arith.addi %add3A_394, %select_n3A_399 : i32
        %ge3A_401 = arith.constant 357 : i32
        %ge3A_402 = arith.cmpi sge, %add3A_318, %ge3A_401 : i32
        %jit3A_403 = arith.constant 1 : i32
        %jit3A_404 = arith.constant 0 : i32
        %select_n3A_405 = arith.select %ge3A_402, %jit3A_403, %jit3A_404 : i32
        %add3A_406 = arith.addi %add3A_400, %select_n3A_405 : i32
        %ge3A_407 = arith.constant 375 : i32
        %ge3A_408 = arith.cmpi sge, %add3A_318, %ge3A_407 : i32
        %jit3A_409 = arith.constant 1 : i32
        %jit3A_410 = arith.constant 0 : i32
        %select_n3A_411 = arith.select %ge3A_408, %jit3A_409, %jit3A_410 : i32
        %add3A_412 = arith.addi %add3A_406, %select_n3A_411 : i32
        %ge3A_413 = arith.constant 392 : i32
        %ge3A_414 = arith.cmpi sge, %add3A_318, %ge3A_413 : i32
        %jit3A_415 = arith.constant 1 : i32
        %jit3A_416 = arith.constant 0 : i32
        %select_n3A_417 = arith.select %ge3A_414, %jit3A_415, %jit3A_416 : i32
        %add3A_418 = arith.addi %add3A_412, %select_n3A_417 : i32
        %ge3A_419 = arith.constant 408 : i32
        %ge3A_420 = arith.cmpi sge, %add3A_318, %ge3A_419 : i32
        %jit3A_421 = arith.constant 1 : i32
        %jit3A_422 = arith.constant 0 : i32
        %select_n3A_423 = arith.select %ge3A_420, %jit3A_421, %jit3A_422 : i32
        %add3A_424 = arith.addi %add3A_418, %select_n3A_423 : i32
        %ge3A_425 = arith.constant 423 : i32
        %ge3A_426 = arith.cmpi sge, %add3A_318, %ge3A_425 : i32
        %jit3A_427 = arith.constant 1 : i32
        %jit3A_428 = arith.constant 0 : i32
        %select_n3A_429 = arith.select %ge3A_426, %jit3A_427, %jit3A_428 : i32
        %add3A_430 = arith.addi %add3A_424, %select_n3A_429 : i32
        %ge3A_431 = arith.constant 437 : i32
        %ge3A_432 = arith.cmpi sge, %add3A_318, %ge3A_431 : i32
        %jit3A_433 = arith.constant 1 : i32
        %jit3A_434 = arith.constant 0 : i32
        %select_n3A_435 = arith.select %ge3A_432, %jit3A_433, %jit3A_434 : i32
        %add3A_436 = arith.addi %add3A_430, %select_n3A_435 : i32
        %ge3A_437 = arith.constant 450 : i32
        %ge3A_438 = arith.cmpi sge, %add3A_318, %ge3A_437 : i32
        %jit3A_439 = arith.constant 1 : i32
        %jit3A_440 = arith.constant 0 : i32
        %select_n3A_441 = arith.select %ge3A_438, %jit3A_439, %jit3A_440 : i32
        %add3A_442 = arith.addi %add3A_436, %select_n3A_441 : i32
        %ge3A_443 = arith.constant 462 : i32
        %ge3A_444 = arith.cmpi sge, %add3A_318, %ge3A_443 : i32
        %jit3A_445 = arith.constant 1 : i32
        %jit3A_446 = arith.constant 0 : i32
        %select_n3A_447 = arith.select %ge3A_444, %jit3A_445, %jit3A_446 : i32
        %add3A_448 = arith.addi %add3A_442, %select_n3A_447 : i32
        %ge3A_449 = arith.constant 473 : i32
        %ge3A_450 = arith.cmpi sge, %add3A_318, %ge3A_449 : i32
        %jit3A_451 = arith.constant 1 : i32
        %jit3A_452 = arith.constant 0 : i32
        %select_n3A_453 = arith.select %ge3A_450, %jit3A_451, %jit3A_452 : i32
        %add3A_454 = arith.addi %add3A_448, %select_n3A_453 : i32
        %ge3A_455 = arith.constant 483 : i32
        %ge3A_456 = arith.cmpi sge, %add3A_318, %ge3A_455 : i32
        %jit3A_457 = arith.constant 1 : i32
        %jit3A_458 = arith.constant 0 : i32
        %select_n3A_459 = arith.select %ge3A_456, %jit3A_457, %jit3A_458 : i32
        %add3A_460 = arith.addi %add3A_454, %select_n3A_459 : i32
        %ge3A_461 = arith.constant 492 : i32
        %ge3A_462 = arith.cmpi sge, %add3A_318, %ge3A_461 : i32
        %jit3A_463 = arith.constant 1 : i32
        %jit3A_464 = arith.constant 0 : i32
        %select_n3A_465 = arith.select %ge3A_462, %jit3A_463, %jit3A_464 : i32
        %add3A_466 = arith.addi %add3A_460, %select_n3A_465 : i32
        %ge3A_467 = arith.constant 500 : i32
        %ge3A_468 = arith.cmpi sge, %add3A_318, %ge3A_467 : i32
        %jit3A_469 = arith.constant 1 : i32
        %jit3A_470 = arith.constant 0 : i32
        %select_n3A_471 = arith.select %ge3A_468, %jit3A_469, %jit3A_470 : i32
        %add3A_472 = arith.addi %add3A_466, %select_n3A_471 : i32
        %ge3A_473 = arith.constant 507 : i32
        %ge3A_474 = arith.cmpi sge, %add3A_318, %ge3A_473 : i32
        %jit3A_475 = arith.constant 1 : i32
        %jit3A_476 = arith.constant 0 : i32
        %select_n3A_477 = arith.select %ge3A_474, %jit3A_475, %jit3A_476 : i32
        %add3A_478 = arith.addi %add3A_472, %select_n3A_477 : i32
        %ge3A_479 = arith.constant 513 : i32
        %ge3A_480 = arith.cmpi sge, %add3A_318, %ge3A_479 : i32
        %jit3A_481 = arith.constant 1 : i32
        %jit3A_482 = arith.constant 0 : i32
        %select_n3A_483 = arith.select %ge3A_480, %jit3A_481, %jit3A_482 : i32
        %add3A_484 = arith.addi %add3A_478, %select_n3A_483 : i32
        %ge3A_485 = arith.constant 518 : i32
        %ge3A_486 = arith.cmpi sge, %add3A_318, %ge3A_485 : i32
        %jit3A_487 = arith.constant 1 : i32
        %jit3A_488 = arith.constant 0 : i32
        %select_n3A_489 = arith.select %ge3A_486, %jit3A_487, %jit3A_488 : i32
        %add3A_490 = arith.addi %add3A_484, %select_n3A_489 : i32
        %ge3A_491 = arith.constant 522 : i32
        %ge3A_492 = arith.cmpi sge, %add3A_318, %ge3A_491 : i32
        %jit3A_493 = arith.constant 1 : i32
        %jit3A_494 = arith.constant 0 : i32
        %select_n3A_495 = arith.select %ge3A_492, %jit3A_493, %jit3A_494 : i32
        %add3A_496 = arith.addi %add3A_490, %select_n3A_495 : i32
        %ge3A_497 = arith.constant 525 : i32
        %ge3A_498 = arith.cmpi sge, %add3A_318, %ge3A_497 : i32
        %jit3A_499 = arith.constant 1 : i32
        %jit3A_500 = arith.constant 0 : i32
        %select_n3A_501 = arith.select %ge3A_498, %jit3A_499, %jit3A_500 : i32
        %add3A_502 = arith.addi %add3A_496, %select_n3A_501 : i32
        %ge3A_503 = arith.constant 527 : i32
        %ge3A_504 = arith.cmpi sge, %add3A_318, %ge3A_503 : i32
        %jit3A_505 = arith.constant 1 : i32
        %jit3A_506 = arith.constant 0 : i32
        %select_n3A_507 = arith.select %ge3A_504, %jit3A_505, %jit3A_506 : i32
        %add3A_508 = arith.addi %add3A_502, %select_n3A_507 : i32
        %sub3A = arith.constant 65 : i32
        %sub3A_509 = arith.subi %sub3A, %add3A_508 : i32
        %mul3A_510 = arith.muli %add3A_508, %sub3A_509 : i32
        %shift_right_logical3A = arith.constant 1 : i32
        %shift_right_logical3A_511 = arith.shrui %mul3A_510, %shift_right_logical3A : i32
        %sub3A_512 = arith.subi %add3A_318, %shift_right_logical3A_511 : i32
        %add3A_513 = arith.addi %add3A_508, %sub3A_512 : i32
        %mul3A_514 = arith.constant 128 : i32
        %mul3A_515 = arith.muli %add3A_508, %mul3A_514 : i32
        %mul3A_516 = arith.constant 128 : i32
        %mul3A_517 = arith.muli %add3A_513, %mul3A_516 : i32
        "tpu.region"() ({
          %run_scoped3A = tpu.sem_alloc : memref<!tpu.dma_semaphore, #tpu.memory_space<semaphore_mem>>
          %dma_start3A = tpu.memref_slice %arg6[%mul3A_515, %mul3A_517] : memref<4096x4096xf32, #tpu.memory_space<hbm>> -> memref<128x128xf32, #tpu.memory_space<hbm>>
          %dma_start3A_527 = tpu.memref_slice %arg6[%mul3A_515, %mul3A_517] : memref<4096x4096xf32, #tpu.memory_space<hbm>> -> memref<128x128xf32, #tpu.memory_space<hbm>>
          tpu.enqueue_dma source(%dma_start3A_527 : memref<128x128xf32, #tpu.memory_space<hbm>>) target(%arg12 : memref<128x128xf32, #tpu.memory_space<vmem>>) target_semaphore(%run_scoped3A : memref<!tpu.dma_semaphore, #tpu.memory_space<semaphore_mem>>)
          %dma_wait3A = tpu.memref_slice %arg6[%mul3A_515, %mul3A_517] : memref<4096x4096xf32, #tpu.memory_space<hbm>> -> memref<128x128xf32, #tpu.memory_space<hbm>>
          %dma_wait3A_528 = tpu.memref_slice %arg6[%mul3A_515, %mul3A_517] : memref<4096x4096xf32, #tpu.memory_space<hbm>> -> memref<128x128xf32, #tpu.memory_space<hbm>>
          tpu.wait_dma2 semaphore(%run_scoped3A : memref<!tpu.dma_semaphore, #tpu.memory_space<semaphore_mem>>) src(%dma_wait3A_528 : memref<128x128xf32, #tpu.memory_space<hbm>>) dst(%arg12 : memref<128x128xf32, #tpu.memory_space<vmem>>)
          tpu.yield
        }) : () -> ()
        %convert_element_type3A_518 = arith.sitofp %mul3A_515 : i32 to f32
        %convert_element_type3A_519 = arith.sitofp %mul3A_517 : i32 to f32
        %ne3A = arith.cmpi ne, %add3A_508, %add3A_513 : i32
        %convert_element_type3A_520 = arith.extui %ne3A : i1 to i32
        %cond3A_521 = arith.constant 0 : i32
        %cond3A_522 = arith.cmpi ne, %convert_element_type3A_520, %cond3A_521 : i32
        scf.if %cond3A_522 {
          %scan3A_527 = arith.constant 0 : i32
          %scan3A_528 = arith.constant 0 : i32
          %scan3A_529 = arith.constant 128 : i32
          %scan3A_530 = arith.addi %scan3A_528, %scan3A_529 : i32
          %scan3A_531 = arith.constant 4 : i32
          scf.for %scan3A_533 = %scan3A_528 to %scan3A_530 step %scan3A_531  : i32 {
            %convert_element_type3A_534 = arith.sitofp %scan3A_533 : i32 to f32
            %add3A_535 = arith.addf %convert_element_type3A_518, %convert_element_type3A_534 : f32
            %lt3A_536 = arith.cmpf olt, %add3A_535, %select_n3A_304 : f32
            %jit3A_537 = arith.constant -1.000000e+00 : f32
            %select_n3A_538 = arith.select %lt3A_536, %select_n3A_309, %jit3A_537 : f32
            %broadcast_in_dim3A = vector.broadcast %scan3A_533 : i32 to vector<16xi32>
            %add3A_539 = arith.constant 0.000000e+00 : f32
            %add3A_540 = arith.addf %convert_element_type3A_519, %add3A_539 : f32
            %add3A_541 = vector.broadcast %add3A_540 : f32 to vector<16xf32>
            %add3A_542 = arith.addf %add3A_541, %convert_element_type3A : vector<16xf32>
            %get3A_543 = arith.index_cast %scan3A_533 : i32 to index
            %get3A_544 = arith.constant 0 : index
            %get3A_545 = tpu.vector_load %arg12[%get3A_543, %get3A_544] {strides = array<i32>} : memref<128x128xf32, #tpu.memory_space<vmem>>, vector<16xf32>,
            %le3A = vector.broadcast %select_n3A_538 : f32 to vector<16xf32>
            %le3A_546 = arith.cmpf ole, %get3A_545, %le3A : vector<16xf32>
            %lt3A_547 = vector.broadcast %select_n3A_304 : f32 to vector<16xf32>
            %lt3A_548 = arith.cmpf olt, %add3A_542, %lt3A_547 : vector<16xf32>
            %and3A = arith.andi %le3A_546, %lt3A_548 : vector<16xi1>
            %jit3A_549 = arith.constant 1 : i32
            %jit3A_550 = arith.constant 0 : i32
            %broadcast_in_dim3A_551 = vector.broadcast %jit3A_549 : i32 to vector<16xi32>
            %broadcast_in_dim3A_552 = vector.broadcast %jit3A_550 : i32 to vector<16xi32>
            %select_n3A_553 = arith.select %and3A, %broadcast_in_dim3A_551, %broadcast_in_dim3A_552 : vector<16xi1>, vector<16xi32>
            %swap3A = arith.index_cast %scan3A_533 : i32 to index
            %swap3A_554 = arith.constant 0 : index
            %swap3A_555 = tpu.vector_load %arg13[%swap3A, %swap3A_554] {strides = array<i32>} : memref<128x128xi32, #tpu.memory_space<vmem>>, vector<16xi32>,
            tpu.vector_store %arg13[%swap3A, %swap3A_554], %select_n3A_553 {strides = array<i32>} : memref<128x128xi32, #tpu.memory_space<vmem>>, vector<16xi32>,
            %add3A_556 = arith.constant 0 : i32
            %add3A_557 = vector.broadcast %add3A_556 : i32 to vector<16xi32>
            %add3A_558 = arith.addi %add3A_557, %iota3A : vector<16xi32>
            tpu.vector_store_idx %arg14[%add3A_558, %broadcast_in_dim3A], %select_n3A_553 : memref<128x128xi32, #tpu.memory_space<vmem>>[vector<16xi32>, vector<16xi32>], vector<16xi32>,
            %add3A_559 = arith.constant 1.600000e+01 : f32
            %add3A_560 = arith.addf %convert_element_type3A_519, %add3A_559 : f32
            %add3A_561 = vector.broadcast %add3A_560 : f32 to vector<16xf32>
            %add3A_562 = arith.addf %add3A_561, %convert_element_type3A : vector<16xf32>
            %get3A_563 = arith.index_cast %scan3A_533 : i32 to index
            %get3A_564 = arith.constant 16 : index
            %get3A_565 = tpu.vector_load %arg12[%get3A_563, %get3A_564] {strides = array<i32>} : memref<128x128xf32, #tpu.memory_space<vmem>>, vector<16xf32>,
            %le3A_566 = vector.broadcast %select_n3A_538 : f32 to vector<16xf32>
            %le3A_567 = arith.cmpf ole, %get3A_565, %le3A_566 : vector<16xf32>
            %lt3A_568 = vector.broadcast %select_n3A_304 : f32 to vector<16xf32>
            %lt3A_569 = arith.cmpf olt, %add3A_562, %lt3A_568 : vector<16xf32>
            %and3A_570 = arith.andi %le3A_567, %lt3A_569 : vector<16xi1>
            %jit3A_571 = arith.constant 1 : i32
            %jit3A_572 = arith.constant 0 : i32
            %broadcast_in_dim3A_573 = vector.broadcast %jit3A_571 : i32 to vector<16xi32>
            %broadcast_in_dim3A_574 = vector.broadcast %jit3A_572 : i32 to vector<16xi32>
            %select_n3A_575 = arith.select %and3A_570, %broadcast_in_dim3A_573, %broadcast_in_dim3A_574 : vector<16xi1>, vector<16xi32>
            %swap3A_576 = arith.index_cast %scan3A_533 : i32 to index
            %swap3A_577 = arith.constant 16 : index
            %swap3A_578 = tpu.vector_load %arg13[%swap3A_576, %swap3A_577] {strides = array<i32>} : memref<128x128xi32, #tpu.memory_space<vmem>>, vector<16xi32>,
            tpu.vector_store %arg13[%swap3A_576, %swap3A_577], %select_n3A_575 {strides = array<i32>} : memref<128x128xi32, #tpu.memory_space<vmem>>, vector<16xi32>,
            %add3A_579 = arith.constant 16 : i32
            %add3A_580 = vector.broadcast %add3A_579 : i32 to vector<16xi32>
            %add3A_581 = arith.addi %add3A_580, %iota3A : vector<16xi32>
            tpu.vector_store_idx %arg14[%add3A_581, %broadcast_in_dim3A], %select_n3A_575 : memref<128x128xi32, #tpu.memory_space<vmem>>[vector<16xi32>, vector<16xi32>], vector<16xi32>,
            %add3A_582 = arith.constant 3.200000e+01 : f32
            %add3A_583 = arith.addf %convert_element_type3A_519, %add3A_582 : f32
            %add3A_584 = vector.broadcast %add3A_583 : f32 to vector<16xf32>
            %add3A_585 = arith.addf %add3A_584, %convert_element_type3A : vector<16xf32>
            %get3A_586 = arith.index_cast %scan3A_533 : i32 to index
            %get3A_587 = arith.constant 32 : index
            %get3A_588 = tpu.vector_load %arg12[%get3A_586, %get3A_587] {strides = array<i32>} : memref<128x128xf32, #tpu.memory_space<vmem>>, vector<16xf32>,
            %le3A_589 = vector.broadcast %select_n3A_538 : f32 to vector<16xf32>
            %le3A_590 = arith.cmpf ole, %get3A_588, %le3A_589 : vector<16xf32>
            %lt3A_591 = vector.broadcast %select_n3A_304 : f32 to vector<16xf32>
            %lt3A_592 = arith.cmpf olt, %add3A_585, %lt3A_591 : vector<16xf32>
            %and3A_593 = arith.andi %le3A_590, %lt3A_592 : vector<16xi1>
            %jit3A_594 = arith.constant 1 : i32
            %jit3A_595 = arith.constant 0 : i32
            %broadcast_in_dim3A_596 = vector.broadcast %jit3A_594 : i32 to vector<16xi32>
            %broadcast_in_dim3A_597 = vector.broadcast %jit3A_595 : i32 to vector<16xi32>
            %select_n3A_598 = arith.select %and3A_593, %broadcast_in_dim3A_596, %broadcast_in_dim3A_597 : vector<16xi1>, vector<16xi32>
            %swap3A_599 = arith.index_cast %scan3A_533 : i32 to index
            %swap3A_600 = arith.constant 32 : index
            %swap3A_601 = tpu.vector_load %arg13[%swap3A_599, %swap3A_600] {strides = array<i32>} : memref<128x128xi32, #tpu.memory_space<vmem>>, vector<16xi32>,
            tpu.vector_store %arg13[%swap3A_599, %swap3A_600], %select_n3A_598 {strides = array<i32>} : memref<128x128xi32, #tpu.memory_space<vmem>>, vector<16xi32>,
            %add3A_602 = arith.constant 32 : i32
            %add3A_603 = vector.broadcast %add3A_602 : i32 to vector<16xi32>
            %add3A_604 = arith.addi %add3A_603, %iota3A : vector<16xi32>
            tpu.vector_store_idx %arg14[%add3A_604, %broadcast_in_dim3A], %select_n3A_598 : memref<128x128xi32, #tpu.memory_space<vmem>>[vector<16xi32>, vector<16xi32>], vector<16xi32>,
            %add3A_605 = arith.constant 4.800000e+01 : f32
            %add3A_606 = arith.addf %convert_element_type3A_519, %add3A_605 : f32
            %add3A_607 = vector.broadcast %add3A_606 : f32 to vector<16xf32>
            %add3A_608 = arith.addf %add3A_607, %convert_element_type3A : vector<16xf32>
            %get3A_609 = arith.index_cast %scan3A_533 : i32 to index
            %get3A_610 = arith.constant 48 : index
            %get3A_611 = tpu.vector_load %arg12[%get3A_609, %get3A_610] {strides = array<i32>} : memref<128x128xf32, #tpu.memory_space<vmem>>, vector<16xf32>,
            %le3A_612 = vector.broadcast %select_n3A_538 : f32 to vector<16xf32>
            %le3A_613 = arith.cmpf ole, %get3A_611, %le3A_612 : vector<16xf32>
            %lt3A_614 = vector.broadcast %select_n3A_304 : f32 to vector<16xf32>
            %lt3A_615 = arith.cmpf olt, %add3A_608, %lt3A_614 : vector<16xf32>
            %and3A_616 = arith.andi %le3A_613, %lt3A_615 : vector<16xi1>
            %jit3A_617 = arith.constant 1 : i32
            %jit3A_618 = arith.constant 0 : i32
            %broadcast_in_dim3A_619 = vector.broadcast %jit3A_617 : i32 to vector<16xi32>
            %broadcast_in_dim3A_620 = vector.broadcast %jit3A_618 : i32 to vector<16xi32>
            %select_n3A_621 = arith.select %and3A_616, %broadcast_in_dim3A_619, %broadcast_in_dim3A_620 : vector<16xi1>, vector<16xi32>
            %swap3A_622 = arith.index_cast %scan3A_533 : i32 to index
            %swap3A_623 = arith.constant 48 : index
            %swap3A_624 = tpu.vector_load %arg13[%swap3A_622, %swap3A_623] {strides = array<i32>} : memref<128x128xi32, #tpu.memory_space<vmem>>, vector<16xi32>,
            tpu.vector_store %arg13[%swap3A_622, %swap3A_623], %select_n3A_621 {strides = array<i32>} : memref<128x128xi32, #tpu.memory_space<vmem>>, vector<16xi32>,
            %add3A_625 = arith.constant 48 : i32
            %add3A_626 = vector.broadcast %add3A_625 : i32 to vector<16xi32>
            %add3A_627 = arith.addi %add3A_626, %iota3A : vector<16xi32>
            tpu.vector_store_idx %arg14[%add3A_627, %broadcast_in_dim3A], %select_n3A_621 : memref<128x128xi32, #tpu.memory_space<vmem>>[vector<16xi32>, vector<16xi32>], vector<16xi32>,
            %add3A_628 = arith.constant 6.400000e+01 : f32
            %add3A_629 = arith.addf %convert_element_type3A_519, %add3A_628 : f32
            %add3A_630 = vector.broadcast %add3A_629 : f32 to vector<16xf32>
            %add3A_631 = arith.addf %add3A_630, %convert_element_type3A : vector<16xf32>
            %get3A_632 = arith.index_cast %scan3A_533 : i32 to index
            %get3A_633 = arith.constant 64 : index
            %get3A_634 = tpu.vector_load %arg12[%get3A_632, %get3A_633] {strides = array<i32>} : memref<128x128xf32, #tpu.memory_space<vmem>>, vector<16xf32>,
            %le3A_635 = vector.broadcast %select_n3A_538 : f32 to vector<16xf32>
            %le3A_636 = arith.cmpf ole, %get3A_634, %le3A_635 : vector<16xf32>
            %lt3A_637 = vector.broadcast %select_n3A_304 : f32 to vector<16xf32>
            %lt3A_638 = arith.cmpf olt, %add3A_631, %lt3A_637 : vector<16xf32>
            %and3A_639 = arith.andi %le3A_636, %lt3A_638 : vector<16xi1>
            %jit3A_640 = arith.constant 1 : i32
            %jit3A_641 = arith.constant 0 : i32
            %broadcast_in_dim3A_642 = vector.broadcast %jit3A_640 : i32 to vector<16xi32>
            %broadcast_in_dim3A_643 = vector.broadcast %jit3A_641 : i32 to vector<16xi32>
            %select_n3A_644 = arith.select %and3A_639, %broadcast_in_dim3A_642, %broadcast_in_dim3A_643 : vector<16xi1>, vector<16xi32>
            %swap3A_645 = arith.index_cast %scan3A_533 : i32 to index
            %swap3A_646 = arith.constant 64 : index
            %swap3A_647 = tpu.vector_load %arg13[%swap3A_645, %swap3A_646] {strides = array<i32>} : memref<128x128xi32, #tpu.memory_space<vmem>>, vector<16xi32>,
            tpu.vector_store %arg13[%swap3A_645, %swap3A_646], %select_n3A_644 {strides = array<i32>} : memref<128x128xi32, #tpu.memory_space<vmem>>, vector<16xi32>,
            %add3A_648 = arith.constant 64 : i32
            %add3A_649 = vector.broadcast %add3A_648 : i32 to vector<16xi32>
            %add3A_650 = arith.addi %add3A_649, %iota3A : vector<16xi32>
            tpu.vector_store_idx %arg14[%add3A_650, %broadcast_in_dim3A], %select_n3A_644 : memref<128x128xi32, #tpu.memory_space<vmem>>[vector<16xi32>, vector<16xi32>], vector<16xi32>,
            %add3A_651 = arith.constant 8.000000e+01 : f32
            %add3A_652 = arith.addf %convert_element_type3A_519, %add3A_651 : f32
            %add3A_653 = vector.broadcast %add3A_652 : f32 to vector<16xf32>
            %add3A_654 = arith.addf %add3A_653, %convert_element_type3A : vector<16xf32>
            %get3A_655 = arith.index_cast %scan3A_533 : i32 to index
            %get3A_656 = arith.constant 80 : index
            %get3A_657 = tpu.vector_load %arg12[%get3A_655, %get3A_656] {strides = array<i32>} : memref<128x128xf32, #tpu.memory_space<vmem>>, vector<16xf32>,
            %le3A_658 = vector.broadcast %select_n3A_538 : f32 to vector<16xf32>
            %le3A_659 = arith.cmpf ole, %get3A_657, %le3A_658 : vector<16xf32>
            %lt3A_660 = vector.broadcast %select_n3A_304 : f32 to vector<16xf32>
            %lt3A_661 = arith.cmpf olt, %add3A_654, %lt3A_660 : vector<16xf32>
            %and3A_662 = arith.andi %le3A_659, %lt3A_661 : vector<16xi1>
            %jit3A_663 = arith.constant 1 : i32
            %jit3A_664 = arith.constant 0 : i32
            %broadcast_in_dim3A_665 = vector.broadcast %jit3A_663 : i32 to vector<16xi32>
            %broadcast_in_dim3A_666 = vector.broadcast %jit3A_664 : i32 to vector<16xi32>
            %select_n3A_667 = arith.select %and3A_662, %broadcast_in_dim3A_665, %broadcast_in_dim3A_666 : vector<16xi1>, vector<16xi32>
            %swap3A_668 = arith.index_cast %scan3A_533 : i32 to index
            %swap3A_669 = arith.constant 80 : index
            %swap3A_670 = tpu.vector_load %arg13[%swap3A_668, %swap3A_669] {strides = array<i32>} : memref<128x128xi32, #tpu.memory_space<vmem>>, vector<16xi32>,
            tpu.vector_store %arg13[%swap3A_668, %swap3A_669], %select_n3A_667 {strides = array<i32>} : memref<128x128xi32, #tpu.memory_space<vmem>>, vector<16xi32>,
            %add3A_671 = arith.constant 80 : i32
            %add3A_672 = vector.broadcast %add3A_671 : i32 to vector<16xi32>
            %add3A_673 = arith.addi %add3A_672, %iota3A : vector<16xi32>
            tpu.vector_store_idx %arg14[%add3A_673, %broadcast_in_dim3A], %select_n3A_667 : memref<128x128xi32, #tpu.memory_space<vmem>>[vector<16xi32>, vector<16xi32>], vector<16xi32>,
            %add3A_674 = arith.constant 9.600000e+01 : f32
            %add3A_675 = arith.addf %convert_element_type3A_519, %add3A_674 : f32
            %add3A_676 = vector.broadcast %add3A_675 : f32 to vector<16xf32>
            %add3A_677 = arith.addf %add3A_676, %convert_element_type3A : vector<16xf32>
            %get3A_678 = arith.index_cast %scan3A_533 : i32 to index
            %get3A_679 = arith.constant 96 : index
            %get3A_680 = tpu.vector_load %arg12[%get3A_678, %get3A_679] {strides = array<i32>} : memref<128x128xf32, #tpu.memory_space<vmem>>, vector<16xf32>,
            %le3A_681 = vector.broadcast %select_n3A_538 : f32 to vector<16xf32>
            %le3A_682 = arith.cmpf ole, %get3A_680, %le3A_681 : vector<16xf32>
            %lt3A_683 = vector.broadcast %select_n3A_304 : f32 to vector<16xf32>
            %lt3A_684 = arith.cmpf olt, %add3A_677, %lt3A_683 : vector<16xf32>
            %and3A_685 = arith.andi %le3A_682, %lt3A_684 : vector<16xi1>
            %jit3A_686 = arith.constant 1 : i32
            %jit3A_687 = arith.constant 0 : i32
            %broadcast_in_dim3A_688 = vector.broadcast %jit3A_686 : i32 to vector<16xi32>
            %broadcast_in_dim3A_689 = vector.broadcast %jit3A_687 : i32 to vector<16xi32>
            %select_n3A_690 = arith.select %and3A_685, %broadcast_in_dim3A_688, %broadcast_in_dim3A_689 : vector<16xi1>, vector<16xi32>
            %swap3A_691 = arith.index_cast %scan3A_533 : i32 to index
            %swap3A_692 = arith.constant 96 : index
            %swap3A_693 = tpu.vector_load %arg13[%swap3A_691, %swap3A_692] {strides = array<i32>} : memref<128x128xi32, #tpu.memory_space<vmem>>, vector<16xi32>,
            tpu.vector_store %arg13[%swap3A_691, %swap3A_692], %select_n3A_690 {strides = array<i32>} : memref<128x128xi32, #tpu.memory_space<vmem>>, vector<16xi32>,
            %add3A_694 = arith.constant 96 : i32
            %add3A_695 = vector.broadcast %add3A_694 : i32 to vector<16xi32>
            %add3A_696 = arith.addi %add3A_695, %iota3A : vector<16xi32>
            tpu.vector_store_idx %arg14[%add3A_696, %broadcast_in_dim3A], %select_n3A_690 : memref<128x128xi32, #tpu.memory_space<vmem>>[vector<16xi32>, vector<16xi32>], vector<16xi32>,
            %add3A_697 = arith.constant 1.120000e+02 : f32
            %add3A_698 = arith.addf %convert_element_type3A_519, %add3A_697 : f32
            %add3A_699 = vector.broadcast %add3A_698 : f32 to vector<16xf32>
            %add3A_700 = arith.addf %add3A_699, %convert_element_type3A : vector<16xf32>
            %get3A_701 = arith.index_cast %scan3A_533 : i32 to index
            %get3A_702 = arith.constant 112 : index
            %get3A_703 = tpu.vector_load %arg12[%get3A_701, %get3A_702] {strides = array<i32>} : memref<128x128xf32, #tpu.memory_space<vmem>>, vector<16xf32>,
            %le3A_704 = vector.broadcast %select_n3A_538 : f32 to vector<16xf32>
            %le3A_705 = arith.cmpf ole, %get3A_703, %le3A_704 : vector<16xf32>
            %lt3A_706 = vector.broadcast %select_n3A_304 : f32 to vector<16xf32>
            %lt3A_707 = arith.cmpf olt, %add3A_700, %lt3A_706 : vector<16xf32>
            %and3A_708 = arith.andi %le3A_705, %lt3A_707 : vector<16xi1>
            %jit3A_709 = arith.constant 1 : i32
            %jit3A_710 = arith.constant 0 : i32
            %broadcast_in_dim3A_711 = vector.broadcast %jit3A_709 : i32 to vector<16xi32>
            %broadcast_in_dim3A_712 = vector.broadcast %jit3A_710 : i32 to vector<16xi32>
            %select_n3A_713 = arith.select %and3A_708, %broadcast_in_dim3A_711, %broadcast_in_dim3A_712 : vector<16xi1>, vector<16xi32>
            %swap3A_714 = arith.index_cast %scan3A_533 : i32 to index
            %swap3A_715 = arith.constant 112 : index
            %swap3A_716 = tpu.vector_load %arg13[%swap3A_714, %swap3A_715] {strides = array<i32>} : memref<128x128xi32, #tpu.memory_space<vmem>>, vector<16xi32>,
            tpu.vector_store %arg13[%swap3A_714, %swap3A_715], %select_n3A_713 {strides = array<i32>} : memref<128x128xi32, #tpu.memory_space<vmem>>, vector<16xi32>,
            %add3A_717 = arith.constant 112 : i32
            %add3A_718 = vector.broadcast %add3A_717 : i32 to vector<16xi32>
            %add3A_719 = arith.addi %add3A_718, %iota3A : vector<16xi32>
            tpu.vector_store_idx %arg14[%add3A_719, %broadcast_in_dim3A], %select_n3A_713 : memref<128x128xi32, #tpu.memory_space<vmem>>[vector<16xi32>, vector<16xi32>], vector<16xi32>,
            %scan3A_720 = arith.constant 1 : i32
            %scan3A_721 = arith.addi %scan3A_533, %scan3A_720 : i32
            %convert_element_type3A_722 = arith.sitofp %scan3A_721 : i32 to f32
            %add3A_723 = arith.addf %convert_element_type3A_518, %convert_element_type3A_722 : f32
            %lt3A_724 = arith.cmpf olt, %add3A_723, %select_n3A_304 : f32
            %jit3A_725 = arith.constant -1.000000e+00 : f32
            %select_n3A_726 = arith.select %lt3A_724, %select_n3A_309, %jit3A_725 : f32
            %broadcast_in_dim3A_727 = vector.broadcast %scan3A_721 : i32 to vector<16xi32>
            %add3A_728 = arith.constant 0.000000e+00 : f32
            %add3A_729 = arith.addf %convert_element_type3A_519, %add3A_728 : f32
            %add3A_730 = vector.broadcast %add3A_729 : f32 to vector<16xf32>
            %add3A_731 = arith.addf %add3A_730, %convert_element_type3A : vector<16xf32>
            %get3A_732 = arith.index_cast %scan3A_721 : i32 to index
            %get3A_733 = arith.constant 0 : index
            %get3A_734 = tpu.vector_load %arg12[%get3A_732, %get3A_733] {strides = array<i32>} : memref<128x128xf32, #tpu.memory_space<vmem>>, vector<16xf32>,
            %le3A_735 = vector.broadcast %select_n3A_726 : f32 to vector<16xf32>
            %le3A_736 = arith.cmpf ole, %get3A_734, %le3A_735 : vector<16xf32>
            %lt3A_737 = vector.broadcast %select_n3A_304 : f32 to vector<16xf32>
            %lt3A_738 = arith.cmpf olt, %add3A_731, %lt3A_737 : vector<16xf32>
            %and3A_739 = arith.andi %le3A_736, %lt3A_738 : vector<16xi1>
            %jit3A_740 = arith.constant 1 : i32
            %jit3A_741 = arith.constant 0 : i32
            %broadcast_in_dim3A_742 = vector.broadcast %jit3A_740 : i32 to vector<16xi32>
            %broadcast_in_dim3A_743 = vector.broadcast %jit3A_741 : i32 to vector<16xi32>
            %select_n3A_744 = arith.select %and3A_739, %broadcast_in_dim3A_742, %broadcast_in_dim3A_743 : vector<16xi1>, vector<16xi32>
            %swap3A_745 = arith.index_cast %scan3A_721 : i32 to index
            %swap3A_746 = arith.constant 0 : index
            %swap3A_747 = tpu.vector_load %arg13[%swap3A_745, %swap3A_746] {strides = array<i32>} : memref<128x128xi32, #tpu.memory_space<vmem>>, vector<16xi32>,
            tpu.vector_store %arg13[%swap3A_745, %swap3A_746], %select_n3A_744 {strides = array<i32>} : memref<128x128xi32, #tpu.memory_space<vmem>>, vector<16xi32>,
            %add3A_748 = arith.constant 0 : i32
            %add3A_749 = vector.broadcast %add3A_748 : i32 to vector<16xi32>
            %add3A_750 = arith.addi %add3A_749, %iota3A : vector<16xi32>
            tpu.vector_store_idx %arg14[%add3A_750, %broadcast_in_dim3A_727], %select_n3A_744 : memref<128x128xi32, #tpu.memory_space<vmem>>[vector<16xi32>, vector<16xi32>], vector<16xi32>,
            %add3A_751 = arith.constant 1.600000e+01 : f32
            %add3A_752 = arith.addf %convert_element_type3A_519, %add3A_751 : f32
            %add3A_753 = vector.broadcast %add3A_752 : f32 to vector<16xf32>
            %add3A_754 = arith.addf %add3A_753, %convert_element_type3A : vector<16xf32>
            %get3A_755 = arith.index_cast %scan3A_721 : i32 to index
            %get3A_756 = arith.constant 16 : index
            %get3A_757 = tpu.vector_load %arg12[%get3A_755, %get3A_756] {strides = array<i32>} : memref<128x128xf32, #tpu.memory_space<vmem>>, vector<16xf32>,
            %le3A_758 = vector.broadcast %select_n3A_726 : f32 to vector<16xf32>
            %le3A_759 = arith.cmpf ole, %get3A_757, %le3A_758 : vector<16xf32>
            %lt3A_760 = vector.broadcast %select_n3A_304 : f32 to vector<16xf32>
            %lt3A_761 = arith.cmpf olt, %add3A_754, %lt3A_760 : vector<16xf32>
            %and3A_762 = arith.andi %le3A_759, %lt3A_761 : vector<16xi1>
            %jit3A_763 = arith.constant 1 : i32
            %jit3A_764 = arith.constant 0 : i32
            %broadcast_in_dim3A_765 = vector.broadcast %jit3A_763 : i32 to vector<16xi32>
            %broadcast_in_dim3A_766 = vector.broadcast %jit3A_764 : i32 to vector<16xi32>
            %select_n3A_767 = arith.select %and3A_762, %broadcast_in_dim3A_765, %broadcast_in_dim3A_766 : vector<16xi1>, vector<16xi32>
            %swap3A_768 = arith.index_cast %scan3A_721 : i32 to index
            %swap3A_769 = arith.constant 16 : index
            %swap3A_770 = tpu.vector_load %arg13[%swap3A_768, %swap3A_769] {strides = array<i32>} : memref<128x128xi32, #tpu.memory_space<vmem>>, vector<16xi32>,
            tpu.vector_store %arg13[%swap3A_768, %swap3A_769], %select_n3A_767 {strides = array<i32>} : memref<128x128xi32, #tpu.memory_space<vmem>>, vector<16xi32>,
            %add3A_771 = arith.constant 16 : i32
            %add3A_772 = vector.broadcast %add3A_771 : i32 to vector<16xi32>
            %add3A_773 = arith.addi %add3A_772, %iota3A : vector<16xi32>
            tpu.vector_store_idx %arg14[%add3A_773, %broadcast_in_dim3A_727], %select_n3A_767 : memref<128x128xi32, #tpu.memory_space<vmem>>[vector<16xi32>, vector<16xi32>], vector<16xi32>,
            %add3A_774 = arith.constant 3.200000e+01 : f32
            %add3A_775 = arith.addf %convert_element_type3A_519, %add3A_774 : f32
            %add3A_776 = vector.broadcast %add3A_775 : f32 to vector<16xf32>
            %add3A_777 = arith.addf %add3A_776, %convert_element_type3A : vector<16xf32>
            %get3A_778 = arith.index_cast %scan3A_721 : i32 to index
            %get3A_779 = arith.constant 32 : index
            %get3A_780 = tpu.vector_load %arg12[%get3A_778, %get3A_779] {strides = array<i32>} : memref<128x128xf32, #tpu.memory_space<vmem>>, vector<16xf32>,
            %le3A_781 = vector.broadcast %select_n3A_726 : f32 to vector<16xf32>
            %le3A_782 = arith.cmpf ole, %get3A_780, %le3A_781 : vector<16xf32>
            %lt3A_783 = vector.broadcast %select_n3A_304 : f32 to vector<16xf32>
            %lt3A_784 = arith.cmpf olt, %add3A_777, %lt3A_783 : vector<16xf32>
            %and3A_785 = arith.andi %le3A_782, %lt3A_784 : vector<16xi1>
            %jit3A_786 = arith.constant 1 : i32
            %jit3A_787 = arith.constant 0 : i32
            %broadcast_in_dim3A_788 = vector.broadcast %jit3A_786 : i32 to vector<16xi32>
            %broadcast_in_dim3A_789 = vector.broadcast %jit3A_787 : i32 to vector<16xi32>
            %select_n3A_790 = arith.select %and3A_785, %broadcast_in_dim3A_788, %broadcast_in_dim3A_789 : vector<16xi1>, vector<16xi32>
            %swap3A_791 = arith.index_cast %scan3A_721 : i32 to index
            %swap3A_792 = arith.constant 32 : index
            %swap3A_793 = tpu.vector_load %arg13[%swap3A_791, %swap3A_792] {strides = array<i32>} : memref<128x128xi32, #tpu.memory_space<vmem>>, vector<16xi32>,
            tpu.vector_store %arg13[%swap3A_791, %swap3A_792], %select_n3A_790 {strides = array<i32>} : memref<128x128xi32, #tpu.memory_space<vmem>>, vector<16xi32>,
            %add3A_794 = arith.constant 32 : i32
            %add3A_795 = vector.broadcast %add3A_794 : i32 to vector<16xi32>
            %add3A_796 = arith.addi %add3A_795, %iota3A : vector<16xi32>
            tpu.vector_store_idx %arg14[%add3A_796, %broadcast_in_dim3A_727], %select_n3A_790 : memref<128x128xi32, #tpu.memory_space<vmem>>[vector<16xi32>, vector<16xi32>], vector<16xi32>,
            %add3A_797 = arith.constant 4.800000e+01 : f32
            %add3A_798 = arith.addf %convert_element_type3A_519, %add3A_797 : f32
            %add3A_799 = vector.broadcast %add3A_798 : f32 to vector<16xf32>
            %add3A_800 = arith.addf %add3A_799, %convert_element_type3A : vector<16xf32>
            %get3A_801 = arith.index_cast %scan3A_721 : i32 to index
            %get3A_802 = arith.constant 48 : index
            %get3A_803 = tpu.vector_load %arg12[%get3A_801, %get3A_802] {strides = array<i32>} : memref<128x128xf32, #tpu.memory_space<vmem>>, vector<16xf32>,
            %le3A_804 = vector.broadcast %select_n3A_726 : f32 to vector<16xf32>
            %le3A_805 = arith.cmpf ole, %get3A_803, %le3A_804 : vector<16xf32>
            %lt3A_806 = vector.broadcast %select_n3A_304 : f32 to vector<16xf32>
            %lt3A_807 = arith.cmpf olt, %add3A_800, %lt3A_806 : vector<16xf32>
            %and3A_808 = arith.andi %le3A_805, %lt3A_807 : vector<16xi1>
            %jit3A_809 = arith.constant 1 : i32
            %jit3A_810 = arith.constant 0 : i32
            %broadcast_in_dim3A_811 = vector.broadcast %jit3A_809 : i32 to vector<16xi32>
            %broadcast_in_dim3A_812 = vector.broadcast %jit3A_810 : i32 to vector<16xi32>
            %select_n3A_813 = arith.select %and3A_808, %broadcast_in_dim3A_811, %broadcast_in_dim3A_812 : vector<16xi1>, vector<16xi32>
            %swap3A_814 = arith.index_cast %scan3A_721 : i32 to index
            %swap3A_815 = arith.constant 48 : index
            %swap3A_816 = tpu.vector_load %arg13[%swap3A_814, %swap3A_815] {strides = array<i32>} : memref<128x128xi32, #tpu.memory_space<vmem>>, vector<16xi32>,
            tpu.vector_store %arg13[%swap3A_814, %swap3A_815], %select_n3A_813 {strides = array<i32>} : memref<128x128xi32, #tpu.memory_space<vmem>>, vector<16xi32>,
            %add3A_817 = arith.constant 48 : i32
            %add3A_818 = vector.broadcast %add3A_817 : i32 to vector<16xi32>
            %add3A_819 = arith.addi %add3A_818, %iota3A : vector<16xi32>
            tpu.vector_store_idx %arg14[%add3A_819, %broadcast_in_dim3A_727], %select_n3A_813 : memref<128x128xi32, #tpu.memory_space<vmem>>[vector<16xi32>, vector<16xi32>], vector<16xi32>,
            %add3A_820 = arith.constant 6.400000e+01 : f32
            %add3A_821 = arith.addf %convert_element_type3A_519, %add3A_820 : f32
            %add3A_822 = vector.broadcast %add3A_821 : f32 to vector<16xf32>
            %add3A_823 = arith.addf %add3A_822, %convert_element_type3A : vector<16xf32>
            %get3A_824 = arith.index_cast %scan3A_721 : i32 to index
            %get3A_825 = arith.constant 64 : index
            %get3A_826 = tpu.vector_load %arg12[%get3A_824, %get3A_825] {strides = array<i32>} : memref<128x128xf32, #tpu.memory_space<vmem>>, vector<16xf32>,
            %le3A_827 = vector.broadcast %select_n3A_726 : f32 to vector<16xf32>
            %le3A_828 = arith.cmpf ole, %get3A_826, %le3A_827 : vector<16xf32>
            %lt3A_829 = vector.broadcast %select_n3A_304 : f32 to vector<16xf32>
            %lt3A_830 = arith.cmpf olt, %add3A_823, %lt3A_829 : vector<16xf32>
            %and3A_831 = arith.andi %le3A_828, %lt3A_830 : vector<16xi1>
            %jit3A_832 = arith.constant 1 : i32
            %jit3A_833 = arith.constant 0 : i32
            %broadcast_in_dim3A_834 = vector.broadcast %jit3A_832 : i32 to vector<16xi32>
            %broadcast_in_dim3A_835 = vector.broadcast %jit3A_833 : i32 to vector<16xi32>
            %select_n3A_836 = arith.select %and3A_831, %broadcast_in_dim3A_834, %broadcast_in_dim3A_835 : vector<16xi1>, vector<16xi32>
            %swap3A_837 = arith.index_cast %scan3A_721 : i32 to index
            %swap3A_838 = arith.constant 64 : index
            %swap3A_839 = tpu.vector_load %arg13[%swap3A_837, %swap3A_838] {strides = array<i32>} : memref<128x128xi32, #tpu.memory_space<vmem>>, vector<16xi32>,
            tpu.vector_store %arg13[%swap3A_837, %swap3A_838], %select_n3A_836 {strides = array<i32>} : memref<128x128xi32, #tpu.memory_space<vmem>>, vector<16xi32>,
            %add3A_840 = arith.constant 64 : i32
            %add3A_841 = vector.broadcast %add3A_840 : i32 to vector<16xi32>
            %add3A_842 = arith.addi %add3A_841, %iota3A : vector<16xi32>
            tpu.vector_store_idx %arg14[%add3A_842, %broadcast_in_dim3A_727], %select_n3A_836 : memref<128x128xi32, #tpu.memory_space<vmem>>[vector<16xi32>, vector<16xi32>], vector<16xi32>,
            %add3A_843 = arith.constant 8.000000e+01 : f32
            %add3A_844 = arith.addf %convert_element_type3A_519, %add3A_843 : f32
            %add3A_845 = vector.broadcast %add3A_844 : f32 to vector<16xf32>
            %add3A_846 = arith.addf %add3A_845, %convert_element_type3A : vector<16xf32>
            %get3A_847 = arith.index_cast %scan3A_721 : i32 to index
            %get3A_848 = arith.constant 80 : index
            %get3A_849 = tpu.vector_load %arg12[%get3A_847, %get3A_848] {strides = array<i32>} : memref<128x128xf32, #tpu.memory_space<vmem>>, vector<16xf32>,
            %le3A_850 = vector.broadcast %select_n3A_726 : f32 to vector<16xf32>
            %le3A_851 = arith.cmpf ole, %get3A_849, %le3A_850 : vector<16xf32>
            %lt3A_852 = vector.broadcast %select_n3A_304 : f32 to vector<16xf32>
            %lt3A_853 = arith.cmpf olt, %add3A_846, %lt3A_852 : vector<16xf32>
            %and3A_854 = arith.andi %le3A_851, %lt3A_853 : vector<16xi1>
            %jit3A_855 = arith.constant 1 : i32
            %jit3A_856 = arith.constant 0 : i32
            %broadcast_in_dim3A_857 = vector.broadcast %jit3A_855 : i32 to vector<16xi32>
            %broadcast_in_dim3A_858 = vector.broadcast %jit3A_856 : i32 to vector<16xi32>
            %select_n3A_859 = arith.select %and3A_854, %broadcast_in_dim3A_857, %broadcast_in_dim3A_858 : vector<16xi1>, vector<16xi32>
            %swap3A_860 = arith.index_cast %scan3A_721 : i32 to index
            %swap3A_861 = arith.constant 80 : index
            %swap3A_862 = tpu.vector_load %arg13[%swap3A_860, %swap3A_861] {strides = array<i32>} : memref<128x128xi32, #tpu.memory_space<vmem>>, vector<16xi32>,
            tpu.vector_store %arg13[%swap3A_860, %swap3A_861], %select_n3A_859 {strides = array<i32>} : memref<128x128xi32, #tpu.memory_space<vmem>>, vector<16xi32>,
            %add3A_863 = arith.constant 80 : i32
            %add3A_864 = vector.broadcast %add3A_863 : i32 to vector<16xi32>
            %add3A_865 = arith.addi %add3A_864, %iota3A : vector<16xi32>
            tpu.vector_store_idx %arg14[%add3A_865, %broadcast_in_dim3A_727], %select_n3A_859 : memref<128x128xi32, #tpu.memory_space<vmem>>[vector<16xi32>, vector<16xi32>], vector<16xi32>,
            %add3A_866 = arith.constant 9.600000e+01 : f32
            %add3A_867 = arith.addf %convert_element_type3A_519, %add3A_866 : f32
            %add3A_868 = vector.broadcast %add3A_867 : f32 to vector<16xf32>
            %add3A_869 = arith.addf %add3A_868, %convert_element_type3A : vector<16xf32>
            %get3A_870 = arith.index_cast %scan3A_721 : i32 to index
            %get3A_871 = arith.constant 96 : index
            %get3A_872 = tpu.vector_load %arg12[%get3A_870, %get3A_871] {strides = array<i32>} : memref<128x128xf32, #tpu.memory_space<vmem>>, vector<16xf32>,
            %le3A_873 = vector.broadcast %select_n3A_726 : f32 to vector<16xf32>
            %le3A_874 = arith.cmpf ole, %get3A_872, %le3A_873 : vector<16xf32>
            %lt3A_875 = vector.broadcast %select_n3A_304 : f32 to vector<16xf32>
            %lt3A_876 = arith.cmpf olt, %add3A_869, %lt3A_875 : vector<16xf32>
            %and3A_877 = arith.andi %le3A_874, %lt3A_876 : vector<16xi1>
            %jit3A_878 = arith.constant 1 : i32
            %jit3A_879 = arith.constant 0 : i32
            %broadcast_in_dim3A_880 = vector.broadcast %jit3A_878 : i32 to vector<16xi32>
            %broadcast_in_dim3A_881 = vector.broadcast %jit3A_879 : i32 to vector<16xi32>
            %select_n3A_882 = arith.select %and3A_877, %broadcast_in_dim3A_880, %broadcast_in_dim3A_881 : vector<16xi1>, vector<16xi32>
            %swap3A_883 = arith.index_cast %scan3A_721 : i32 to index
            %swap3A_884 = arith.constant 96 : index
            %swap3A_885 = tpu.vector_load %arg13[%swap3A_883, %swap3A_884] {strides = array<i32>} : memref<128x128xi32, #tpu.memory_space<vmem>>, vector<16xi32>,
            tpu.vector_store %arg13[%swap3A_883, %swap3A_884], %select_n3A_882 {strides = array<i32>} : memref<128x128xi32, #tpu.memory_space<vmem>>, vector<16xi32>,
            %add3A_886 = arith.constant 96 : i32
            %add3A_887 = vector.broadcast %add3A_886 : i32 to vector<16xi32>
            %add3A_888 = arith.addi %add3A_887, %iota3A : vector<16xi32>
            tpu.vector_store_idx %arg14[%add3A_888, %broadcast_in_dim3A_727], %select_n3A_882 : memref<128x128xi32, #tpu.memory_space<vmem>>[vector<16xi32>, vector<16xi32>], vector<16xi32>,
            %add3A_889 = arith.constant 1.120000e+02 : f32
            %add3A_890 = arith.addf %convert_element_type3A_519, %add3A_889 : f32
            %add3A_891 = vector.broadcast %add3A_890 : f32 to vector<16xf32>
            %add3A_892 = arith.addf %add3A_891, %convert_element_type3A : vector<16xf32>
            %get3A_893 = arith.index_cast %scan3A_721 : i32 to index
            %get3A_894 = arith.constant 112 : index
            %get3A_895 = tpu.vector_load %arg12[%get3A_893, %get3A_894] {strides = array<i32>} : memref<128x128xf32, #tpu.memory_space<vmem>>, vector<16xf32>,
            %le3A_896 = vector.broadcast %select_n3A_726 : f32 to vector<16xf32>
            %le3A_897 = arith.cmpf ole, %get3A_895, %le3A_896 : vector<16xf32>
            %lt3A_898 = vector.broadcast %select_n3A_304 : f32 to vector<16xf32>
            %lt3A_899 = arith.cmpf olt, %add3A_892, %lt3A_898 : vector<16xf32>
            %and3A_900 = arith.andi %le3A_897, %lt3A_899 : vector<16xi1>
            %jit3A_901 = arith.constant 1 : i32
            %jit3A_902 = arith.constant 0 : i32
            %broadcast_in_dim3A_903 = vector.broadcast %jit3A_901 : i32 to vector<16xi32>
            %broadcast_in_dim3A_904 = vector.broadcast %jit3A_902 : i32 to vector<16xi32>
            %select_n3A_905 = arith.select %and3A_900, %broadcast_in_dim3A_903, %broadcast_in_dim3A_904 : vector<16xi1>, vector<16xi32>
            %swap3A_906 = arith.index_cast %scan3A_721 : i32 to index
            %swap3A_907 = arith.constant 112 : index
            %swap3A_908 = tpu.vector_load %arg13[%swap3A_906, %swap3A_907] {strides = array<i32>} : memref<128x128xi32, #tpu.memory_space<vmem>>, vector<16xi32>,
            tpu.vector_store %arg13[%swap3A_906, %swap3A_907], %select_n3A_905 {strides = array<i32>} : memref<128x128xi32, #tpu.memory_space<vmem>>, vector<16xi32>,
            %add3A_909 = arith.constant 112 : i32
            %add3A_910 = vector.broadcast %add3A_909 : i32 to vector<16xi32>
            %add3A_911 = arith.addi %add3A_910, %iota3A : vector<16xi32>
            tpu.vector_store_idx %arg14[%add3A_911, %broadcast_in_dim3A_727], %select_n3A_905 : memref<128x128xi32, #tpu.memory_space<vmem>>[vector<16xi32>, vector<16xi32>], vector<16xi32>,
            %scan3A_912 = arith.constant 2 : i32
            %scan3A_913 = arith.addi %scan3A_533, %scan3A_912 : i32
            %convert_element_type3A_914 = arith.sitofp %scan3A_913 : i32 to f32
            %add3A_915 = arith.addf %convert_element_type3A_518, %convert_element_type3A_914 : f32
            %lt3A_916 = arith.cmpf olt, %add3A_915, %select_n3A_304 : f32
            %jit3A_917 = arith.constant -1.000000e+00 : f32
            %select_n3A_918 = arith.select %lt3A_916, %select_n3A_309, %jit3A_917 : f32
            %broadcast_in_dim3A_919 = vector.broadcast %scan3A_913 : i32 to vector<16xi32>
            %add3A_920 = arith.constant 0.000000e+00 : f32
            %add3A_921 = arith.addf %convert_element_type3A_519, %add3A_920 : f32
            %add3A_922 = vector.broadcast %add3A_921 : f32 to vector<16xf32>
            %add3A_923 = arith.addf %add3A_922, %convert_element_type3A : vector<16xf32>
            %get3A_924 = arith.index_cast %scan3A_913 : i32 to index
            %get3A_925 = arith.constant 0 : index
            %get3A_926 = tpu.vector_load %arg12[%get3A_924, %get3A_925] {strides = array<i32>} : memref<128x128xf32, #tpu.memory_space<vmem>>, vector<16xf32>,
            %le3A_927 = vector.broadcast %select_n3A_918 : f32 to vector<16xf32>
            %le3A_928 = arith.cmpf ole, %get3A_926, %le3A_927 : vector<16xf32>
            %lt3A_929 = vector.broadcast %select_n3A_304 : f32 to vector<16xf32>
            %lt3A_930 = arith.cmpf olt, %add3A_923, %lt3A_929 : vector<16xf32>
            %and3A_931 = arith.andi %le3A_928, %lt3A_930 : vector<16xi1>
            %jit3A_932 = arith.constant 1 : i32
            %jit3A_933 = arith.constant 0 : i32
            %broadcast_in_dim3A_934 = vector.broadcast %jit3A_932 : i32 to vector<16xi32>
            %broadcast_in_dim3A_935 = vector.broadcast %jit3A_933 : i32 to vector<16xi32>
            %select_n3A_936 = arith.select %and3A_931, %broadcast_in_dim3A_934, %broadcast_in_dim3A_935 : vector<16xi1>, vector<16xi32>
            %swap3A_937 = arith.index_cast %scan3A_913 : i32 to index
            %swap3A_938 = arith.constant 0 : index
            %swap3A_939 = tpu.vector_load %arg13[%swap3A_937, %swap3A_938] {strides = array<i32>} : memref<128x128xi32, #tpu.memory_space<vmem>>, vector<16xi32>,
            tpu.vector_store %arg13[%swap3A_937, %swap3A_938], %select_n3A_936 {strides = array<i32>} : memref<128x128xi32, #tpu.memory_space<vmem>>, vector<16xi32>,
            %add3A_940 = arith.constant 0 : i32
            %add3A_941 = vector.broadcast %add3A_940 : i32 to vector<16xi32>
            %add3A_942 = arith.addi %add3A_941, %iota3A : vector<16xi32>
            tpu.vector_store_idx %arg14[%add3A_942, %broadcast_in_dim3A_919], %select_n3A_936 : memref<128x128xi32, #tpu.memory_space<vmem>>[vector<16xi32>, vector<16xi32>], vector<16xi32>,
            %add3A_943 = arith.constant 1.600000e+01 : f32
            %add3A_944 = arith.addf %convert_element_type3A_519, %add3A_943 : f32
            %add3A_945 = vector.broadcast %add3A_944 : f32 to vector<16xf32>
            %add3A_946 = arith.addf %add3A_945, %convert_element_type3A : vector<16xf32>
            %get3A_947 = arith.index_cast %scan3A_913 : i32 to index
            %get3A_948 = arith.constant 16 : index
            %get3A_949 = tpu.vector_load %arg12[%get3A_947, %get3A_948] {strides = array<i32>} : memref<128x128xf32, #tpu.memory_space<vmem>>, vector<16xf32>,
            %le3A_950 = vector.broadcast %select_n3A_918 : f32 to vector<16xf32>
            %le3A_951 = arith.cmpf ole, %get3A_949, %le3A_950 : vector<16xf32>
            %lt3A_952 = vector.broadcast %select_n3A_304 : f32 to vector<16xf32>
            %lt3A_953 = arith.cmpf olt, %add3A_946, %lt3A_952 : vector<16xf32>
            %and3A_954 = arith.andi %le3A_951, %lt3A_953 : vector<16xi1>
            %jit3A_955 = arith.constant 1 : i32
            %jit3A_956 = arith.constant 0 : i32
            %broadcast_in_dim3A_957 = vector.broadcast %jit3A_955 : i32 to vector<16xi32>
            %broadcast_in_dim3A_958 = vector.broadcast %jit3A_956 : i32 to vector<16xi32>
            %select_n3A_959 = arith.select %and3A_954, %broadcast_in_dim3A_957, %broadcast_in_dim3A_958 : vector<16xi1>, vector<16xi32>
            %swap3A_960 = arith.index_cast %scan3A_913 : i32 to index
            %swap3A_961 = arith.constant 16 : index
            %swap3A_962 = tpu.vector_load %arg13[%swap3A_960, %swap3A_961] {strides = array<i32>} : memref<128x128xi32, #tpu.memory_space<vmem>>, vector<16xi32>,
            tpu.vector_store %arg13[%swap3A_960, %swap3A_961], %select_n3A_959 {strides = array<i32>} : memref<128x128xi32, #tpu.memory_space<vmem>>, vector<16xi32>,
            %add3A_963 = arith.constant 16 : i32
            %add3A_964 = vector.broadcast %add3A_963 : i32 to vector<16xi32>
            %add3A_965 = arith.addi %add3A_964, %iota3A : vector<16xi32>
            tpu.vector_store_idx %arg14[%add3A_965, %broadcast_in_dim3A_919], %select_n3A_959 : memref<128x128xi32, #tpu.memory_space<vmem>>[vector<16xi32>, vector<16xi32>], vector<16xi32>,
            %add3A_966 = arith.constant 3.200000e+01 : f32
            %add3A_967 = arith.addf %convert_element_type3A_519, %add3A_966 : f32
            %add3A_968 = vector.broadcast %add3A_967 : f32 to vector<16xf32>
            %add3A_969 = arith.addf %add3A_968, %convert_element_type3A : vector<16xf32>
            %get3A_970 = arith.index_cast %scan3A_913 : i32 to index
            %get3A_971 = arith.constant 32 : index
            %get3A_972 = tpu.vector_load %arg12[%get3A_970, %get3A_971] {strides = array<i32>} : memref<128x128xf32, #tpu.memory_space<vmem>>, vector<16xf32>,
            %le3A_973 = vector.broadcast %select_n3A_918 : f32 to vector<16xf32>
            %le3A_974 = arith.cmpf ole, %get3A_972, %le3A_973 : vector<16xf32>
            %lt3A_975 = vector.broadcast %select_n3A_304 : f32 to vector<16xf32>
            %lt3A_976 = arith.cmpf olt, %add3A_969, %lt3A_975 : vector<16xf32>
            %and3A_977 = arith.andi %le3A_974, %lt3A_976 : vector<16xi1>
            %jit3A_978 = arith.constant 1 : i32
            %jit3A_979 = arith.constant 0 : i32
            %broadcast_in_dim3A_980 = vector.broadcast %jit3A_978 : i32 to vector<16xi32>
            %broadcast_in_dim3A_981 = vector.broadcast %jit3A_979 : i32 to vector<16xi32>
            %select_n3A_982 = arith.select %and3A_977, %broadcast_in_dim3A_980, %broadcast_in_dim3A_981 : vector<16xi1>, vector<16xi32>
            %swap3A_983 = arith.index_cast %scan3A_913 : i32 to index
            %swap3A_984 = arith.constant 32 : index
            %swap3A_985 = tpu.vector_load %arg13[%swap3A_983, %swap3A_984] {strides = array<i32>} : memref<128x128xi32, #tpu.memory_space<vmem>>, vector<16xi32>,
            tpu.vector_store %arg13[%swap3A_983, %swap3A_984], %select_n3A_982 {strides = array<i32>} : memref<128x128xi32, #tpu.memory_space<vmem>>, vector<16xi32>,
            %add3A_986 = arith.constant 32 : i32
            %add3A_987 = vector.broadcast %add3A_986 : i32 to vector<16xi32>
            %add3A_988 = arith.addi %add3A_987, %iota3A : vector<16xi32>
            tpu.vector_store_idx %arg14[%add3A_988, %broadcast_in_dim3A_919], %select_n3A_982 : memref<128x128xi32, #tpu.memory_space<vmem>>[vector<16xi32>, vector<16xi32>], vector<16xi32>,
            %add3A_989 = arith.constant 4.800000e+01 : f32
            %add3A_990 = arith.addf %convert_element_type3A_519, %add3A_989 : f32
            %add3A_991 = vector.broadcast %add3A_990 : f32 to vector<16xf32>
            %add3A_992 = arith.addf %add3A_991, %convert_element_type3A : vector<16xf32>
            %get3A_993 = arith.index_cast %scan3A_913 : i32 to index
            %get3A_994 = arith.constant 48 : index
            %get3A_995 = tpu.vector_load %arg12[%get3A_993, %get3A_994] {strides = array<i32>} : memref<128x128xf32, #tpu.memory_space<vmem>>, vector<16xf32>,
            %le3A_996 = vector.broadcast %select_n3A_918 : f32 to vector<16xf32>
            %le3A_997 = arith.cmpf ole, %get3A_995, %le3A_996 : vector<16xf32>
            %lt3A_998 = vector.broadcast %select_n3A_304 : f32 to vector<16xf32>
            %lt3A_999 = arith.cmpf olt, %add3A_992, %lt3A_998 : vector<16xf32>
            %and3A_1000 = arith.andi %le3A_997, %lt3A_999 : vector<16xi1>
            %jit3A_1001 = arith.constant 1 : i32
            %jit3A_1002 = arith.constant 0 : i32
            %broadcast_in_dim3A_1003 = vector.broadcast %jit3A_1001 : i32 to vector<16xi32>
            %broadcast_in_dim3A_1004 = vector.broadcast %jit3A_1002 : i32 to vector<16xi32>
            %select_n3A_1005 = arith.select %and3A_1000, %broadcast_in_dim3A_1003, %broadcast_in_dim3A_1004 : vector<16xi1>, vector<16xi32>
            %swap3A_1006 = arith.index_cast %scan3A_913 : i32 to index
            %swap3A_1007 = arith.constant 48 : index
            %swap3A_1008 = tpu.vector_load %arg13[%swap3A_1006, %swap3A_1007] {strides = array<i32>} : memref<128x128xi32, #tpu.memory_space<vmem>>, vector<16xi32>,
            tpu.vector_store %arg13[%swap3A_1006, %swap3A_1007], %select_n3A_1005 {strides = array<i32>} : memref<128x128xi32, #tpu.memory_space<vmem>>, vector<16xi32>,
            %add3A_1009 = arith.constant 48 : i32
            %add3A_1010 = vector.broadcast %add3A_1009 : i32 to vector<16xi32>
            %add3A_1011 = arith.addi %add3A_1010, %iota3A : vector<16xi32>
            tpu.vector_store_idx %arg14[%add3A_1011, %broadcast_in_dim3A_919], %select_n3A_1005 : memref<128x128xi32, #tpu.memory_space<vmem>>[vector<16xi32>, vector<16xi32>], vector<16xi32>,
            %add3A_1012 = arith.constant 6.400000e+01 : f32
            %add3A_1013 = arith.addf %convert_element_type3A_519, %add3A_1012 : f32
            %add3A_1014 = vector.broadcast %add3A_1013 : f32 to vector<16xf32>
            %add3A_1015 = arith.addf %add3A_1014, %convert_element_type3A : vector<16xf32>
            %get3A_1016 = arith.index_cast %scan3A_913 : i32 to index
            %get3A_1017 = arith.constant 64 : index
            %get3A_1018 = tpu.vector_load %arg12[%get3A_1016, %get3A_1017] {strides = array<i32>} : memref<128x128xf32, #tpu.memory_space<vmem>>, vector<16xf32>,
            %le3A_1019 = vector.broadcast %select_n3A_918 : f32 to vector<16xf32>
            %le3A_1020 = arith.cmpf ole, %get3A_1018, %le3A_1019 : vector<16xf32>
            %lt3A_1021 = vector.broadcast %select_n3A_304 : f32 to vector<16xf32>
            %lt3A_1022 = arith.cmpf olt, %add3A_1015, %lt3A_1021 : vector<16xf32>
            %and3A_1023 = arith.andi %le3A_1020, %lt3A_1022 : vector<16xi1>
            %jit3A_1024 = arith.constant 1 : i32
            %jit3A_1025 = arith.constant 0 : i32
            %broadcast_in_dim3A_1026 = vector.broadcast %jit3A_1024 : i32 to vector<16xi32>
            %broadcast_in_dim3A_1027 = vector.broadcast %jit3A_1025 : i32 to vector<16xi32>
            %select_n3A_1028 = arith.select %and3A_1023, %broadcast_in_dim3A_1026, %broadcast_in_dim3A_1027 : vector<16xi1>, vector<16xi32>
            %swap3A_1029 = arith.index_cast %scan3A_913 : i32 to index
            %swap3A_1030 = arith.constant 64 : index
            %swap3A_1031 = tpu.vector_load %arg13[%swap3A_1029, %swap3A_1030] {strides = array<i32>} : memref<128x128xi32, #tpu.memory_space<vmem>>, vector<16xi32>,
            tpu.vector_store %arg13[%swap3A_1029, %swap3A_1030], %select_n3A_1028 {strides = array<i32>} : memref<128x128xi32, #tpu.memory_space<vmem>>, vector<16xi32>,
            %add3A_1032 = arith.constant 64 : i32
            %add3A_1033 = vector.broadcast %add3A_1032 : i32 to vector<16xi32>
            %add3A_1034 = arith.addi %add3A_1033, %iota3A : vector<16xi32>
            tpu.vector_store_idx %arg14[%add3A_1034, %broadcast_in_dim3A_919], %select_n3A_1028 : memref<128x128xi32, #tpu.memory_space<vmem>>[vector<16xi32>, vector<16xi32>], vector<16xi32>,
            %add3A_1035 = arith.constant 8.000000e+01 : f32
            %add3A_1036 = arith.addf %convert_element_type3A_519, %add3A_1035 : f32
            %add3A_1037 = vector.broadcast %add3A_1036 : f32 to vector<16xf32>
            %add3A_1038 = arith.addf %add3A_1037, %convert_element_type3A : vector<16xf32>
            %get3A_1039 = arith.index_cast %scan3A_913 : i32 to index
            %get3A_1040 = arith.constant 80 : index
            %get3A_1041 = tpu.vector_load %arg12[%get3A_1039, %get3A_1040] {strides = array<i32>} : memref<128x128xf32, #tpu.memory_space<vmem>>, vector<16xf32>,
            %le3A_1042 = vector.broadcast %select_n3A_918 : f32 to vector<16xf32>
            %le3A_1043 = arith.cmpf ole, %get3A_1041, %le3A_1042 : vector<16xf32>
            %lt3A_1044 = vector.broadcast %select_n3A_304 : f32 to vector<16xf32>
            %lt3A_1045 = arith.cmpf olt, %add3A_1038, %lt3A_1044 : vector<16xf32>
            %and3A_1046 = arith.andi %le3A_1043, %lt3A_1045 : vector<16xi1>
            %jit3A_1047 = arith.constant 1 : i32
            %jit3A_1048 = arith.constant 0 : i32
            %broadcast_in_dim3A_1049 = vector.broadcast %jit3A_1047 : i32 to vector<16xi32>
            %broadcast_in_dim3A_1050 = vector.broadcast %jit3A_1048 : i32 to vector<16xi32>
            %select_n3A_1051 = arith.select %and3A_1046, %broadcast_in_dim3A_1049, %broadcast_in_dim3A_1050 : vector<16xi1>, vector<16xi32>
            %swap3A_1052 = arith.index_cast %scan3A_913 : i32 to index
            %swap3A_1053 = arith.constant 80 : index
            %swap3A_1054 = tpu.vector_load %arg13[%swap3A_1052, %swap3A_1053] {strides = array<i32>} : memref<128x128xi32, #tpu.memory_space<vmem>>, vector<16xi32>,
            tpu.vector_store %arg13[%swap3A_1052, %swap3A_1053], %select_n3A_1051 {strides = array<i32>} : memref<128x128xi32, #tpu.memory_space<vmem>>, vector<16xi32>,
            %add3A_1055 = arith.constant 80 : i32
            %add3A_1056 = vector.broadcast %add3A_1055 : i32 to vector<16xi32>
            %add3A_1057 = arith.addi %add3A_1056, %iota3A : vector<16xi32>
            tpu.vector_store_idx %arg14[%add3A_1057, %broadcast_in_dim3A_919], %select_n3A_1051 : memref<128x128xi32, #tpu.memory_space<vmem>>[vector<16xi32>, vector<16xi32>], vector<16xi32>,
            %add3A_1058 = arith.constant 9.600000e+01 : f32
            %add3A_1059 = arith.addf %convert_element_type3A_519, %add3A_1058 : f32
            %add3A_1060 = vector.broadcast %add3A_1059 : f32 to vector<16xf32>
            %add3A_1061 = arith.addf %add3A_1060, %convert_element_type3A : vector<16xf32>
            %get3A_1062 = arith.index_cast %scan3A_913 : i32 to index
            %get3A_1063 = arith.constant 96 : index
            %get3A_1064 = tpu.vector_load %arg12[%get3A_1062, %get3A_1063] {strides = array<i32>} : memref<128x128xf32, #tpu.memory_space<vmem>>, vector<16xf32>,
            %le3A_1065 = vector.broadcast %select_n3A_918 : f32 to vector<16xf32>
            %le3A_1066 = arith.cmpf ole, %get3A_1064, %le3A_1065 : vector<16xf32>
            %lt3A_1067 = vector.broadcast %select_n3A_304 : f32 to vector<16xf32>
            %lt3A_1068 = arith.cmpf olt, %add3A_1061, %lt3A_1067 : vector<16xf32>
            %and3A_1069 = arith.andi %le3A_1066, %lt3A_1068 : vector<16xi1>
            %jit3A_1070 = arith.constant 1 : i32
            %jit3A_1071 = arith.constant 0 : i32
            %broadcast_in_dim3A_1072 = vector.broadcast %jit3A_1070 : i32 to vector<16xi32>
            %broadcast_in_dim3A_1073 = vector.broadcast %jit3A_1071 : i32 to vector<16xi32>
            %select_n3A_1074 = arith.select %and3A_1069, %broadcast_in_dim3A_1072, %broadcast_in_dim3A_1073 : vector<16xi1>, vector<16xi32>
            %swap3A_1075 = arith.index_cast %scan3A_913 : i32 to index
            %swap3A_1076 = arith.constant 96 : index
            %swap3A_1077 = tpu.vector_load %arg13[%swap3A_1075, %swap3A_1076] {strides = array<i32>} : memref<128x128xi32, #tpu.memory_space<vmem>>, vector<16xi32>,
            tpu.vector_store %arg13[%swap3A_1075, %swap3A_1076], %select_n3A_1074 {strides = array<i32>} : memref<128x128xi32, #tpu.memory_space<vmem>>, vector<16xi32>,
            %add3A_1078 = arith.constant 96 : i32
            %add3A_1079 = vector.broadcast %add3A_1078 : i32 to vector<16xi32>
            %add3A_1080 = arith.addi %add3A_1079, %iota3A : vector<16xi32>
            tpu.vector_store_idx %arg14[%add3A_1080, %broadcast_in_dim3A_919], %select_n3A_1074 : memref<128x128xi32, #tpu.memory_space<vmem>>[vector<16xi32>, vector<16xi32>], vector<16xi32>,
            %add3A_1081 = arith.constant 1.120000e+02 : f32
            %add3A_1082 = arith.addf %convert_element_type3A_519, %add3A_1081 : f32
            %add3A_1083 = vector.broadcast %add3A_1082 : f32 to vector<16xf32>
            %add3A_1084 = arith.addf %add3A_1083, %convert_element_type3A : vector<16xf32>
            %get3A_1085 = arith.index_cast %scan3A_913 : i32 to index
            %get3A_1086 = arith.constant 112 : index
            %get3A_1087 = tpu.vector_load %arg12[%get3A_1085, %get3A_1086] {strides = array<i32>} : memref<128x128xf32, #tpu.memory_space<vmem>>, vector<16xf32>,
            %le3A_1088 = vector.broadcast %select_n3A_918 : f32 to vector<16xf32>
            %le3A_1089 = arith.cmpf ole, %get3A_1087, %le3A_1088 : vector<16xf32>
            %lt3A_1090 = vector.broadcast %select_n3A_304 : f32 to vector<16xf32>
            %lt3A_1091 = arith.cmpf olt, %add3A_1084, %lt3A_1090 : vector<16xf32>
            %and3A_1092 = arith.andi %le3A_1089, %lt3A_1091 : vector<16xi1>
            %jit3A_1093 = arith.constant 1 : i32
            %jit3A_1094 = arith.constant 0 : i32
            %broadcast_in_dim3A_1095 = vector.broadcast %jit3A_1093 : i32 to vector<16xi32>
            %broadcast_in_dim3A_1096 = vector.broadcast %jit3A_1094 : i32 to vector<16xi32>
            %select_n3A_1097 = arith.select %and3A_1092, %broadcast_in_dim3A_1095, %broadcast_in_dim3A_1096 : vector<16xi1>, vector<16xi32>
            %swap3A_1098 = arith.index_cast %scan3A_913 : i32 to index
            %swap3A_1099 = arith.constant 112 : index
            %swap3A_1100 = tpu.vector_load %arg13[%swap3A_1098, %swap3A_1099] {strides = array<i32>} : memref<128x128xi32, #tpu.memory_space<vmem>>, vector<16xi32>,
            tpu.vector_store %arg13[%swap3A_1098, %swap3A_1099], %select_n3A_1097 {strides = array<i32>} : memref<128x128xi32, #tpu.memory_space<vmem>>, vector<16xi32>,
            %add3A_1101 = arith.constant 112 : i32
            %add3A_1102 = vector.broadcast %add3A_1101 : i32 to vector<16xi32>
            %add3A_1103 = arith.addi %add3A_1102, %iota3A : vector<16xi32>
            tpu.vector_store_idx %arg14[%add3A_1103, %broadcast_in_dim3A_919], %select_n3A_1097 : memref<128x128xi32, #tpu.memory_space<vmem>>[vector<16xi32>, vector<16xi32>], vector<16xi32>,
            %scan3A_1104 = arith.constant 3 : i32
            %scan3A_1105 = arith.addi %scan3A_533, %scan3A_1104 : i32
            %convert_element_type3A_1106 = arith.sitofp %scan3A_1105 : i32 to f32
            %add3A_1107 = arith.addf %convert_element_type3A_518, %convert_element_type3A_1106 : f32
            %lt3A_1108 = arith.cmpf olt, %add3A_1107, %select_n3A_304 : f32
            %jit3A_1109 = arith.constant -1.000000e+00 : f32
            %select_n3A_1110 = arith.select %lt3A_1108, %select_n3A_309, %jit3A_1109 : f32
            %broadcast_in_dim3A_1111 = vector.broadcast %scan3A_1105 : i32 to vector<16xi32>
            %add3A_1112 = arith.constant 0.000000e+00 : f32
            %add3A_1113 = arith.addf %convert_element_type3A_519, %add3A_1112 : f32
            %add3A_1114 = vector.broadcast %add3A_1113 : f32 to vector<16xf32>
            %add3A_1115 = arith.addf %add3A_1114, %convert_element_type3A : vector<16xf32>
            %get3A_1116 = arith.index_cast %scan3A_1105 : i32 to index
            %get3A_1117 = arith.constant 0 : index
            %get3A_1118 = tpu.vector_load %arg12[%get3A_1116, %get3A_1117] {strides = array<i32>} : memref<128x128xf32, #tpu.memory_space<vmem>>, vector<16xf32>,
            %le3A_1119 = vector.broadcast %select_n3A_1110 : f32 to vector<16xf32>
            %le3A_1120 = arith.cmpf ole, %get3A_1118, %le3A_1119 : vector<16xf32>
            %lt3A_1121 = vector.broadcast %select_n3A_304 : f32 to vector<16xf32>
            %lt3A_1122 = arith.cmpf olt, %add3A_1115, %lt3A_1121 : vector<16xf32>
            %and3A_1123 = arith.andi %le3A_1120, %lt3A_1122 : vector<16xi1>
            %jit3A_1124 = arith.constant 1 : i32
            %jit3A_1125 = arith.constant 0 : i32
            %broadcast_in_dim3A_1126 = vector.broadcast %jit3A_1124 : i32 to vector<16xi32>
            %broadcast_in_dim3A_1127 = vector.broadcast %jit3A_1125 : i32 to vector<16xi32>
            %select_n3A_1128 = arith.select %and3A_1123, %broadcast_in_dim3A_1126, %broadcast_in_dim3A_1127 : vector<16xi1>, vector<16xi32>
            %swap3A_1129 = arith.index_cast %scan3A_1105 : i32 to index
            %swap3A_1130 = arith.constant 0 : index
            %swap3A_1131 = tpu.vector_load %arg13[%swap3A_1129, %swap3A_1130] {strides = array<i32>} : memref<128x128xi32, #tpu.memory_space<vmem>>, vector<16xi32>,
            tpu.vector_store %arg13[%swap3A_1129, %swap3A_1130], %select_n3A_1128 {strides = array<i32>} : memref<128x128xi32, #tpu.memory_space<vmem>>, vector<16xi32>,
            %add3A_1132 = arith.constant 0 : i32
            %add3A_1133 = vector.broadcast %add3A_1132 : i32 to vector<16xi32>
            %add3A_1134 = arith.addi %add3A_1133, %iota3A : vector<16xi32>
            tpu.vector_store_idx %arg14[%add3A_1134, %broadcast_in_dim3A_1111], %select_n3A_1128 : memref<128x128xi32, #tpu.memory_space<vmem>>[vector<16xi32>, vector<16xi32>], vector<16xi32>,
            %add3A_1135 = arith.constant 1.600000e+01 : f32
            %add3A_1136 = arith.addf %convert_element_type3A_519, %add3A_1135 : f32
            %add3A_1137 = vector.broadcast %add3A_1136 : f32 to vector<16xf32>
            %add3A_1138 = arith.addf %add3A_1137, %convert_element_type3A : vector<16xf32>
            %get3A_1139 = arith.index_cast %scan3A_1105 : i32 to index
            %get3A_1140 = arith.constant 16 : index
            %get3A_1141 = tpu.vector_load %arg12[%get3A_1139, %get3A_1140] {strides = array<i32>} : memref<128x128xf32, #tpu.memory_space<vmem>>, vector<16xf32>,
            %le3A_1142 = vector.broadcast %select_n3A_1110 : f32 to vector<16xf32>
            %le3A_1143 = arith.cmpf ole, %get3A_1141, %le3A_1142 : vector<16xf32>
            %lt3A_1144 = vector.broadcast %select_n3A_304 : f32 to vector<16xf32>
            %lt3A_1145 = arith.cmpf olt, %add3A_1138, %lt3A_1144 : vector<16xf32>
            %and3A_1146 = arith.andi %le3A_1143, %lt3A_1145 : vector<16xi1>
            %jit3A_1147 = arith.constant 1 : i32
            %jit3A_1148 = arith.constant 0 : i32
            %broadcast_in_dim3A_1149 = vector.broadcast %jit3A_1147 : i32 to vector<16xi32>
            %broadcast_in_dim3A_1150 = vector.broadcast %jit3A_1148 : i32 to vector<16xi32>
            %select_n3A_1151 = arith.select %and3A_1146, %broadcast_in_dim3A_1149, %broadcast_in_dim3A_1150 : vector<16xi1>, vector<16xi32>
            %swap3A_1152 = arith.index_cast %scan3A_1105 : i32 to index
            %swap3A_1153 = arith.constant 16 : index
            %swap3A_1154 = tpu.vector_load %arg13[%swap3A_1152, %swap3A_1153] {strides = array<i32>} : memref<128x128xi32, #tpu.memory_space<vmem>>, vector<16xi32>,
            tpu.vector_store %arg13[%swap3A_1152, %swap3A_1153], %select_n3A_1151 {strides = array<i32>} : memref<128x128xi32, #tpu.memory_space<vmem>>, vector<16xi32>,
            %add3A_1155 = arith.constant 16 : i32
            %add3A_1156 = vector.broadcast %add3A_1155 : i32 to vector<16xi32>
            %add3A_1157 = arith.addi %add3A_1156, %iota3A : vector<16xi32>
            tpu.vector_store_idx %arg14[%add3A_1157, %broadcast_in_dim3A_1111], %select_n3A_1151 : memref<128x128xi32, #tpu.memory_space<vmem>>[vector<16xi32>, vector<16xi32>], vector<16xi32>,
            %add3A_1158 = arith.constant 3.200000e+01 : f32
            %add3A_1159 = arith.addf %convert_element_type3A_519, %add3A_1158 : f32
            %add3A_1160 = vector.broadcast %add3A_1159 : f32 to vector<16xf32>
            %add3A_1161 = arith.addf %add3A_1160, %convert_element_type3A : vector<16xf32>
            %get3A_1162 = arith.index_cast %scan3A_1105 : i32 to index
            %get3A_1163 = arith.constant 32 : index
            %get3A_1164 = tpu.vector_load %arg12[%get3A_1162, %get3A_1163] {strides = array<i32>} : memref<128x128xf32, #tpu.memory_space<vmem>>, vector<16xf32>,
            %le3A_1165 = vector.broadcast %select_n3A_1110 : f32 to vector<16xf32>
            %le3A_1166 = arith.cmpf ole, %get3A_1164, %le3A_1165 : vector<16xf32>
            %lt3A_1167 = vector.broadcast %select_n3A_304 : f32 to vector<16xf32>
            %lt3A_1168 = arith.cmpf olt, %add3A_1161, %lt3A_1167 : vector<16xf32>
            %and3A_1169 = arith.andi %le3A_1166, %lt3A_1168 : vector<16xi1>
            %jit3A_1170 = arith.constant 1 : i32
            %jit3A_1171 = arith.constant 0 : i32
            %broadcast_in_dim3A_1172 = vector.broadcast %jit3A_1170 : i32 to vector<16xi32>
            %broadcast_in_dim3A_1173 = vector.broadcast %jit3A_1171 : i32 to vector<16xi32>
            %select_n3A_1174 = arith.select %and3A_1169, %broadcast_in_dim3A_1172, %broadcast_in_dim3A_1173 : vector<16xi1>, vector<16xi32>
            %swap3A_1175 = arith.index_cast %scan3A_1105 : i32 to index
            %swap3A_1176 = arith.constant 32 : index
            %swap3A_1177 = tpu.vector_load %arg13[%swap3A_1175, %swap3A_1176] {strides = array<i32>} : memref<128x128xi32, #tpu.memory_space<vmem>>, vector<16xi32>,
            tpu.vector_store %arg13[%swap3A_1175, %swap3A_1176], %select_n3A_1174 {strides = array<i32>} : memref<128x128xi32, #tpu.memory_space<vmem>>, vector<16xi32>,
            %add3A_1178 = arith.constant 32 : i32
            %add3A_1179 = vector.broadcast %add3A_1178 : i32 to vector<16xi32>
            %add3A_1180 = arith.addi %add3A_1179, %iota3A : vector<16xi32>
            tpu.vector_store_idx %arg14[%add3A_1180, %broadcast_in_dim3A_1111], %select_n3A_1174 : memref<128x128xi32, #tpu.memory_space<vmem>>[vector<16xi32>, vector<16xi32>], vector<16xi32>,
            %add3A_1181 = arith.constant 4.800000e+01 : f32
            %add3A_1182 = arith.addf %convert_element_type3A_519, %add3A_1181 : f32
            %add3A_1183 = vector.broadcast %add3A_1182 : f32 to vector<16xf32>
            %add3A_1184 = arith.addf %add3A_1183, %convert_element_type3A : vector<16xf32>
            %get3A_1185 = arith.index_cast %scan3A_1105 : i32 to index
            %get3A_1186 = arith.constant 48 : index
            %get3A_1187 = tpu.vector_load %arg12[%get3A_1185, %get3A_1186] {strides = array<i32>} : memref<128x128xf32, #tpu.memory_space<vmem>>, vector<16xf32>,
            %le3A_1188 = vector.broadcast %select_n3A_1110 : f32 to vector<16xf32>
            %le3A_1189 = arith.cmpf ole, %get3A_1187, %le3A_1188 : vector<16xf32>
            %lt3A_1190 = vector.broadcast %select_n3A_304 : f32 to vector<16xf32>
            %lt3A_1191 = arith.cmpf olt, %add3A_1184, %lt3A_1190 : vector<16xf32>
            %and3A_1192 = arith.andi %le3A_1189, %lt3A_1191 : vector<16xi1>
            %jit3A_1193 = arith.constant 1 : i32
            %jit3A_1194 = arith.constant 0 : i32
            %broadcast_in_dim3A_1195 = vector.broadcast %jit3A_1193 : i32 to vector<16xi32>
            %broadcast_in_dim3A_1196 = vector.broadcast %jit3A_1194 : i32 to vector<16xi32>
            %select_n3A_1197 = arith.select %and3A_1192, %broadcast_in_dim3A_1195, %broadcast_in_dim3A_1196 : vector<16xi1>, vector<16xi32>
            %swap3A_1198 = arith.index_cast %scan3A_1105 : i32 to index
            %swap3A_1199 = arith.constant 48 : index
            %swap3A_1200 = tpu.vector_load %arg13[%swap3A_1198, %swap3A_1199] {strides = array<i32>} : memref<128x128xi32, #tpu.memory_space<vmem>>, vector<16xi32>,
            tpu.vector_store %arg13[%swap3A_1198, %swap3A_1199], %select_n3A_1197 {strides = array<i32>} : memref<128x128xi32, #tpu.memory_space<vmem>>, vector<16xi32>,
            %add3A_1201 = arith.constant 48 : i32
            %add3A_1202 = vector.broadcast %add3A_1201 : i32 to vector<16xi32>
            %add3A_1203 = arith.addi %add3A_1202, %iota3A : vector<16xi32>
            tpu.vector_store_idx %arg14[%add3A_1203, %broadcast_in_dim3A_1111], %select_n3A_1197 : memref<128x128xi32, #tpu.memory_space<vmem>>[vector<16xi32>, vector<16xi32>], vector<16xi32>,
            %add3A_1204 = arith.constant 6.400000e+01 : f32
            %add3A_1205 = arith.addf %convert_element_type3A_519, %add3A_1204 : f32
            %add3A_1206 = vector.broadcast %add3A_1205 : f32 to vector<16xf32>
            %add3A_1207 = arith.addf %add3A_1206, %convert_element_type3A : vector<16xf32>
            %get3A_1208 = arith.index_cast %scan3A_1105 : i32 to index
            %get3A_1209 = arith.constant 64 : index
            %get3A_1210 = tpu.vector_load %arg12[%get3A_1208, %get3A_1209] {strides = array<i32>} : memref<128x128xf32, #tpu.memory_space<vmem>>, vector<16xf32>,
            %le3A_1211 = vector.broadcast %select_n3A_1110 : f32 to vector<16xf32>
            %le3A_1212 = arith.cmpf ole, %get3A_1210, %le3A_1211 : vector<16xf32>
            %lt3A_1213 = vector.broadcast %select_n3A_304 : f32 to vector<16xf32>
            %lt3A_1214 = arith.cmpf olt, %add3A_1207, %lt3A_1213 : vector<16xf32>
            %and3A_1215 = arith.andi %le3A_1212, %lt3A_1214 : vector<16xi1>
            %jit3A_1216 = arith.constant 1 : i32
            %jit3A_1217 = arith.constant 0 : i32
            %broadcast_in_dim3A_1218 = vector.broadcast %jit3A_1216 : i32 to vector<16xi32>
            %broadcast_in_dim3A_1219 = vector.broadcast %jit3A_1217 : i32 to vector<16xi32>
            %select_n3A_1220 = arith.select %and3A_1215, %broadcast_in_dim3A_1218, %broadcast_in_dim3A_1219 : vector<16xi1>, vector<16xi32>
            %swap3A_1221 = arith.index_cast %scan3A_1105 : i32 to index
            %swap3A_1222 = arith.constant 64 : index
            %swap3A_1223 = tpu.vector_load %arg13[%swap3A_1221, %swap3A_1222] {strides = array<i32>} : memref<128x128xi32, #tpu.memory_space<vmem>>, vector<16xi32>,
            tpu.vector_store %arg13[%swap3A_1221, %swap3A_1222], %select_n3A_1220 {strides = array<i32>} : memref<128x128xi32, #tpu.memory_space<vmem>>, vector<16xi32>,
            %add3A_1224 = arith.constant 64 : i32
            %add3A_1225 = vector.broadcast %add3A_1224 : i32 to vector<16xi32>
            %add3A_1226 = arith.addi %add3A_1225, %iota3A : vector<16xi32>
            tpu.vector_store_idx %arg14[%add3A_1226, %broadcast_in_dim3A_1111], %select_n3A_1220 : memref<128x128xi32, #tpu.memory_space<vmem>>[vector<16xi32>, vector<16xi32>], vector<16xi32>,
            %add3A_1227 = arith.constant 8.000000e+01 : f32
            %add3A_1228 = arith.addf %convert_element_type3A_519, %add3A_1227 : f32
            %add3A_1229 = vector.broadcast %add3A_1228 : f32 to vector<16xf32>
            %add3A_1230 = arith.addf %add3A_1229, %convert_element_type3A : vector<16xf32>
            %get3A_1231 = arith.index_cast %scan3A_1105 : i32 to index
            %get3A_1232 = arith.constant 80 : index
            %get3A_1233 = tpu.vector_load %arg12[%get3A_1231, %get3A_1232] {strides = array<i32>} : memref<128x128xf32, #tpu.memory_space<vmem>>, vector<16xf32>,
            %le3A_1234 = vector.broadcast %select_n3A_1110 : f32 to vector<16xf32>
            %le3A_1235 = arith.cmpf ole, %get3A_1233, %le3A_1234 : vector<16xf32>
            %lt3A_1236 = vector.broadcast %select_n3A_304 : f32 to vector<16xf32>
            %lt3A_1237 = arith.cmpf olt, %add3A_1230, %lt3A_1236 : vector<16xf32>
            %and3A_1238 = arith.andi %le3A_1235, %lt3A_1237 : vector<16xi1>
            %jit3A_1239 = arith.constant 1 : i32
            %jit3A_1240 = arith.constant 0 : i32
            %broadcast_in_dim3A_1241 = vector.broadcast %jit3A_1239 : i32 to vector<16xi32>
            %broadcast_in_dim3A_1242 = vector.broadcast %jit3A_1240 : i32 to vector<16xi32>
            %select_n3A_1243 = arith.select %and3A_1238, %broadcast_in_dim3A_1241, %broadcast_in_dim3A_1242 : vector<16xi1>, vector<16xi32>
            %swap3A_1244 = arith.index_cast %scan3A_1105 : i32 to index
            %swap3A_1245 = arith.constant 80 : index
            %swap3A_1246 = tpu.vector_load %arg13[%swap3A_1244, %swap3A_1245] {strides = array<i32>} : memref<128x128xi32, #tpu.memory_space<vmem>>, vector<16xi32>,
            tpu.vector_store %arg13[%swap3A_1244, %swap3A_1245], %select_n3A_1243 {strides = array<i32>} : memref<128x128xi32, #tpu.memory_space<vmem>>, vector<16xi32>,
            %add3A_1247 = arith.constant 80 : i32
            %add3A_1248 = vector.broadcast %add3A_1247 : i32 to vector<16xi32>
            %add3A_1249 = arith.addi %add3A_1248, %iota3A : vector<16xi32>
            tpu.vector_store_idx %arg14[%add3A_1249, %broadcast_in_dim3A_1111], %select_n3A_1243 : memref<128x128xi32, #tpu.memory_space<vmem>>[vector<16xi32>, vector<16xi32>], vector<16xi32>,
            %add3A_1250 = arith.constant 9.600000e+01 : f32
            %add3A_1251 = arith.addf %convert_element_type3A_519, %add3A_1250 : f32
            %add3A_1252 = vector.broadcast %add3A_1251 : f32 to vector<16xf32>
            %add3A_1253 = arith.addf %add3A_1252, %convert_element_type3A : vector<16xf32>
            %get3A_1254 = arith.index_cast %scan3A_1105 : i32 to index
            %get3A_1255 = arith.constant 96 : index
            %get3A_1256 = tpu.vector_load %arg12[%get3A_1254, %get3A_1255] {strides = array<i32>} : memref<128x128xf32, #tpu.memory_space<vmem>>, vector<16xf32>,
            %le3A_1257 = vector.broadcast %select_n3A_1110 : f32 to vector<16xf32>
            %le3A_1258 = arith.cmpf ole, %get3A_1256, %le3A_1257 : vector<16xf32>
            %lt3A_1259 = vector.broadcast %select_n3A_304 : f32 to vector<16xf32>
            %lt3A_1260 = arith.cmpf olt, %add3A_1253, %lt3A_1259 : vector<16xf32>
            %and3A_1261 = arith.andi %le3A_1258, %lt3A_1260 : vector<16xi1>
            %jit3A_1262 = arith.constant 1 : i32
            %jit3A_1263 = arith.constant 0 : i32
            %broadcast_in_dim3A_1264 = vector.broadcast %jit3A_1262 : i32 to vector<16xi32>
            %broadcast_in_dim3A_1265 = vector.broadcast %jit3A_1263 : i32 to vector<16xi32>
            %select_n3A_1266 = arith.select %and3A_1261, %broadcast_in_dim3A_1264, %broadcast_in_dim3A_1265 : vector<16xi1>, vector<16xi32>
            %swap3A_1267 = arith.index_cast %scan3A_1105 : i32 to index
            %swap3A_1268 = arith.constant 96 : index
            %swap3A_1269 = tpu.vector_load %arg13[%swap3A_1267, %swap3A_1268] {strides = array<i32>} : memref<128x128xi32, #tpu.memory_space<vmem>>, vector<16xi32>,
            tpu.vector_store %arg13[%swap3A_1267, %swap3A_1268], %select_n3A_1266 {strides = array<i32>} : memref<128x128xi32, #tpu.memory_space<vmem>>, vector<16xi32>,
            %add3A_1270 = arith.constant 96 : i32
            %add3A_1271 = vector.broadcast %add3A_1270 : i32 to vector<16xi32>
            %add3A_1272 = arith.addi %add3A_1271, %iota3A : vector<16xi32>
            tpu.vector_store_idx %arg14[%add3A_1272, %broadcast_in_dim3A_1111], %select_n3A_1266 : memref<128x128xi32, #tpu.memory_space<vmem>>[vector<16xi32>, vector<16xi32>], vector<16xi32>,
            %add3A_1273 = arith.constant 1.120000e+02 : f32
            %add3A_1274 = arith.addf %convert_element_type3A_519, %add3A_1273 : f32
            %add3A_1275 = vector.broadcast %add3A_1274 : f32 to vector<16xf32>
            %add3A_1276 = arith.addf %add3A_1275, %convert_element_type3A : vector<16xf32>
            %get3A_1277 = arith.index_cast %scan3A_1105 : i32 to index
            %get3A_1278 = arith.constant 112 : index
            %get3A_1279 = tpu.vector_load %arg12[%get3A_1277, %get3A_1278] {strides = array<i32>} : memref<128x128xf32, #tpu.memory_space<vmem>>, vector<16xf32>,
            %le3A_1280 = vector.broadcast %select_n3A_1110 : f32 to vector<16xf32>
            %le3A_1281 = arith.cmpf ole, %get3A_1279, %le3A_1280 : vector<16xf32>
            %lt3A_1282 = vector.broadcast %select_n3A_304 : f32 to vector<16xf32>
            %lt3A_1283 = arith.cmpf olt, %add3A_1276, %lt3A_1282 : vector<16xf32>
            %and3A_1284 = arith.andi %le3A_1281, %lt3A_1283 : vector<16xi1>
            %jit3A_1285 = arith.constant 1 : i32
            %jit3A_1286 = arith.constant 0 : i32
            %broadcast_in_dim3A_1287 = vector.broadcast %jit3A_1285 : i32 to vector<16xi32>
            %broadcast_in_dim3A_1288 = vector.broadcast %jit3A_1286 : i32 to vector<16xi32>
            %select_n3A_1289 = arith.select %and3A_1284, %broadcast_in_dim3A_1287, %broadcast_in_dim3A_1288 : vector<16xi1>, vector<16xi32>
            %swap3A_1290 = arith.index_cast %scan3A_1105 : i32 to index
            %swap3A_1291 = arith.constant 112 : index
            %swap3A_1292 = tpu.vector_load %arg13[%swap3A_1290, %swap3A_1291] {strides = array<i32>} : memref<128x128xi32, #tpu.memory_space<vmem>>, vector<16xi32>,
            tpu.vector_store %arg13[%swap3A_1290, %swap3A_1291], %select_n3A_1289 {strides = array<i32>} : memref<128x128xi32, #tpu.memory_space<vmem>>, vector<16xi32>,
            %add3A_1293 = arith.constant 112 : i32
            %add3A_1294 = vector.broadcast %add3A_1293 : i32 to vector<16xi32>
            %add3A_1295 = arith.addi %add3A_1294, %iota3A : vector<16xi32>
            tpu.vector_store_idx %arg14[%add3A_1295, %broadcast_in_dim3A_1111], %select_n3A_1289 : memref<128x128xi32, #tpu.memory_space<vmem>>[vector<16xi32>, vector<16xi32>], vector<16xi32>,
          }
          %scan3A_532 = arith.constant 128 : i32
          "tpu.region"() ({
            %run_scoped3A = tpu.sem_alloc : memref<!tpu.dma_semaphore, #tpu.memory_space<semaphore_mem>>
            %dma_start3A = tpu.memref_slice %arg7[%mul3A_515, %mul3A_517] : memref<4096x4096xi32, #tpu.memory_space<hbm>> -> memref<128x128xi32, #tpu.memory_space<hbm>>
            %dma_start3A_533 = tpu.memref_slice %arg7[%mul3A_515, %mul3A_517] : memref<4096x4096xi32, #tpu.memory_space<hbm>> -> memref<128x128xi32, #tpu.memory_space<hbm>>
            tpu.enqueue_dma source(%arg13 : memref<128x128xi32, #tpu.memory_space<vmem>>) target(%dma_start3A_533 : memref<128x128xi32, #tpu.memory_space<hbm>>) target_semaphore(%run_scoped3A : memref<!tpu.dma_semaphore, #tpu.memory_space<semaphore_mem>>)
            %dma_wait3A = tpu.memref_slice %arg7[%mul3A_515, %mul3A_517] : memref<4096x4096xi32, #tpu.memory_space<hbm>> -> memref<128x128xi32, #tpu.memory_space<hbm>>
            %dma_wait3A_534 = tpu.memref_slice %arg7[%mul3A_515, %mul3A_517] : memref<4096x4096xi32, #tpu.memory_space<hbm>> -> memref<128x128xi32, #tpu.memory_space<hbm>>
            tpu.wait_dma2 semaphore(%run_scoped3A : memref<!tpu.dma_semaphore, #tpu.memory_space<semaphore_mem>>) src(%arg13 : memref<128x128xi32, #tpu.memory_space<vmem>>) dst(%dma_wait3A_534 : memref<128x128xi32, #tpu.memory_space<hbm>>)
            tpu.yield
          }) : () -> ()
          "tpu.region"() ({
            %run_scoped3A = tpu.sem_alloc : memref<!tpu.dma_semaphore, #tpu.memory_space<semaphore_mem>>
            %dma_start3A = tpu.memref_slice %arg7[%mul3A_517, %mul3A_515] : memref<4096x4096xi32, #tpu.memory_space<hbm>> -> memref<128x128xi32, #tpu.memory_space<hbm>>
            %dma_start3A_533 = tpu.memref_slice %arg7[%mul3A_517, %mul3A_515] : memref<4096x4096xi32, #tpu.memory_space<hbm>> -> memref<128x128xi32, #tpu.memory_space<hbm>>
            tpu.enqueue_dma source(%arg14 : memref<128x128xi32, #tpu.memory_space<vmem>>) target(%dma_start3A_533 : memref<128x128xi32, #tpu.memory_space<hbm>>) target_semaphore(%run_scoped3A : memref<!tpu.dma_semaphore, #tpu.memory_space<semaphore_mem>>)
            %dma_wait3A = tpu.memref_slice %arg7[%mul3A_517, %mul3A_515] : memref<4096x4096xi32, #tpu.memory_space<hbm>> -> memref<128x128xi32, #tpu.memory_space<hbm>>
            %dma_wait3A_534 = tpu.memref_slice %arg7[%mul3A_517, %mul3A_515] : memref<4096x4096xi32, #tpu.memory_space<hbm>> -> memref<128x128xi32, #tpu.memory_space<hbm>>
            tpu.wait_dma2 semaphore(%run_scoped3A : memref<!tpu.dma_semaphore, #tpu.memory_space<semaphore_mem>>) src(%arg14 : memref<128x128xi32, #tpu.memory_space<vmem>>) dst(%dma_wait3A_534 : memref<128x128xi32, #tpu.memory_space<hbm>>)
            tpu.yield
          }) : () -> ()
        } else {
        }
        %eq3A_523 = arith.cmpi eq, %add3A_508, %add3A_513 : i32
        %convert_element_type3A_524 = arith.extui %eq3A_523 : i1 to i32
        %cond3A_525 = arith.constant 0 : i32
        %cond3A_526 = arith.cmpi ne, %convert_element_type3A_524, %cond3A_525 : i32
        scf.if %cond3A_526 {
          %scan3A_527 = arith.constant 0 : i32
          %scan3A_528 = arith.constant 0 : i32
          %scan3A_529 = arith.constant 128 : i32
          %scan3A_530 = arith.addi %scan3A_528, %scan3A_529 : i32
          %scan3A_531 = arith.constant 2 : i32
          scf.for %scan3A_533 = %scan3A_528 to %scan3A_530 step %scan3A_531  : i32 {
            %convert_element_type3A_534 = arith.sitofp %scan3A_533 : i32 to f32
            %add3A_535 = arith.addf %convert_element_type3A_518, %convert_element_type3A_534 : f32
            %lt3A_536 = arith.cmpf olt, %add3A_535, %select_n3A_304 : f32
            %jit3A_537 = arith.constant -1.000000e+00 : f32
            %select_n3A_538 = arith.select %lt3A_536, %select_n3A_309, %jit3A_537 : f32
            %broadcast_in_dim3A = vector.broadcast %scan3A_533 : i32 to vector<16xi32>
            %add3A_539 = arith.constant 0.000000e+00 : f32
            %add3A_540 = arith.addf %convert_element_type3A_519, %add3A_539 : f32
            %add3A_541 = vector.broadcast %add3A_540 : f32 to vector<16xf32>
            %add3A_542 = arith.addf %add3A_541, %convert_element_type3A : vector<16xf32>
            %get3A_543 = arith.index_cast %scan3A_533 : i32 to index
            %get3A_544 = arith.constant 0 : index
            %get3A_545 = tpu.vector_load %arg12[%get3A_543, %get3A_544] {strides = array<i32>} : memref<128x128xf32, #tpu.memory_space<vmem>>, vector<16xf32>,
            %add3A_546 = arith.constant 0 : i32
            %add3A_547 = vector.broadcast %add3A_546 : i32 to vector<16xi32>
            %add3A_548 = arith.addi %add3A_547, %iota3A : vector<16xi32>
            %gather3A = tpu.vector_load_idx %arg12[%add3A_548, %broadcast_in_dim3A] : memref<128x128xf32, #tpu.memory_space<vmem>>[vector<16xi32>, vector<16xi32>], vector<16xf32>,
            %le3A = vector.broadcast %select_n3A_538 : f32 to vector<16xf32>
            %le3A_549 = arith.cmpf ole, %get3A_545, %le3A : vector<16xf32>
            %gt3A = vector.broadcast %add3A_535 : f32 to vector<16xf32>
            %gt3A_550 = arith.cmpf ogt, %add3A_542, %gt3A : vector<16xf32>
            %and3A = arith.andi %le3A_549, %gt3A_550 : vector<16xi1>
            %le3A_551 = vector.broadcast %select_n3A_538 : f32 to vector<16xf32>
            %le3A_552 = arith.cmpf ole, %gather3A, %le3A_551 : vector<16xf32>
            %lt3A_553 = vector.broadcast %add3A_535 : f32 to vector<16xf32>
            %lt3A_554 = arith.cmpf olt, %add3A_542, %lt3A_553 : vector<16xf32>
            %and3A_555 = arith.andi %le3A_552, %lt3A_554 : vector<16xi1>
            %lt3A_556 = arith.cmpf olt, %add3A_535, %select_n3A_304 : f32
            %and3A_557 = vector.broadcast %lt3A_556 : i1 to vector<16xi1>
            %and3A_558 = arith.andi %and3A_555, %and3A_557 : vector<16xi1>
            %or3A = arith.ori %and3A, %and3A_558 : vector<16xi1>
            %lt3A_559 = vector.broadcast %select_n3A_304 : f32 to vector<16xf32>
            %lt3A_560 = arith.cmpf olt, %add3A_542, %lt3A_559 : vector<16xf32>
            %and3A_561 = arith.andi %or3A, %lt3A_560 : vector<16xi1>
            %jit3A_562 = arith.constant 1 : i32
            %jit3A_563 = arith.constant 0 : i32
            %broadcast_in_dim3A_564 = vector.broadcast %jit3A_562 : i32 to vector<16xi32>
            %broadcast_in_dim3A_565 = vector.broadcast %jit3A_563 : i32 to vector<16xi32>
            %select_n3A_566 = arith.select %and3A_561, %broadcast_in_dim3A_564, %broadcast_in_dim3A_565 : vector<16xi1>, vector<16xi32>
            %swap3A = arith.index_cast %scan3A_533 : i32 to index
            %swap3A_567 = arith.constant 0 : index
            %swap3A_568 = tpu.vector_load %arg13[%swap3A, %swap3A_567] {strides = array<i32>} : memref<128x128xi32, #tpu.memory_space<vmem>>, vector<16xi32>,
            tpu.vector_store %arg13[%swap3A, %swap3A_567], %select_n3A_566 {strides = array<i32>} : memref<128x128xi32, #tpu.memory_space<vmem>>, vector<16xi32>,
            %add3A_569 = arith.constant 1.600000e+01 : f32
            %add3A_570 = arith.addf %convert_element_type3A_519, %add3A_569 : f32
            %add3A_571 = vector.broadcast %add3A_570 : f32 to vector<16xf32>
            %add3A_572 = arith.addf %add3A_571, %convert_element_type3A : vector<16xf32>
            %get3A_573 = arith.index_cast %scan3A_533 : i32 to index
            %get3A_574 = arith.constant 16 : index
            %get3A_575 = tpu.vector_load %arg12[%get3A_573, %get3A_574] {strides = array<i32>} : memref<128x128xf32, #tpu.memory_space<vmem>>, vector<16xf32>,
            %add3A_576 = arith.constant 16 : i32
            %add3A_577 = vector.broadcast %add3A_576 : i32 to vector<16xi32>
            %add3A_578 = arith.addi %add3A_577, %iota3A : vector<16xi32>
            %gather3A_579 = tpu.vector_load_idx %arg12[%add3A_578, %broadcast_in_dim3A] : memref<128x128xf32, #tpu.memory_space<vmem>>[vector<16xi32>, vector<16xi32>], vector<16xf32>,
            %le3A_580 = vector.broadcast %select_n3A_538 : f32 to vector<16xf32>
            %le3A_581 = arith.cmpf ole, %get3A_575, %le3A_580 : vector<16xf32>
            %gt3A_582 = vector.broadcast %add3A_535 : f32 to vector<16xf32>
            %gt3A_583 = arith.cmpf ogt, %add3A_572, %gt3A_582 : vector<16xf32>
            %and3A_584 = arith.andi %le3A_581, %gt3A_583 : vector<16xi1>
            %le3A_585 = vector.broadcast %select_n3A_538 : f32 to vector<16xf32>
            %le3A_586 = arith.cmpf ole, %gather3A_579, %le3A_585 : vector<16xf32>
            %lt3A_587 = vector.broadcast %add3A_535 : f32 to vector<16xf32>
            %lt3A_588 = arith.cmpf olt, %add3A_572, %lt3A_587 : vector<16xf32>
            %and3A_589 = arith.andi %le3A_586, %lt3A_588 : vector<16xi1>
            %lt3A_590 = arith.cmpf olt, %add3A_535, %select_n3A_304 : f32
            %and3A_591 = vector.broadcast %lt3A_590 : i1 to vector<16xi1>
            %and3A_592 = arith.andi %and3A_589, %and3A_591 : vector<16xi1>
            %or3A_593 = arith.ori %and3A_584, %and3A_592 : vector<16xi1>
            %lt3A_594 = vector.broadcast %select_n3A_304 : f32 to vector<16xf32>
            %lt3A_595 = arith.cmpf olt, %add3A_572, %lt3A_594 : vector<16xf32>
            %and3A_596 = arith.andi %or3A_593, %lt3A_595 : vector<16xi1>
            %jit3A_597 = arith.constant 1 : i32
            %jit3A_598 = arith.constant 0 : i32
            %broadcast_in_dim3A_599 = vector.broadcast %jit3A_597 : i32 to vector<16xi32>
            %broadcast_in_dim3A_600 = vector.broadcast %jit3A_598 : i32 to vector<16xi32>
            %select_n3A_601 = arith.select %and3A_596, %broadcast_in_dim3A_599, %broadcast_in_dim3A_600 : vector<16xi1>, vector<16xi32>
            %swap3A_602 = arith.index_cast %scan3A_533 : i32 to index
            %swap3A_603 = arith.constant 16 : index
            %swap3A_604 = tpu.vector_load %arg13[%swap3A_602, %swap3A_603] {strides = array<i32>} : memref<128x128xi32, #tpu.memory_space<vmem>>, vector<16xi32>,
            tpu.vector_store %arg13[%swap3A_602, %swap3A_603], %select_n3A_601 {strides = array<i32>} : memref<128x128xi32, #tpu.memory_space<vmem>>, vector<16xi32>,
            %add3A_605 = arith.constant 3.200000e+01 : f32
            %add3A_606 = arith.addf %convert_element_type3A_519, %add3A_605 : f32
            %add3A_607 = vector.broadcast %add3A_606 : f32 to vector<16xf32>
            %add3A_608 = arith.addf %add3A_607, %convert_element_type3A : vector<16xf32>
            %get3A_609 = arith.index_cast %scan3A_533 : i32 to index
            %get3A_610 = arith.constant 32 : index
            %get3A_611 = tpu.vector_load %arg12[%get3A_609, %get3A_610] {strides = array<i32>} : memref<128x128xf32, #tpu.memory_space<vmem>>, vector<16xf32>,
            %add3A_612 = arith.constant 32 : i32
            %add3A_613 = vector.broadcast %add3A_612 : i32 to vector<16xi32>
            %add3A_614 = arith.addi %add3A_613, %iota3A : vector<16xi32>
            %gather3A_615 = tpu.vector_load_idx %arg12[%add3A_614, %broadcast_in_dim3A] : memref<128x128xf32, #tpu.memory_space<vmem>>[vector<16xi32>, vector<16xi32>], vector<16xf32>,
            %le3A_616 = vector.broadcast %select_n3A_538 : f32 to vector<16xf32>
            %le3A_617 = arith.cmpf ole, %get3A_611, %le3A_616 : vector<16xf32>
            %gt3A_618 = vector.broadcast %add3A_535 : f32 to vector<16xf32>
            %gt3A_619 = arith.cmpf ogt, %add3A_608, %gt3A_618 : vector<16xf32>
            %and3A_620 = arith.andi %le3A_617, %gt3A_619 : vector<16xi1>
            %le3A_621 = vector.broadcast %select_n3A_538 : f32 to vector<16xf32>
            %le3A_622 = arith.cmpf ole, %gather3A_615, %le3A_621 : vector<16xf32>
            %lt3A_623 = vector.broadcast %add3A_535 : f32 to vector<16xf32>
            %lt3A_624 = arith.cmpf olt, %add3A_608, %lt3A_623 : vector<16xf32>
            %and3A_625 = arith.andi %le3A_622, %lt3A_624 : vector<16xi1>
            %lt3A_626 = arith.cmpf olt, %add3A_535, %select_n3A_304 : f32
            %and3A_627 = vector.broadcast %lt3A_626 : i1 to vector<16xi1>
            %and3A_628 = arith.andi %and3A_625, %and3A_627 : vector<16xi1>
            %or3A_629 = arith.ori %and3A_620, %and3A_628 : vector<16xi1>
            %lt3A_630 = vector.broadcast %select_n3A_304 : f32 to vector<16xf32>
            %lt3A_631 = arith.cmpf olt, %add3A_608, %lt3A_630 : vector<16xf32>
            %and3A_632 = arith.andi %or3A_629, %lt3A_631 : vector<16xi1>
            %jit3A_633 = arith.constant 1 : i32
            %jit3A_634 = arith.constant 0 : i32
            %broadcast_in_dim3A_635 = vector.broadcast %jit3A_633 : i32 to vector<16xi32>
            %broadcast_in_dim3A_636 = vector.broadcast %jit3A_634 : i32 to vector<16xi32>
            %select_n3A_637 = arith.select %and3A_632, %broadcast_in_dim3A_635, %broadcast_in_dim3A_636 : vector<16xi1>, vector<16xi32>
            %swap3A_638 = arith.index_cast %scan3A_533 : i32 to index
            %swap3A_639 = arith.constant 32 : index
            %swap3A_640 = tpu.vector_load %arg13[%swap3A_638, %swap3A_639] {strides = array<i32>} : memref<128x128xi32, #tpu.memory_space<vmem>>, vector<16xi32>,
            tpu.vector_store %arg13[%swap3A_638, %swap3A_639], %select_n3A_637 {strides = array<i32>} : memref<128x128xi32, #tpu.memory_space<vmem>>, vector<16xi32>,
            %add3A_641 = arith.constant 4.800000e+01 : f32
            %add3A_642 = arith.addf %convert_element_type3A_519, %add3A_641 : f32
            %add3A_643 = vector.broadcast %add3A_642 : f32 to vector<16xf32>
            %add3A_644 = arith.addf %add3A_643, %convert_element_type3A : vector<16xf32>
            %get3A_645 = arith.index_cast %scan3A_533 : i32 to index
            %get3A_646 = arith.constant 48 : index
            %get3A_647 = tpu.vector_load %arg12[%get3A_645, %get3A_646] {strides = array<i32>} : memref<128x128xf32, #tpu.memory_space<vmem>>, vector<16xf32>,
            %add3A_648 = arith.constant 48 : i32
            %add3A_649 = vector.broadcast %add3A_648 : i32 to vector<16xi32>
            %add3A_650 = arith.addi %add3A_649, %iota3A : vector<16xi32>
            %gather3A_651 = tpu.vector_load_idx %arg12[%add3A_650, %broadcast_in_dim3A] : memref<128x128xf32, #tpu.memory_space<vmem>>[vector<16xi32>, vector<16xi32>], vector<16xf32>,
            %le3A_652 = vector.broadcast %select_n3A_538 : f32 to vector<16xf32>
            %le3A_653 = arith.cmpf ole, %get3A_647, %le3A_652 : vector<16xf32>
            %gt3A_654 = vector.broadcast %add3A_535 : f32 to vector<16xf32>
            %gt3A_655 = arith.cmpf ogt, %add3A_644, %gt3A_654 : vector<16xf32>
            %and3A_656 = arith.andi %le3A_653, %gt3A_655 : vector<16xi1>
            %le3A_657 = vector.broadcast %select_n3A_538 : f32 to vector<16xf32>
            %le3A_658 = arith.cmpf ole, %gather3A_651, %le3A_657 : vector<16xf32>
            %lt3A_659 = vector.broadcast %add3A_535 : f32 to vector<16xf32>
            %lt3A_660 = arith.cmpf olt, %add3A_644, %lt3A_659 : vector<16xf32>
            %and3A_661 = arith.andi %le3A_658, %lt3A_660 : vector<16xi1>
            %lt3A_662 = arith.cmpf olt, %add3A_535, %select_n3A_304 : f32
            %and3A_663 = vector.broadcast %lt3A_662 : i1 to vector<16xi1>
            %and3A_664 = arith.andi %and3A_661, %and3A_663 : vector<16xi1>
            %or3A_665 = arith.ori %and3A_656, %and3A_664 : vector<16xi1>
            %lt3A_666 = vector.broadcast %select_n3A_304 : f32 to vector<16xf32>
            %lt3A_667 = arith.cmpf olt, %add3A_644, %lt3A_666 : vector<16xf32>
            %and3A_668 = arith.andi %or3A_665, %lt3A_667 : vector<16xi1>
            %jit3A_669 = arith.constant 1 : i32
            %jit3A_670 = arith.constant 0 : i32
            %broadcast_in_dim3A_671 = vector.broadcast %jit3A_669 : i32 to vector<16xi32>
            %broadcast_in_dim3A_672 = vector.broadcast %jit3A_670 : i32 to vector<16xi32>
            %select_n3A_673 = arith.select %and3A_668, %broadcast_in_dim3A_671, %broadcast_in_dim3A_672 : vector<16xi1>, vector<16xi32>
            %swap3A_674 = arith.index_cast %scan3A_533 : i32 to index
            %swap3A_675 = arith.constant 48 : index
            %swap3A_676 = tpu.vector_load %arg13[%swap3A_674, %swap3A_675] {strides = array<i32>} : memref<128x128xi32, #tpu.memory_space<vmem>>, vector<16xi32>,
            tpu.vector_store %arg13[%swap3A_674, %swap3A_675], %select_n3A_673 {strides = array<i32>} : memref<128x128xi32, #tpu.memory_space<vmem>>, vector<16xi32>,
            %add3A_677 = arith.constant 6.400000e+01 : f32
            %add3A_678 = arith.addf %convert_element_type3A_519, %add3A_677 : f32
            %add3A_679 = vector.broadcast %add3A_678 : f32 to vector<16xf32>
            %add3A_680 = arith.addf %add3A_679, %convert_element_type3A : vector<16xf32>
            %get3A_681 = arith.index_cast %scan3A_533 : i32 to index
            %get3A_682 = arith.constant 64 : index
            %get3A_683 = tpu.vector_load %arg12[%get3A_681, %get3A_682] {strides = array<i32>} : memref<128x128xf32, #tpu.memory_space<vmem>>, vector<16xf32>,
            %add3A_684 = arith.constant 64 : i32
            %add3A_685 = vector.broadcast %add3A_684 : i32 to vector<16xi32>
            %add3A_686 = arith.addi %add3A_685, %iota3A : vector<16xi32>
            %gather3A_687 = tpu.vector_load_idx %arg12[%add3A_686, %broadcast_in_dim3A] : memref<128x128xf32, #tpu.memory_space<vmem>>[vector<16xi32>, vector<16xi32>], vector<16xf32>,
            %le3A_688 = vector.broadcast %select_n3A_538 : f32 to vector<16xf32>
            %le3A_689 = arith.cmpf ole, %get3A_683, %le3A_688 : vector<16xf32>
            %gt3A_690 = vector.broadcast %add3A_535 : f32 to vector<16xf32>
            %gt3A_691 = arith.cmpf ogt, %add3A_680, %gt3A_690 : vector<16xf32>
            %and3A_692 = arith.andi %le3A_689, %gt3A_691 : vector<16xi1>
            %le3A_693 = vector.broadcast %select_n3A_538 : f32 to vector<16xf32>
            %le3A_694 = arith.cmpf ole, %gather3A_687, %le3A_693 : vector<16xf32>
            %lt3A_695 = vector.broadcast %add3A_535 : f32 to vector<16xf32>
            %lt3A_696 = arith.cmpf olt, %add3A_680, %lt3A_695 : vector<16xf32>
            %and3A_697 = arith.andi %le3A_694, %lt3A_696 : vector<16xi1>
            %lt3A_698 = arith.cmpf olt, %add3A_535, %select_n3A_304 : f32
            %and3A_699 = vector.broadcast %lt3A_698 : i1 to vector<16xi1>
            %and3A_700 = arith.andi %and3A_697, %and3A_699 : vector<16xi1>
            %or3A_701 = arith.ori %and3A_692, %and3A_700 : vector<16xi1>
            %lt3A_702 = vector.broadcast %select_n3A_304 : f32 to vector<16xf32>
            %lt3A_703 = arith.cmpf olt, %add3A_680, %lt3A_702 : vector<16xf32>
            %and3A_704 = arith.andi %or3A_701, %lt3A_703 : vector<16xi1>
            %jit3A_705 = arith.constant 1 : i32
            %jit3A_706 = arith.constant 0 : i32
            %broadcast_in_dim3A_707 = vector.broadcast %jit3A_705 : i32 to vector<16xi32>
            %broadcast_in_dim3A_708 = vector.broadcast %jit3A_706 : i32 to vector<16xi32>
            %select_n3A_709 = arith.select %and3A_704, %broadcast_in_dim3A_707, %broadcast_in_dim3A_708 : vector<16xi1>, vector<16xi32>
            %swap3A_710 = arith.index_cast %scan3A_533 : i32 to index
            %swap3A_711 = arith.constant 64 : index
            %swap3A_712 = tpu.vector_load %arg13[%swap3A_710, %swap3A_711] {strides = array<i32>} : memref<128x128xi32, #tpu.memory_space<vmem>>, vector<16xi32>,
            tpu.vector_store %arg13[%swap3A_710, %swap3A_711], %select_n3A_709 {strides = array<i32>} : memref<128x128xi32, #tpu.memory_space<vmem>>, vector<16xi32>,
            %add3A_713 = arith.constant 8.000000e+01 : f32
            %add3A_714 = arith.addf %convert_element_type3A_519, %add3A_713 : f32
            %add3A_715 = vector.broadcast %add3A_714 : f32 to vector<16xf32>
            %add3A_716 = arith.addf %add3A_715, %convert_element_type3A : vector<16xf32>
            %get3A_717 = arith.index_cast %scan3A_533 : i32 to index
            %get3A_718 = arith.constant 80 : index
            %get3A_719 = tpu.vector_load %arg12[%get3A_717, %get3A_718] {strides = array<i32>} : memref<128x128xf32, #tpu.memory_space<vmem>>, vector<16xf32>,
            %add3A_720 = arith.constant 80 : i32
            %add3A_721 = vector.broadcast %add3A_720 : i32 to vector<16xi32>
            %add3A_722 = arith.addi %add3A_721, %iota3A : vector<16xi32>
            %gather3A_723 = tpu.vector_load_idx %arg12[%add3A_722, %broadcast_in_dim3A] : memref<128x128xf32, #tpu.memory_space<vmem>>[vector<16xi32>, vector<16xi32>], vector<16xf32>,
            %le3A_724 = vector.broadcast %select_n3A_538 : f32 to vector<16xf32>
            %le3A_725 = arith.cmpf ole, %get3A_719, %le3A_724 : vector<16xf32>
            %gt3A_726 = vector.broadcast %add3A_535 : f32 to vector<16xf32>
            %gt3A_727 = arith.cmpf ogt, %add3A_716, %gt3A_726 : vector<16xf32>
            %and3A_728 = arith.andi %le3A_725, %gt3A_727 : vector<16xi1>
            %le3A_729 = vector.broadcast %select_n3A_538 : f32 to vector<16xf32>
            %le3A_730 = arith.cmpf ole, %gather3A_723, %le3A_729 : vector<16xf32>
            %lt3A_731 = vector.broadcast %add3A_535 : f32 to vector<16xf32>
            %lt3A_732 = arith.cmpf olt, %add3A_716, %lt3A_731 : vector<16xf32>
            %and3A_733 = arith.andi %le3A_730, %lt3A_732 : vector<16xi1>
            %lt3A_734 = arith.cmpf olt, %add3A_535, %select_n3A_304 : f32
            %and3A_735 = vector.broadcast %lt3A_734 : i1 to vector<16xi1>
            %and3A_736 = arith.andi %and3A_733, %and3A_735 : vector<16xi1>
            %or3A_737 = arith.ori %and3A_728, %and3A_736 : vector<16xi1>
            %lt3A_738 = vector.broadcast %select_n3A_304 : f32 to vector<16xf32>
            %lt3A_739 = arith.cmpf olt, %add3A_716, %lt3A_738 : vector<16xf32>
            %and3A_740 = arith.andi %or3A_737, %lt3A_739 : vector<16xi1>
            %jit3A_741 = arith.constant 1 : i32
            %jit3A_742 = arith.constant 0 : i32
            %broadcast_in_dim3A_743 = vector.broadcast %jit3A_741 : i32 to vector<16xi32>
            %broadcast_in_dim3A_744 = vector.broadcast %jit3A_742 : i32 to vector<16xi32>
            %select_n3A_745 = arith.select %and3A_740, %broadcast_in_dim3A_743, %broadcast_in_dim3A_744 : vector<16xi1>, vector<16xi32>
            %swap3A_746 = arith.index_cast %scan3A_533 : i32 to index
            %swap3A_747 = arith.constant 80 : index
            %swap3A_748 = tpu.vector_load %arg13[%swap3A_746, %swap3A_747] {strides = array<i32>} : memref<128x128xi32, #tpu.memory_space<vmem>>, vector<16xi32>,
            tpu.vector_store %arg13[%swap3A_746, %swap3A_747], %select_n3A_745 {strides = array<i32>} : memref<128x128xi32, #tpu.memory_space<vmem>>, vector<16xi32>,
            %add3A_749 = arith.constant 9.600000e+01 : f32
            %add3A_750 = arith.addf %convert_element_type3A_519, %add3A_749 : f32
            %add3A_751 = vector.broadcast %add3A_750 : f32 to vector<16xf32>
            %add3A_752 = arith.addf %add3A_751, %convert_element_type3A : vector<16xf32>
            %get3A_753 = arith.index_cast %scan3A_533 : i32 to index
            %get3A_754 = arith.constant 96 : index
            %get3A_755 = tpu.vector_load %arg12[%get3A_753, %get3A_754] {strides = array<i32>} : memref<128x128xf32, #tpu.memory_space<vmem>>, vector<16xf32>,
            %add3A_756 = arith.constant 96 : i32
            %add3A_757 = vector.broadcast %add3A_756 : i32 to vector<16xi32>
            %add3A_758 = arith.addi %add3A_757, %iota3A : vector<16xi32>
            %gather3A_759 = tpu.vector_load_idx %arg12[%add3A_758, %broadcast_in_dim3A] : memref<128x128xf32, #tpu.memory_space<vmem>>[vector<16xi32>, vector<16xi32>], vector<16xf32>,
            %le3A_760 = vector.broadcast %select_n3A_538 : f32 to vector<16xf32>
            %le3A_761 = arith.cmpf ole, %get3A_755, %le3A_760 : vector<16xf32>
            %gt3A_762 = vector.broadcast %add3A_535 : f32 to vector<16xf32>
            %gt3A_763 = arith.cmpf ogt, %add3A_752, %gt3A_762 : vector<16xf32>
            %and3A_764 = arith.andi %le3A_761, %gt3A_763 : vector<16xi1>
            %le3A_765 = vector.broadcast %select_n3A_538 : f32 to vector<16xf32>
            %le3A_766 = arith.cmpf ole, %gather3A_759, %le3A_765 : vector<16xf32>
            %lt3A_767 = vector.broadcast %add3A_535 : f32 to vector<16xf32>
            %lt3A_768 = arith.cmpf olt, %add3A_752, %lt3A_767 : vector<16xf32>
            %and3A_769 = arith.andi %le3A_766, %lt3A_768 : vector<16xi1>
            %lt3A_770 = arith.cmpf olt, %add3A_535, %select_n3A_304 : f32
            %and3A_771 = vector.broadcast %lt3A_770 : i1 to vector<16xi1>
            %and3A_772 = arith.andi %and3A_769, %and3A_771 : vector<16xi1>
            %or3A_773 = arith.ori %and3A_764, %and3A_772 : vector<16xi1>
            %lt3A_774 = vector.broadcast %select_n3A_304 : f32 to vector<16xf32>
            %lt3A_775 = arith.cmpf olt, %add3A_752, %lt3A_774 : vector<16xf32>
            %and3A_776 = arith.andi %or3A_773, %lt3A_775 : vector<16xi1>
            %jit3A_777 = arith.constant 1 : i32
            %jit3A_778 = arith.constant 0 : i32
            %broadcast_in_dim3A_779 = vector.broadcast %jit3A_777 : i32 to vector<16xi32>
            %broadcast_in_dim3A_780 = vector.broadcast %jit3A_778 : i32 to vector<16xi32>
            %select_n3A_781 = arith.select %and3A_776, %broadcast_in_dim3A_779, %broadcast_in_dim3A_780 : vector<16xi1>, vector<16xi32>
            %swap3A_782 = arith.index_cast %scan3A_533 : i32 to index
            %swap3A_783 = arith.constant 96 : index
            %swap3A_784 = tpu.vector_load %arg13[%swap3A_782, %swap3A_783] {strides = array<i32>} : memref<128x128xi32, #tpu.memory_space<vmem>>, vector<16xi32>,
            tpu.vector_store %arg13[%swap3A_782, %swap3A_783], %select_n3A_781 {strides = array<i32>} : memref<128x128xi32, #tpu.memory_space<vmem>>, vector<16xi32>,
            %add3A_785 = arith.constant 1.120000e+02 : f32
            %add3A_786 = arith.addf %convert_element_type3A_519, %add3A_785 : f32
            %add3A_787 = vector.broadcast %add3A_786 : f32 to vector<16xf32>
            %add3A_788 = arith.addf %add3A_787, %convert_element_type3A : vector<16xf32>
            %get3A_789 = arith.index_cast %scan3A_533 : i32 to index
            %get3A_790 = arith.constant 112 : index
            %get3A_791 = tpu.vector_load %arg12[%get3A_789, %get3A_790] {strides = array<i32>} : memref<128x128xf32, #tpu.memory_space<vmem>>, vector<16xf32>,
            %add3A_792 = arith.constant 112 : i32
            %add3A_793 = vector.broadcast %add3A_792 : i32 to vector<16xi32>
            %add3A_794 = arith.addi %add3A_793, %iota3A : vector<16xi32>
            %gather3A_795 = tpu.vector_load_idx %arg12[%add3A_794, %broadcast_in_dim3A] : memref<128x128xf32, #tpu.memory_space<vmem>>[vector<16xi32>, vector<16xi32>], vector<16xf32>,
            %le3A_796 = vector.broadcast %select_n3A_538 : f32 to vector<16xf32>
            %le3A_797 = arith.cmpf ole, %get3A_791, %le3A_796 : vector<16xf32>
            %gt3A_798 = vector.broadcast %add3A_535 : f32 to vector<16xf32>
            %gt3A_799 = arith.cmpf ogt, %add3A_788, %gt3A_798 : vector<16xf32>
            %and3A_800 = arith.andi %le3A_797, %gt3A_799 : vector<16xi1>
            %le3A_801 = vector.broadcast %select_n3A_538 : f32 to vector<16xf32>
            %le3A_802 = arith.cmpf ole, %gather3A_795, %le3A_801 : vector<16xf32>
            %lt3A_803 = vector.broadcast %add3A_535 : f32 to vector<16xf32>
            %lt3A_804 = arith.cmpf olt, %add3A_788, %lt3A_803 : vector<16xf32>
            %and3A_805 = arith.andi %le3A_802, %lt3A_804 : vector<16xi1>
            %lt3A_806 = arith.cmpf olt, %add3A_535, %select_n3A_304 : f32
            %and3A_807 = vector.broadcast %lt3A_806 : i1 to vector<16xi1>
            %and3A_808 = arith.andi %and3A_805, %and3A_807 : vector<16xi1>
            %or3A_809 = arith.ori %and3A_800, %and3A_808 : vector<16xi1>
            %lt3A_810 = vector.broadcast %select_n3A_304 : f32 to vector<16xf32>
            %lt3A_811 = arith.cmpf olt, %add3A_788, %lt3A_810 : vector<16xf32>
            %and3A_812 = arith.andi %or3A_809, %lt3A_811 : vector<16xi1>
            %jit3A_813 = arith.constant 1 : i32
            %jit3A_814 = arith.constant 0 : i32
            %broadcast_in_dim3A_815 = vector.broadcast %jit3A_813 : i32 to vector<16xi32>
            %broadcast_in_dim3A_816 = vector.broadcast %jit3A_814 : i32 to vector<16xi32>
            %select_n3A_817 = arith.select %and3A_812, %broadcast_in_dim3A_815, %broadcast_in_dim3A_816 : vector<16xi1>, vector<16xi32>
            %swap3A_818 = arith.index_cast %scan3A_533 : i32 to index
            %swap3A_819 = arith.constant 112 : index
            %swap3A_820 = tpu.vector_load %arg13[%swap3A_818, %swap3A_819] {strides = array<i32>} : memref<128x128xi32, #tpu.memory_space<vmem>>, vector<16xi32>,
            tpu.vector_store %arg13[%swap3A_818, %swap3A_819], %select_n3A_817 {strides = array<i32>} : memref<128x128xi32, #tpu.memory_space<vmem>>, vector<16xi32>,
            %scan3A_821 = arith.constant 1 : i32
            %scan3A_822 = arith.addi %scan3A_533, %scan3A_821 : i32
            %convert_element_type3A_823 = arith.sitofp %scan3A_822 : i32 to f32
            %add3A_824 = arith.addf %convert_element_type3A_518, %convert_element_type3A_823 : f32
            %lt3A_825 = arith.cmpf olt, %add3A_824, %select_n3A_304 : f32
            %jit3A_826 = arith.constant -1.000000e+00 : f32
            %select_n3A_827 = arith.select %lt3A_825, %select_n3A_309, %jit3A_826 : f32
            %broadcast_in_dim3A_828 = vector.broadcast %scan3A_822 : i32 to vector<16xi32>
            %add3A_829 = arith.constant 0.000000e+00 : f32
            %add3A_830 = arith.addf %convert_element_type3A_519, %add3A_829 : f32
            %add3A_831 = vector.broadcast %add3A_830 : f32 to vector<16xf32>
            %add3A_832 = arith.addf %add3A_831, %convert_element_type3A : vector<16xf32>
            %get3A_833 = arith.index_cast %scan3A_822 : i32 to index
            %get3A_834 = arith.constant 0 : index
            %get3A_835 = tpu.vector_load %arg12[%get3A_833, %get3A_834] {strides = array<i32>} : memref<128x128xf32, #tpu.memory_space<vmem>>, vector<16xf32>,
            %add3A_836 = arith.constant 0 : i32
            %add3A_837 = vector.broadcast %add3A_836 : i32 to vector<16xi32>
            %add3A_838 = arith.addi %add3A_837, %iota3A : vector<16xi32>
            %gather3A_839 = tpu.vector_load_idx %arg12[%add3A_838, %broadcast_in_dim3A_828] : memref<128x128xf32, #tpu.memory_space<vmem>>[vector<16xi32>, vector<16xi32>], vector<16xf32>,
            %le3A_840 = vector.broadcast %select_n3A_827 : f32 to vector<16xf32>
            %le3A_841 = arith.cmpf ole, %get3A_835, %le3A_840 : vector<16xf32>
            %gt3A_842 = vector.broadcast %add3A_824 : f32 to vector<16xf32>
            %gt3A_843 = arith.cmpf ogt, %add3A_832, %gt3A_842 : vector<16xf32>
            %and3A_844 = arith.andi %le3A_841, %gt3A_843 : vector<16xi1>
            %le3A_845 = vector.broadcast %select_n3A_827 : f32 to vector<16xf32>
            %le3A_846 = arith.cmpf ole, %gather3A_839, %le3A_845 : vector<16xf32>
            %lt3A_847 = vector.broadcast %add3A_824 : f32 to vector<16xf32>
            %lt3A_848 = arith.cmpf olt, %add3A_832, %lt3A_847 : vector<16xf32>
            %and3A_849 = arith.andi %le3A_846, %lt3A_848 : vector<16xi1>
            %lt3A_850 = arith.cmpf olt, %add3A_824, %select_n3A_304 : f32
            %and3A_851 = vector.broadcast %lt3A_850 : i1 to vector<16xi1>
            %and3A_852 = arith.andi %and3A_849, %and3A_851 : vector<16xi1>
            %or3A_853 = arith.ori %and3A_844, %and3A_852 : vector<16xi1>
            %lt3A_854 = vector.broadcast %select_n3A_304 : f32 to vector<16xf32>
            %lt3A_855 = arith.cmpf olt, %add3A_832, %lt3A_854 : vector<16xf32>
            %and3A_856 = arith.andi %or3A_853, %lt3A_855 : vector<16xi1>
            %jit3A_857 = arith.constant 1 : i32
            %jit3A_858 = arith.constant 0 : i32
            %broadcast_in_dim3A_859 = vector.broadcast %jit3A_857 : i32 to vector<16xi32>
            %broadcast_in_dim3A_860 = vector.broadcast %jit3A_858 : i32 to vector<16xi32>
            %select_n3A_861 = arith.select %and3A_856, %broadcast_in_dim3A_859, %broadcast_in_dim3A_860 : vector<16xi1>, vector<16xi32>
            %swap3A_862 = arith.index_cast %scan3A_822 : i32 to index
            %swap3A_863 = arith.constant 0 : index
            %swap3A_864 = tpu.vector_load %arg13[%swap3A_862, %swap3A_863] {strides = array<i32>} : memref<128x128xi32, #tpu.memory_space<vmem>>, vector<16xi32>,
            tpu.vector_store %arg13[%swap3A_862, %swap3A_863], %select_n3A_861 {strides = array<i32>} : memref<128x128xi32, #tpu.memory_space<vmem>>, vector<16xi32>,
            %add3A_865 = arith.constant 1.600000e+01 : f32
            %add3A_866 = arith.addf %convert_element_type3A_519, %add3A_865 : f32
            %add3A_867 = vector.broadcast %add3A_866 : f32 to vector<16xf32>
            %add3A_868 = arith.addf %add3A_867, %convert_element_type3A : vector<16xf32>
            %get3A_869 = arith.index_cast %scan3A_822 : i32 to index
            %get3A_870 = arith.constant 16 : index
            %get3A_871 = tpu.vector_load %arg12[%get3A_869, %get3A_870] {strides = array<i32>} : memref<128x128xf32, #tpu.memory_space<vmem>>, vector<16xf32>,
            %add3A_872 = arith.constant 16 : i32
            %add3A_873 = vector.broadcast %add3A_872 : i32 to vector<16xi32>
            %add3A_874 = arith.addi %add3A_873, %iota3A : vector<16xi32>
            %gather3A_875 = tpu.vector_load_idx %arg12[%add3A_874, %broadcast_in_dim3A_828] : memref<128x128xf32, #tpu.memory_space<vmem>>[vector<16xi32>, vector<16xi32>], vector<16xf32>,
            %le3A_876 = vector.broadcast %select_n3A_827 : f32 to vector<16xf32>
            %le3A_877 = arith.cmpf ole, %get3A_871, %le3A_876 : vector<16xf32>
            %gt3A_878 = vector.broadcast %add3A_824 : f32 to vector<16xf32>
            %gt3A_879 = arith.cmpf ogt, %add3A_868, %gt3A_878 : vector<16xf32>
            %and3A_880 = arith.andi %le3A_877, %gt3A_879 : vector<16xi1>
            %le3A_881 = vector.broadcast %select_n3A_827 : f32 to vector<16xf32>
            %le3A_882 = arith.cmpf ole, %gather3A_875, %le3A_881 : vector<16xf32>
            %lt3A_883 = vector.broadcast %add3A_824 : f32 to vector<16xf32>
            %lt3A_884 = arith.cmpf olt, %add3A_868, %lt3A_883 : vector<16xf32>
            %and3A_885 = arith.andi %le3A_882, %lt3A_884 : vector<16xi1>
            %lt3A_886 = arith.cmpf olt, %add3A_824, %select_n3A_304 : f32
            %and3A_887 = vector.broadcast %lt3A_886 : i1 to vector<16xi1>
            %and3A_888 = arith.andi %and3A_885, %and3A_887 : vector<16xi1>
            %or3A_889 = arith.ori %and3A_880, %and3A_888 : vector<16xi1>
            %lt3A_890 = vector.broadcast %select_n3A_304 : f32 to vector<16xf32>
            %lt3A_891 = arith.cmpf olt, %add3A_868, %lt3A_890 : vector<16xf32>
            %and3A_892 = arith.andi %or3A_889, %lt3A_891 : vector<16xi1>
            %jit3A_893 = arith.constant 1 : i32
            %jit3A_894 = arith.constant 0 : i32
            %broadcast_in_dim3A_895 = vector.broadcast %jit3A_893 : i32 to vector<16xi32>
            %broadcast_in_dim3A_896 = vector.broadcast %jit3A_894 : i32 to vector<16xi32>
            %select_n3A_897 = arith.select %and3A_892, %broadcast_in_dim3A_895, %broadcast_in_dim3A_896 : vector<16xi1>, vector<16xi32>
            %swap3A_898 = arith.index_cast %scan3A_822 : i32 to index
            %swap3A_899 = arith.constant 16 : index
            %swap3A_900 = tpu.vector_load %arg13[%swap3A_898, %swap3A_899] {strides = array<i32>} : memref<128x128xi32, #tpu.memory_space<vmem>>, vector<16xi32>,
            tpu.vector_store %arg13[%swap3A_898, %swap3A_899], %select_n3A_897 {strides = array<i32>} : memref<128x128xi32, #tpu.memory_space<vmem>>, vector<16xi32>,
            %add3A_901 = arith.constant 3.200000e+01 : f32
            %add3A_902 = arith.addf %convert_element_type3A_519, %add3A_901 : f32
            %add3A_903 = vector.broadcast %add3A_902 : f32 to vector<16xf32>
            %add3A_904 = arith.addf %add3A_903, %convert_element_type3A : vector<16xf32>
            %get3A_905 = arith.index_cast %scan3A_822 : i32 to index
            %get3A_906 = arith.constant 32 : index
            %get3A_907 = tpu.vector_load %arg12[%get3A_905, %get3A_906] {strides = array<i32>} : memref<128x128xf32, #tpu.memory_space<vmem>>, vector<16xf32>,
            %add3A_908 = arith.constant 32 : i32
            %add3A_909 = vector.broadcast %add3A_908 : i32 to vector<16xi32>
            %add3A_910 = arith.addi %add3A_909, %iota3A : vector<16xi32>
            %gather3A_911 = tpu.vector_load_idx %arg12[%add3A_910, %broadcast_in_dim3A_828] : memref<128x128xf32, #tpu.memory_space<vmem>>[vector<16xi32>, vector<16xi32>], vector<16xf32>,
            %le3A_912 = vector.broadcast %select_n3A_827 : f32 to vector<16xf32>
            %le3A_913 = arith.cmpf ole, %get3A_907, %le3A_912 : vector<16xf32>
            %gt3A_914 = vector.broadcast %add3A_824 : f32 to vector<16xf32>
            %gt3A_915 = arith.cmpf ogt, %add3A_904, %gt3A_914 : vector<16xf32>
            %and3A_916 = arith.andi %le3A_913, %gt3A_915 : vector<16xi1>
            %le3A_917 = vector.broadcast %select_n3A_827 : f32 to vector<16xf32>
            %le3A_918 = arith.cmpf ole, %gather3A_911, %le3A_917 : vector<16xf32>
            %lt3A_919 = vector.broadcast %add3A_824 : f32 to vector<16xf32>
            %lt3A_920 = arith.cmpf olt, %add3A_904, %lt3A_919 : vector<16xf32>
            %and3A_921 = arith.andi %le3A_918, %lt3A_920 : vector<16xi1>
            %lt3A_922 = arith.cmpf olt, %add3A_824, %select_n3A_304 : f32
            %and3A_923 = vector.broadcast %lt3A_922 : i1 to vector<16xi1>
            %and3A_924 = arith.andi %and3A_921, %and3A_923 : vector<16xi1>
            %or3A_925 = arith.ori %and3A_916, %and3A_924 : vector<16xi1>
            %lt3A_926 = vector.broadcast %select_n3A_304 : f32 to vector<16xf32>
            %lt3A_927 = arith.cmpf olt, %add3A_904, %lt3A_926 : vector<16xf32>
            %and3A_928 = arith.andi %or3A_925, %lt3A_927 : vector<16xi1>
            %jit3A_929 = arith.constant 1 : i32
            %jit3A_930 = arith.constant 0 : i32
            %broadcast_in_dim3A_931 = vector.broadcast %jit3A_929 : i32 to vector<16xi32>
            %broadcast_in_dim3A_932 = vector.broadcast %jit3A_930 : i32 to vector<16xi32>
            %select_n3A_933 = arith.select %and3A_928, %broadcast_in_dim3A_931, %broadcast_in_dim3A_932 : vector<16xi1>, vector<16xi32>
            %swap3A_934 = arith.index_cast %scan3A_822 : i32 to index
            %swap3A_935 = arith.constant 32 : index
            %swap3A_936 = tpu.vector_load %arg13[%swap3A_934, %swap3A_935] {strides = array<i32>} : memref<128x128xi32, #tpu.memory_space<vmem>>, vector<16xi32>,
            tpu.vector_store %arg13[%swap3A_934, %swap3A_935], %select_n3A_933 {strides = array<i32>} : memref<128x128xi32, #tpu.memory_space<vmem>>, vector<16xi32>,
            %add3A_937 = arith.constant 4.800000e+01 : f32
            %add3A_938 = arith.addf %convert_element_type3A_519, %add3A_937 : f32
            %add3A_939 = vector.broadcast %add3A_938 : f32 to vector<16xf32>
            %add3A_940 = arith.addf %add3A_939, %convert_element_type3A : vector<16xf32>
            %get3A_941 = arith.index_cast %scan3A_822 : i32 to index
            %get3A_942 = arith.constant 48 : index
            %get3A_943 = tpu.vector_load %arg12[%get3A_941, %get3A_942] {strides = array<i32>} : memref<128x128xf32, #tpu.memory_space<vmem>>, vector<16xf32>,
            %add3A_944 = arith.constant 48 : i32
            %add3A_945 = vector.broadcast %add3A_944 : i32 to vector<16xi32>
            %add3A_946 = arith.addi %add3A_945, %iota3A : vector<16xi32>
            %gather3A_947 = tpu.vector_load_idx %arg12[%add3A_946, %broadcast_in_dim3A_828] : memref<128x128xf32, #tpu.memory_space<vmem>>[vector<16xi32>, vector<16xi32>], vector<16xf32>,
            %le3A_948 = vector.broadcast %select_n3A_827 : f32 to vector<16xf32>
            %le3A_949 = arith.cmpf ole, %get3A_943, %le3A_948 : vector<16xf32>
            %gt3A_950 = vector.broadcast %add3A_824 : f32 to vector<16xf32>
            %gt3A_951 = arith.cmpf ogt, %add3A_940, %gt3A_950 : vector<16xf32>
            %and3A_952 = arith.andi %le3A_949, %gt3A_951 : vector<16xi1>
            %le3A_953 = vector.broadcast %select_n3A_827 : f32 to vector<16xf32>
            %le3A_954 = arith.cmpf ole, %gather3A_947, %le3A_953 : vector<16xf32>
            %lt3A_955 = vector.broadcast %add3A_824 : f32 to vector<16xf32>
            %lt3A_956 = arith.cmpf olt, %add3A_940, %lt3A_955 : vector<16xf32>
            %and3A_957 = arith.andi %le3A_954, %lt3A_956 : vector<16xi1>
            %lt3A_958 = arith.cmpf olt, %add3A_824, %select_n3A_304 : f32
            %and3A_959 = vector.broadcast %lt3A_958 : i1 to vector<16xi1>
            %and3A_960 = arith.andi %and3A_957, %and3A_959 : vector<16xi1>
            %or3A_961 = arith.ori %and3A_952, %and3A_960 : vector<16xi1>
            %lt3A_962 = vector.broadcast %select_n3A_304 : f32 to vector<16xf32>
            %lt3A_963 = arith.cmpf olt, %add3A_940, %lt3A_962 : vector<16xf32>
            %and3A_964 = arith.andi %or3A_961, %lt3A_963 : vector<16xi1>
            %jit3A_965 = arith.constant 1 : i32
            %jit3A_966 = arith.constant 0 : i32
            %broadcast_in_dim3A_967 = vector.broadcast %jit3A_965 : i32 to vector<16xi32>
            %broadcast_in_dim3A_968 = vector.broadcast %jit3A_966 : i32 to vector<16xi32>
            %select_n3A_969 = arith.select %and3A_964, %broadcast_in_dim3A_967, %broadcast_in_dim3A_968 : vector<16xi1>, vector<16xi32>
            %swap3A_970 = arith.index_cast %scan3A_822 : i32 to index
            %swap3A_971 = arith.constant 48 : index
            %swap3A_972 = tpu.vector_load %arg13[%swap3A_970, %swap3A_971] {strides = array<i32>} : memref<128x128xi32, #tpu.memory_space<vmem>>, vector<16xi32>,
            tpu.vector_store %arg13[%swap3A_970, %swap3A_971], %select_n3A_969 {strides = array<i32>} : memref<128x128xi32, #tpu.memory_space<vmem>>, vector<16xi32>,
            %add3A_973 = arith.constant 6.400000e+01 : f32
            %add3A_974 = arith.addf %convert_element_type3A_519, %add3A_973 : f32
            %add3A_975 = vector.broadcast %add3A_974 : f32 to vector<16xf32>
            %add3A_976 = arith.addf %add3A_975, %convert_element_type3A : vector<16xf32>
            %get3A_977 = arith.index_cast %scan3A_822 : i32 to index
            %get3A_978 = arith.constant 64 : index
            %get3A_979 = tpu.vector_load %arg12[%get3A_977, %get3A_978] {strides = array<i32>} : memref<128x128xf32, #tpu.memory_space<vmem>>, vector<16xf32>,
            %add3A_980 = arith.constant 64 : i32
            %add3A_981 = vector.broadcast %add3A_980 : i32 to vector<16xi32>
            %add3A_982 = arith.addi %add3A_981, %iota3A : vector<16xi32>
            %gather3A_983 = tpu.vector_load_idx %arg12[%add3A_982, %broadcast_in_dim3A_828] : memref<128x128xf32, #tpu.memory_space<vmem>>[vector<16xi32>, vector<16xi32>], vector<16xf32>,
            %le3A_984 = vector.broadcast %select_n3A_827 : f32 to vector<16xf32>
            %le3A_985 = arith.cmpf ole, %get3A_979, %le3A_984 : vector<16xf32>
            %gt3A_986 = vector.broadcast %add3A_824 : f32 to vector<16xf32>
            %gt3A_987 = arith.cmpf ogt, %add3A_976, %gt3A_986 : vector<16xf32>
            %and3A_988 = arith.andi %le3A_985, %gt3A_987 : vector<16xi1>
            %le3A_989 = vector.broadcast %select_n3A_827 : f32 to vector<16xf32>
            %le3A_990 = arith.cmpf ole, %gather3A_983, %le3A_989 : vector<16xf32>
            %lt3A_991 = vector.broadcast %add3A_824 : f32 to vector<16xf32>
            %lt3A_992 = arith.cmpf olt, %add3A_976, %lt3A_991 : vector<16xf32>
            %and3A_993 = arith.andi %le3A_990, %lt3A_992 : vector<16xi1>
            %lt3A_994 = arith.cmpf olt, %add3A_824, %select_n3A_304 : f32
            %and3A_995 = vector.broadcast %lt3A_994 : i1 to vector<16xi1>
            %and3A_996 = arith.andi %and3A_993, %and3A_995 : vector<16xi1>
            %or3A_997 = arith.ori %and3A_988, %and3A_996 : vector<16xi1>
            %lt3A_998 = vector.broadcast %select_n3A_304 : f32 to vector<16xf32>
            %lt3A_999 = arith.cmpf olt, %add3A_976, %lt3A_998 : vector<16xf32>
            %and3A_1000 = arith.andi %or3A_997, %lt3A_999 : vector<16xi1>
            %jit3A_1001 = arith.constant 1 : i32
            %jit3A_1002 = arith.constant 0 : i32
            %broadcast_in_dim3A_1003 = vector.broadcast %jit3A_1001 : i32 to vector<16xi32>
            %broadcast_in_dim3A_1004 = vector.broadcast %jit3A_1002 : i32 to vector<16xi32>
            %select_n3A_1005 = arith.select %and3A_1000, %broadcast_in_dim3A_1003, %broadcast_in_dim3A_1004 : vector<16xi1>, vector<16xi32>
            %swap3A_1006 = arith.index_cast %scan3A_822 : i32 to index
            %swap3A_1007 = arith.constant 64 : index
            %swap3A_1008 = tpu.vector_load %arg13[%swap3A_1006, %swap3A_1007] {strides = array<i32>} : memref<128x128xi32, #tpu.memory_space<vmem>>, vector<16xi32>,
            tpu.vector_store %arg13[%swap3A_1006, %swap3A_1007], %select_n3A_1005 {strides = array<i32>} : memref<128x128xi32, #tpu.memory_space<vmem>>, vector<16xi32>,
            %add3A_1009 = arith.constant 8.000000e+01 : f32
            %add3A_1010 = arith.addf %convert_element_type3A_519, %add3A_1009 : f32
            %add3A_1011 = vector.broadcast %add3A_1010 : f32 to vector<16xf32>
            %add3A_1012 = arith.addf %add3A_1011, %convert_element_type3A : vector<16xf32>
            %get3A_1013 = arith.index_cast %scan3A_822 : i32 to index
            %get3A_1014 = arith.constant 80 : index
            %get3A_1015 = tpu.vector_load %arg12[%get3A_1013, %get3A_1014] {strides = array<i32>} : memref<128x128xf32, #tpu.memory_space<vmem>>, vector<16xf32>,
            %add3A_1016 = arith.constant 80 : i32
            %add3A_1017 = vector.broadcast %add3A_1016 : i32 to vector<16xi32>
            %add3A_1018 = arith.addi %add3A_1017, %iota3A : vector<16xi32>
            %gather3A_1019 = tpu.vector_load_idx %arg12[%add3A_1018, %broadcast_in_dim3A_828] : memref<128x128xf32, #tpu.memory_space<vmem>>[vector<16xi32>, vector<16xi32>], vector<16xf32>,
            %le3A_1020 = vector.broadcast %select_n3A_827 : f32 to vector<16xf32>
            %le3A_1021 = arith.cmpf ole, %get3A_1015, %le3A_1020 : vector<16xf32>
            %gt3A_1022 = vector.broadcast %add3A_824 : f32 to vector<16xf32>
            %gt3A_1023 = arith.cmpf ogt, %add3A_1012, %gt3A_1022 : vector<16xf32>
            %and3A_1024 = arith.andi %le3A_1021, %gt3A_1023 : vector<16xi1>
            %le3A_1025 = vector.broadcast %select_n3A_827 : f32 to vector<16xf32>
            %le3A_1026 = arith.cmpf ole, %gather3A_1019, %le3A_1025 : vector<16xf32>
            %lt3A_1027 = vector.broadcast %add3A_824 : f32 to vector<16xf32>
            %lt3A_1028 = arith.cmpf olt, %add3A_1012, %lt3A_1027 : vector<16xf32>
            %and3A_1029 = arith.andi %le3A_1026, %lt3A_1028 : vector<16xi1>
            %lt3A_1030 = arith.cmpf olt, %add3A_824, %select_n3A_304 : f32
            %and3A_1031 = vector.broadcast %lt3A_1030 : i1 to vector<16xi1>
            %and3A_1032 = arith.andi %and3A_1029, %and3A_1031 : vector<16xi1>
            %or3A_1033 = arith.ori %and3A_1024, %and3A_1032 : vector<16xi1>
            %lt3A_1034 = vector.broadcast %select_n3A_304 : f32 to vector<16xf32>
            %lt3A_1035 = arith.cmpf olt, %add3A_1012, %lt3A_1034 : vector<16xf32>
            %and3A_1036 = arith.andi %or3A_1033, %lt3A_1035 : vector<16xi1>
            %jit3A_1037 = arith.constant 1 : i32
            %jit3A_1038 = arith.constant 0 : i32
            %broadcast_in_dim3A_1039 = vector.broadcast %jit3A_1037 : i32 to vector<16xi32>
            %broadcast_in_dim3A_1040 = vector.broadcast %jit3A_1038 : i32 to vector<16xi32>
            %select_n3A_1041 = arith.select %and3A_1036, %broadcast_in_dim3A_1039, %broadcast_in_dim3A_1040 : vector<16xi1>, vector<16xi32>
            %swap3A_1042 = arith.index_cast %scan3A_822 : i32 to index
            %swap3A_1043 = arith.constant 80 : index
            %swap3A_1044 = tpu.vector_load %arg13[%swap3A_1042, %swap3A_1043] {strides = array<i32>} : memref<128x128xi32, #tpu.memory_space<vmem>>, vector<16xi32>,
            tpu.vector_store %arg13[%swap3A_1042, %swap3A_1043], %select_n3A_1041 {strides = array<i32>} : memref<128x128xi32, #tpu.memory_space<vmem>>, vector<16xi32>,
            %add3A_1045 = arith.constant 9.600000e+01 : f32
            %add3A_1046 = arith.addf %convert_element_type3A_519, %add3A_1045 : f32
            %add3A_1047 = vector.broadcast %add3A_1046 : f32 to vector<16xf32>
            %add3A_1048 = arith.addf %add3A_1047, %convert_element_type3A : vector<16xf32>
            %get3A_1049 = arith.index_cast %scan3A_822 : i32 to index
            %get3A_1050 = arith.constant 96 : index
            %get3A_1051 = tpu.vector_load %arg12[%get3A_1049, %get3A_1050] {strides = array<i32>} : memref<128x128xf32, #tpu.memory_space<vmem>>, vector<16xf32>,
            %add3A_1052 = arith.constant 96 : i32
            %add3A_1053 = vector.broadcast %add3A_1052 : i32 to vector<16xi32>
            %add3A_1054 = arith.addi %add3A_1053, %iota3A : vector<16xi32>
            %gather3A_1055 = tpu.vector_load_idx %arg12[%add3A_1054, %broadcast_in_dim3A_828] : memref<128x128xf32, #tpu.memory_space<vmem>>[vector<16xi32>, vector<16xi32>], vector<16xf32>,
            %le3A_1056 = vector.broadcast %select_n3A_827 : f32 to vector<16xf32>
            %le3A_1057 = arith.cmpf ole, %get3A_1051, %le3A_1056 : vector<16xf32>
            %gt3A_1058 = vector.broadcast %add3A_824 : f32 to vector<16xf32>
            %gt3A_1059 = arith.cmpf ogt, %add3A_1048, %gt3A_1058 : vector<16xf32>
            %and3A_1060 = arith.andi %le3A_1057, %gt3A_1059 : vector<16xi1>
            %le3A_1061 = vector.broadcast %select_n3A_827 : f32 to vector<16xf32>
            %le3A_1062 = arith.cmpf ole, %gather3A_1055, %le3A_1061 : vector<16xf32>
            %lt3A_1063 = vector.broadcast %add3A_824 : f32 to vector<16xf32>
            %lt3A_1064 = arith.cmpf olt, %add3A_1048, %lt3A_1063 : vector<16xf32>
            %and3A_1065 = arith.andi %le3A_1062, %lt3A_1064 : vector<16xi1>
            %lt3A_1066 = arith.cmpf olt, %add3A_824, %select_n3A_304 : f32
            %and3A_1067 = vector.broadcast %lt3A_1066 : i1 to vector<16xi1>
            %and3A_1068 = arith.andi %and3A_1065, %and3A_1067 : vector<16xi1>
            %or3A_1069 = arith.ori %and3A_1060, %and3A_1068 : vector<16xi1>
            %lt3A_1070 = vector.broadcast %select_n3A_304 : f32 to vector<16xf32>
            %lt3A_1071 = arith.cmpf olt, %add3A_1048, %lt3A_1070 : vector<16xf32>
            %and3A_1072 = arith.andi %or3A_1069, %lt3A_1071 : vector<16xi1>
            %jit3A_1073 = arith.constant 1 : i32
            %jit3A_1074 = arith.constant 0 : i32
            %broadcast_in_dim3A_1075 = vector.broadcast %jit3A_1073 : i32 to vector<16xi32>
            %broadcast_in_dim3A_1076 = vector.broadcast %jit3A_1074 : i32 to vector<16xi32>
            %select_n3A_1077 = arith.select %and3A_1072, %broadcast_in_dim3A_1075, %broadcast_in_dim3A_1076 : vector<16xi1>, vector<16xi32>
            %swap3A_1078 = arith.index_cast %scan3A_822 : i32 to index
            %swap3A_1079 = arith.constant 96 : index
            %swap3A_1080 = tpu.vector_load %arg13[%swap3A_1078, %swap3A_1079] {strides = array<i32>} : memref<128x128xi32, #tpu.memory_space<vmem>>, vector<16xi32>,
            tpu.vector_store %arg13[%swap3A_1078, %swap3A_1079], %select_n3A_1077 {strides = array<i32>} : memref<128x128xi32, #tpu.memory_space<vmem>>, vector<16xi32>,
            %add3A_1081 = arith.constant 1.120000e+02 : f32
            %add3A_1082 = arith.addf %convert_element_type3A_519, %add3A_1081 : f32
            %add3A_1083 = vector.broadcast %add3A_1082 : f32 to vector<16xf32>
            %add3A_1084 = arith.addf %add3A_1083, %convert_element_type3A : vector<16xf32>
            %get3A_1085 = arith.index_cast %scan3A_822 : i32 to index
            %get3A_1086 = arith.constant 112 : index
            %get3A_1087 = tpu.vector_load %arg12[%get3A_1085, %get3A_1086] {strides = array<i32>} : memref<128x128xf32, #tpu.memory_space<vmem>>, vector<16xf32>,
            %add3A_1088 = arith.constant 112 : i32
            %add3A_1089 = vector.broadcast %add3A_1088 : i32 to vector<16xi32>
            %add3A_1090 = arith.addi %add3A_1089, %iota3A : vector<16xi32>
            %gather3A_1091 = tpu.vector_load_idx %arg12[%add3A_1090, %broadcast_in_dim3A_828] : memref<128x128xf32, #tpu.memory_space<vmem>>[vector<16xi32>, vector<16xi32>], vector<16xf32>,
            %le3A_1092 = vector.broadcast %select_n3A_827 : f32 to vector<16xf32>
            %le3A_1093 = arith.cmpf ole, %get3A_1087, %le3A_1092 : vector<16xf32>
            %gt3A_1094 = vector.broadcast %add3A_824 : f32 to vector<16xf32>
            %gt3A_1095 = arith.cmpf ogt, %add3A_1084, %gt3A_1094 : vector<16xf32>
            %and3A_1096 = arith.andi %le3A_1093, %gt3A_1095 : vector<16xi1>
            %le3A_1097 = vector.broadcast %select_n3A_827 : f32 to vector<16xf32>
            %le3A_1098 = arith.cmpf ole, %gather3A_1091, %le3A_1097 : vector<16xf32>
            %lt3A_1099 = vector.broadcast %add3A_824 : f32 to vector<16xf32>
            %lt3A_1100 = arith.cmpf olt, %add3A_1084, %lt3A_1099 : vector<16xf32>
            %and3A_1101 = arith.andi %le3A_1098, %lt3A_1100 : vector<16xi1>
            %lt3A_1102 = arith.cmpf olt, %add3A_824, %select_n3A_304 : f32
            %and3A_1103 = vector.broadcast %lt3A_1102 : i1 to vector<16xi1>
            %and3A_1104 = arith.andi %and3A_1101, %and3A_1103 : vector<16xi1>
            %or3A_1105 = arith.ori %and3A_1096, %and3A_1104 : vector<16xi1>
            %lt3A_1106 = vector.broadcast %select_n3A_304 : f32 to vector<16xf32>
            %lt3A_1107 = arith.cmpf olt, %add3A_1084, %lt3A_1106 : vector<16xf32>
            %and3A_1108 = arith.andi %or3A_1105, %lt3A_1107 : vector<16xi1>
            %jit3A_1109 = arith.constant 1 : i32
            %jit3A_1110 = arith.constant 0 : i32
            %broadcast_in_dim3A_1111 = vector.broadcast %jit3A_1109 : i32 to vector<16xi32>
            %broadcast_in_dim3A_1112 = vector.broadcast %jit3A_1110 : i32 to vector<16xi32>
            %select_n3A_1113 = arith.select %and3A_1108, %broadcast_in_dim3A_1111, %broadcast_in_dim3A_1112 : vector<16xi1>, vector<16xi32>
            %swap3A_1114 = arith.index_cast %scan3A_822 : i32 to index
            %swap3A_1115 = arith.constant 112 : index
            %swap3A_1116 = tpu.vector_load %arg13[%swap3A_1114, %swap3A_1115] {strides = array<i32>} : memref<128x128xi32, #tpu.memory_space<vmem>>, vector<16xi32>,
            tpu.vector_store %arg13[%swap3A_1114, %swap3A_1115], %select_n3A_1113 {strides = array<i32>} : memref<128x128xi32, #tpu.memory_space<vmem>>, vector<16xi32>,
          }
          %scan3A_532 = arith.constant 128 : i32
          "tpu.region"() ({
            %run_scoped3A = tpu.sem_alloc : memref<!tpu.dma_semaphore, #tpu.memory_space<semaphore_mem>>
            %dma_start3A = tpu.memref_slice %arg7[%mul3A_515, %mul3A_517] : memref<4096x4096xi32, #tpu.memory_space<hbm>> -> memref<128x128xi32, #tpu.memory_space<hbm>>
            %dma_start3A_533 = tpu.memref_slice %arg7[%mul3A_515, %mul3A_517] : memref<4096x4096xi32, #tpu.memory_space<hbm>> -> memref<128x128xi32, #tpu.memory_space<hbm>>
            tpu.enqueue_dma source(%arg13 : memref<128x128xi32, #tpu.memory_space<vmem>>) target(%dma_start3A_533 : memref<128x128xi32, #tpu.memory_space<hbm>>) target_semaphore(%run_scoped3A : memref<!tpu.dma_semaphore, #tpu.memory_space<semaphore_mem>>)
            %dma_wait3A = tpu.memref_slice %arg7[%mul3A_515, %mul3A_517] : memref<4096x4096xi32, #tpu.memory_space<hbm>> -> memref<128x128xi32, #tpu.memory_space<hbm>>
            %dma_wait3A_534 = tpu.memref_slice %arg7[%mul3A_515, %mul3A_517] : memref<4096x4096xi32, #tpu.memory_space<hbm>> -> memref<128x128xi32, #tpu.memory_space<hbm>>
            tpu.wait_dma2 semaphore(%run_scoped3A : memref<!tpu.dma_semaphore, #tpu.memory_space<semaphore_mem>>) src(%arg13 : memref<128x128xi32, #tpu.memory_space<vmem>>) dst(%dma_wait3A_534 : memref<128x128xi32, #tpu.memory_space<hbm>>)
            tpu.yield
          }) : () -> ()
        } else {
        }
      } else {
      }
    }
    %scan3A_314 = arith.constant 17 : i32
    return
  }
}

</mosaic_0001>

<sc_bundles>
// kernel: kernel.3.cloned.1.call-start
scs
__scs_entry_jumppad:
0x0: {  	(pc) =	sbr.rel $0x88, $3  }
0x1: {  	(tag) =	ssettag $0x0;
	lr =	simm.s32 $0x1  }
0x2: {  	[smem:$0x3F9C] =	sst lr;
	_ =	strace $0xD0000000  }
0x3: {  	_ = 	snop  }
0x4: {  	_ = 	snop  }
0x5: {  	_ = 	snop  }
0x6: {  	_ = 	snop  }
0x7: {  	_ = 	snop  }
__scs_overlays_trampoline_lowered:
0x8: {  	[smem:$0x3FAB] =	sst s0  }
0x9: {  	[smem:$0x3FAC] =	sst s1  }
0xa: {  	[smem:$0x3FAD] =	sst s2  }
0xb: {  	[smem:$0x3FAE] =	sst s3  }
0xc: {  	[smem:$0x3FAF] =	sst s4  }
0xd: {  	[smem:$0x3FB0] =	sst s5  }
0xe: {  	[smem:$0x3FB1] =	sst s6  }
0xf: {  	[smem:$0x3FB2] =	sst s7  }
0x10: {  	[smem:$0x3FB3] =	sst s8  }
0x11: {  	[smem:$0x3FB4] =	sst s9;
	s0 =	simm.s32 @!p0 $0x0  }
0x12: {  	s1 =	sld [smem:$0x3F9A];
	s0 =	simm.s32 @p0 $0x1  }
0x13: {  	[smem:$0x3FB5] =	sst s0;
	s0 =	simm.s32 @!p1 $0x0  }
0x14: {  	s2 =	sld [smem:$0x3F99];
	s0 =	simm.s32 @p1 $0x1  }
0x15: {  	[smem:$0x3FB6] =	sst s0;
	s0 =	simm.s32 @!p2 $0x0  }
0x16: {  	s3 =	sld [smem:$0x3FDB];
	s0 =	simm.s32 @p2 $0x1  }
0x17: {  	s4 =	simm.s32 $0x1BF5;
	[smem:$0x3FB8] =	sst s0  }
0x18: {  	s0 =	sld [smem:$0x3F9B];
	_ =	swait.ge [sflag:s4], $0x0  }
0x19: {  	s7 =	sld [smem:$0x3F9C]  }
0x1a: {  	s8 =	sadd.s32 $0xFFFFE003, lr  }
0x1b: {  	s9 =	sadd.s32 $0xFFFFFEF7, lr;
	s5 =	simm.s32 $0xFFFFFFFF;
	p2 =	slt.u32 s8, $0xFFFFF086  }
0x1c: {  	p1 =	slt.u32 s9, $0xF7A;
	s5 =	simm.s32 @!p2 $0x0  }
0x1d: {  	s5 =	simm.s32 @p1 $0x1;
	p0 =	seq.s32 s7, s2  }
0x1e: {  	s7 =	smul.u32 @!p0 $0xF7A, s2;
	p2 =	seq.s32 @!p0 s5, $0x0  }
0x1f: {  	s9 =	smul.u32 $0xF7A, s1;
	s8 =	simm.s32 @!p0 $0x1BF5;
	p2 =	por !p2, p0  }
0x20: {  	[sflag:s8] =	ssyncset.s32 @!p0 $0xFFFFF086;
	s6 =	sadd.s32 @!p0 s3, s7;
	s7 =	simm.s32 @!p0 $0x108  }
0x21: {  	s3 =	sadd.s32 s3, s9;
	s6 =	sadd.s32 @!p0 $0x88, s6;
	s7 =	simm.s32 @p2 $0x1082  }
0x22: {  	[simem:s7], [sflag:s8] =	dma.local @!p0 [hbm:s6], $0xF7A  }
0x23: {  	s9 =	sor.u32 $0xD0000000, s2;
	s6 =	simm.s32 $0x108;
	_ =	swait.ge @!p0 [sflag:s8], $0x0  }
0x24: {  	s3 =	sadd.s32 $0x88, s3;
	s6 =	simm.s32 @!p1 $0x1082;
	[sflag:s4] =	ssyncset.s32 $0xFFFFF086  }
0x25: {  	[simem:s6], [sflag:s4] =	dma.local [hbm:s3], $0xF7A  }
0x26: {  	[smem:$0x3F9C] =	sst s1;
	(tag) =	ssettag s2;
	_ =	strace s9  }
0x27: {  	s1 =	sld [smem:$0x3FAC]  }
0x28: {  	s2 =	sld [smem:$0x3FAD]  }
0x29: {  	s4 =	sld [smem:$0x3FAF]  }
0x2a: {  	p0 =	seq.s32 s5, $0x0;
	s5 =	sld [smem:$0x3FB0]  }
0x2b: {  	s6 =	sld [smem:$0x3FB1]  }
0x2c: {  	s7 =	sld [smem:$0x3FB2]  }
0x2d: {  	s3 =	simm.s32 $0x108;
	s8 =	sld [smem:$0x3FB3]  }
0x2e: {  	s3 =	simm.s32 @!p0 $0x1082;
	s9 =	sld [smem:$0x3FB4]  }
0x2f: {  	lr =	sadd.s32 s0, s3;
	s0 =	sld [smem:$0x3FAB]  }
0x30: {  	s3 =	sld [smem:$0x3FAE]  }
0x31: {  	[smem:$0x3FB7] =	sst s10  }
0x32: {  	s10 =	sld [smem:$0x3FB5];
	_ =	sdelay $0x3  }
0x33: {  	p0 =	seq.s32 s10, $0x1;
	s10 =	sld [smem:$0x3FB7];
	_ =	sdelay $0x3  }
0x34: {  	[smem:$0x3FB7] =	sst s10  }
0x35: {  	s10 =	sld [smem:$0x3FB6];
	_ =	sdelay $0x3  }
0x36: {  	p1 =	seq.s32 s10, $0x1;
	s10 =	sld [smem:$0x3FB7];
	_ =	sdelay $0x3  }
0x37: {  	[smem:$0x3FB7] =	sst s10  }
0x38: {  	s10 =	sld [smem:$0x3FB8]  }
0x39: {  	_ = 	snop;
	(pc) =	sbr.ind lr, $3  }
0x3a: {  	_ = 	snop  }
0x3b: {  	_ = 	snop  }
0x3c: {  	p2 =	seq.s32 s10, $0x1;
	s10 =	sld [smem:$0x3FB7]  }
0x3d: {  	_ =	shalt  }
0x3e: {  	_ =	shalt  }
0x3f: {  	_ =	shalt  }
0x40: {  	_ =	shalt  }
0x41: {  	_ =	shalt  }
0x42: {  	_ =	shalt  }
0x43: {  	_ =	shalt  }
0x44: {  	_ =	shalt  }
0x45: {  	_ =	shalt  }
0x46: {  	_ =	shalt  }
0x47: {  	_ =	shalt  }
0x48: {  	_ =	shalt  }
0x49: {  	_ =	shalt  }
0x4a: {  	_ =	shalt  }
0x4b: {  	_ =	shalt  }
0x4c: {  	_ =	shalt  }
0x4d: {  	_ =	shalt  }
0x4e: {  	_ =	shalt  }
0x4f: {  	_ =	shalt  }
0x50: {  	_ =	shalt  }
0x51: {  	_ =	shalt  }
0x52: {  	_ =	shalt  }
0x53: {  	_ =	shalt  }
0x54: {  	_ =	shalt  }
0x55: {  	_ =	shalt  }
0x56: {  	_ =	shalt  }
0x57: {  	_ =	shalt  }
0x58: {  	_ =	shalt  }
0x59: {  	_ =	shalt  }
0x5a: {  	_ =	shalt  }
0x5b: {  	_ =	shalt  }
0x5c: {  	_ =	shalt  }
0x5d: {  	_ =	shalt  }
0x5e: {  	_ =	shalt  }
0x5f: {  	_ =	shalt  }
0x60: {  	_ =	shalt  }
0x61: {  	_ =	shalt  }
0x62: {  	_ =	shalt  }
0x63: {  	_ =	shalt  }
0x64: {  	_ =	shalt  }
0x65: {  	_ =	shalt  }
0x66: {  	_ =	shalt  }
0x67: {  	_ =	shalt  }
0x68: {  	_ =	shalt  }
0x69: {  	_ =	shalt  }
0x6a: {  	_ =	shalt  }
0x6b: {  	_ =	shalt  }
0x6c: {  	_ =	shalt  }
0x6d: {  	_ =	shalt  }
0x6e: {  	_ =	shalt  }
0x6f: {  	_ =	shalt  }
0x70: {  	_ =	shalt  }
0x71: {  	_ =	shalt  }
0x72: {  	_ =	shalt  }
0x73: {  	_ =	shalt  }
0x74: {  	_ =	shalt  }
0x75: {  	_ =	shalt  }
0x76: {  	_ =	shalt  }
0x77: {  	_ =	shalt  }
0x78: {  	_ =	shalt  }
0x79: {  	_ =	shalt  }
0x7a: {  	_ =	shalt  }
0x7b: {  	_ =	shalt  }
0x7c: {  	_ =	shalt  }
0x7d: {  	_ =	shalt  }
0x7e: {  	_ =	shalt  }
0x7f: {  	_ =	shalt  }
0x80: {  	_ =	shalt  }
0x81: {  	_ =	shalt  }
0x82: {  	_ =	shalt  }
0x83: {  	_ =	shalt  }
0x84: {  	_ =	shalt  }
0x85: {  	_ =	shalt  }
0x86: {  	_ =	shalt  }
0x87: {  	_ =	shalt  }
.Lfunc_end0:
.L_simem_size_0:
called_computation_lowered:
.L_overlay_start_0:
0x88: {  	s2 =	sld [smem:$0x3FD9]  }
0x89: {  	s3 =	sld [smem:$0x3FFE];
	_ =	sdelay $0x1  }
0x8a: {  	s1 =	srdreg.scid  }
0x8b: {  	s0 =	sand.u32 $0x1, s1  }
0x8c: {  	s17 =	sshll.u32 s0, $0xA;
	s2 =	sadd.s32 s3, s2  }
0x8d: {  	s2 =	sadd.s32 s2, s17  }
0x8e: {  	[smem:$0x3FC3] =	sst s2  }
0x8f: {  	_ = 	snop  }
0x90: {  	s2 =	sld [smem:$0x3FC9]  }
0x91: {  	s18 =	sld [smem:$0x3FC8]  }
0x92: {  	s4 =	sld [smem:$0x3FC7]  }
0x93: {  	s5 =	sld [smem:$0x3FC5]  }
0x94: {  	s6 =	sld [smem:$0x3FD0];
	(tm) =	ssettm $0x1  }
0x95: {  	s7 =	sld [smem:$0x3FFB];
	_ =	sdelay $0x3  }
0x96: {  	_ =	strace s7  }
0x97: {  	s7 =	sld [smem:$0x3FFC];
	_ =	sdelay $0x3  }
0x98: {  	_ =	strace s7  }
0x99: {  	s7 =	sld [smem:$0x3FFD];
	_ =	sdelay $0x3  }
0x9a: {  	_ =	strace s7  }
0x9b: {  	_ =	strace $0x8FFFFFFF  }
0x9c: {  	s19 =	sld [smem:$0x3FDB];
	_ =	sdelay $0x1  }
0x9d: {  	s8 =	simm.s32 $_scs_section_size  }
0x9e: {  	s9 =	simm.s32 $_size__tile_overlayer_lowered;
	s10 =	simm.s32 $_tile_overlayer_lowered  }
0x9f: {  	s22 =	simm.s32 $0x1BFF;
	s21 =	sshll.u32 s10, $0x1;
	s7 =	sadd.s32 s8, s19  }
0xa0: {  	s11 =	simm.s32 $0x0;
	s20 =	sshll.u32 s9, $0x1;
	s9 =	sadd.s32 s21, s7  }
0xa1: {  	[timem:s11], [sflag:s22] =	dma.local [hbm:s9], s20  }
0xa2: {  	_ =	swait.ge [sflag:s22], s20  }
0xa3: {  	s8 =	ssub.s32 $0x0, s20;
	[sflag:s22] =	ssyncset.done $0x0  }
0xa4: {  	[sflag:s22] =	ssyncadd.s32 s8;
	_ =	sdelay $0x1  }
0xa5: {  	s23 =	simm.s32 $0x1B8B  }
0xa6: {  	_ =	swait.ge [sflag:s23], $0x1  }
0xa7: {  	[sflag:s23] =	ssyncset.done $0x0  }
0xa8: {  	s25 =	simm.s32 $0x1B8E;
	s24 =	sld [smem:$0x3FFE];
	[sflag:s23] =	ssyncadd.s32 $0xFFFFFFFF  }
0xa9: {  	s26 =	simm.s32 $execute0_lowered;
	[smem:$0x3FD2] =	sst s25  }
0xaa: {  	s9 =	sshll.u32 s26, $0x1;
	_ =	strace $0x80000046;
	[dreg:$0x1] =	wrdreg $0xFFFFFFFF  }
0xab: {  	s28 =	simm.s32 $_size_execute0_lowered;
	s7 =	sadd.s32 s7, s9;
	[dreg:$0x0] =	wrdreg $0x0  }
0xac: {  	s9 =	sshll.u32 s28, $0x1;
	[dreg:$0x2] =	wrdreg s7  }
0xad: {  	[dreg:$0x3] =	wrdreg s9  }
0xae: {  	[dreg:$0x4] =	wrdreg $0xC0  }
0xaf: {  	_ =	task [dreg:s11], $0x5FFFF  }
0xb0: {  	[dreg:$0x1] =	wrdreg $0xFFFFFFFF  }
0xb1: {  	[dreg:$0x0] =	wrdreg $0x60  }
0xb2: {  	[dreg:$0x2] =	wrdreg s2  }
0xb3: {  	[dreg:$0x3] =	wrdreg s18  }
0xb4: {  	[dreg:$0x4] =	wrdreg s4  }
0xb5: {  	[dreg:$0x5] =	wrdreg s24  }
0xb6: {  	[dreg:$0x6] =	wrdreg s5  }
0xb7: {  	[dreg:$0x7] =	wrdreg s6  }
0xb8: {  	[dreg:$0x8] =	wrdreg $0x9  }
0xb9: {  	_ =	task.clear_ibuf [dreg:s11], $0x9FFFF;
	_ =	strace $0x90000046  }
0xba: {  	s29 =	simm.s32 $0x9;
	_ =	strace $0x80000048  }
0xbb: {  	_ =	swait.ge [sflag:s29], $0x1  }
0xbc: {  	[sflag:s29] =	ssyncadd.s32 $0xFFFFFFFF  }
0xbd: {  	_ =	strace $0x90000048  }
0xbe: {  	_ =	sfence  }
0xbf: {  	s30 =	sld [smem:$0x0];
	_ =	sdelay $0x2  }
0xc0: {  	s31 =	sshll.u32 s1, $0xD;
	s1 =	sshrl.u32 s1, $0x2  }
0xc1: {  	s3 =	sand.u32 $0x4000, s31;
	s1 =	sadd.s32 s1, s30  }
0xc2: {  	s0 =	sor.u32 s3, s0;
	s1 =	sshll.u32 s1, $0x11  }
0xc3: {  	s0 =	sor.u32 s1, s0  }
0xc4: {  	s0 =	sadd.s32 $0x8F2B, s0  }
0xc5: {  	[sflag:s0] =	ssyncadd.remote.s32 $0x1  }
0xc6: {  	_ =	sfence.sel $0xFFFF  }
0xc7: {  	[dreg:$0x0] =	wrdreg $0xFFFFFFFF;
	(pc) =	sbr.abs _section_cstart, $3  }
0xc8: {  	[dreg:$0x1] =	wrdreg $0xFFFFFFFF  }
0xc9: {  	_ =	task.clear_ibuf [dreg:s11], $0x2FFFF;
	_ =	strace $0x9FFFFFFF  }
0xca: {  	(tm) =	ssettm $0x7FFFFFFF  }
0xcb: {  	_ =	shalt  }
tec
execute0_lowered:
.L_overlay_start_1:
0x0: {  	(tag) =	ssettag $0x1  }
0x1: {  	v0 =	vimm.f32 $1.500000000e+01;
	vm0 =	vcmask $0x300  }
0x2: {  	v0 =	vsel vm0, $0x0, v0;
	vm0 =	vcmask $0x704  }
0x3: {  	v0 =	vsel vm0, $0x3F800000, v0;
	vm0 =	vcmask $0xB08  }
0x4: {  	v0 =	vsel vm0, $0x40000000, v0;
	vm0 =	vcmask $0xF0C  }
0x5: {  	v0 =	vsel vm0, $0x40400000, v0;
	vm0 =	vcmask $0x1310  }
0x6: {  	v0 =	vsel vm0, $0x40800000, v0;
	vm0 =	vcmask $0x1714  }
0x7: {  	v0 =	vsel vm0, $0x40A00000, v0;
	vm0 =	vcmask $0x1B18  }
0x8: {  	v0 =	vsel vm0, $0x40C00000, v0;
	vm0 =	vcmask $0x1F1C  }
0x9: {  	v0 =	vsel vm0, $0x40E00000, v0;
	vm0 =	vcmask $0x2320  }
0xa: {  	s0 =	rddreg [dreg:$0x3];
	v0 =	vsel vm0, $0x41000000, v0;
	vm0 =	vcmask $0x2724  }
0xb: {  	s3 =	rddreg [dreg:$0x4];
	v0 =	vsel vm0, $0x41100000, v0;
	vm0 =	vcmask $0x2B28  }
0xc: {  	s5 =	rddreg [dreg:$0x5];
	s1 =	srdreg.scid;
	v0 =	vsel vm0, $0x41200000, v0;
	vm0 =	vcmask $0x2F2C  }
0xd: {  	s6 =	simm.s32 $0x0;
	s2 =	stileid.u32;
	s12 =	simm.s32 $0x1;
	v0 =	vsel vm0, $0x41300000, v0;
	vm0 =	vcmask $0x3330  }
0xe: {  	v1 =	vlaneseq.u32;
	s16 =	simm.s32 $0x400;
	s17 =	simm.s32 $0x8000;
	s18 =	simm.s32 $0x200;
	v0 =	vsel vm0, $0x41400000, v0;
	vm0 =	vcmask $0x3734  }
.Ltmp0:
0xf: {  	s19 =	simm.s32 $0x2;
	s7 =	sand.u32 $0x1, s1;
	v2 =	vsel vm0, $0x41500000, v0;
	vm0 =	vcmask $0x3B38;
	v0 =	vmul.u32 $0x80, v1;
	(pc) =	sbr.rel .LBB2_1-.Ltmp0, $4  }
0x10: {  	s20 =	simm.s32 $0x4200;
	s21 =	simm.s32 $0x8200;
	s1 =	ssub.s32 $0x2, s7;
	v1 =	vsel vm0, $0x41600000, v2  }
0x11: {  	s22 =	simm.s32 $0x0;
	[smem:$0x7FF] =	sst s6;
	s4 =	sshrl.u32 s1, $0x1;
	vm0 =	vmxor vm0, vm0;
	v2 =	vimm.s32 $0x0;
	v3 =	vor.u32 $0x800, v0  }
0x12: {  	s0 =	sadd.s32 $0x400, s0;
	s10 =	sshll.u32 s2, $0x1;
	s31 =	ssub.s32 s1, s4;
	v4 =	vor.u32 $0x1000, v0;
	v5 =	vor.u32 $0x1800, v0;
	v6 =	vor.u32 $0x2000, v0  }
0x13: {  	_ =	strace $0x80000047;
	[dreg:$0x7] =	wrdreg s0;
	s11 =	smax.u32 s31, $0x1;
	v7 =	vor.u32 $0x2800, v0;
	v8 =	vor.u32 $0x3000, v0;
	v9 =	vor.u32 $0x3800, v0  }
.LBB2_12:
0x14: {  	s22 =	sadd.s32 $0x1, s22  }
0x15: {  	p0 =	sne.s32 s22, s11  }
.Ltmp1:
0x16: {  	_ = 	snop;
	(pc) =	sbr.rel @!p0 .LBB2_13-.Ltmp1, $1  }
0x17: {  	_ =	sdelay $0x3  }
.LBB2_1:
0x18: {  	s0 =	rddreg [dreg:$0x0]  }
0x19: {  	[tilespmem:s6], [sflag:$0x1] =	stream.linear.gather [hbm4b:s0+s6], $0x80, $0x38;
	[tilespmem:$0xC200] =	vst v63  }
0x1a: {  	_ =	swait.ge [sflag:s12], $0x80  }
0x1b: {  	[sflag:s12] =	ssyncset.done $0x0  }
0x1c: {  	[sflag:s12] =	ssyncadd.s32 $0xFFFFFF80  }
0x1d: {  	s1 =	simm.s32 $0x80;
	s9 =	rddreg [dreg:$0x1]  }
0x1e: {  	[tilespmem:s1], [sflag:$0x1] =	stream.linear.gather [hbm4b:s9+s6], $0x80, $0x38;
	[tilespmem:$0xC200] =	vst v63  }
0x1f: {  	_ =	swait.ge [sflag:s12], $0x80  }
0x20: {  	[sflag:s12] =	ssyncset.done $0x0  }
0x21: {  	[sflag:s12] =	ssyncadd.s32 $0xFFFFFF80  }
0x22: {  	s14 =	simm.s32 $0x100;
	s13 =	rddreg [dreg:$0x2]  }
0x23: {  	[tilespmem:s14], [sflag:$0x1] =	stream.linear.gather [hbm4b:s13+s6], $0x80, $0x38;
	[tilespmem:$0xC200] =	vst v63  }
0x24: {  	_ =	swait.ge [sflag:s12], $0x80  }
0x25: {  	[sflag:s12] =	ssyncset.done $0x0  }
0x26: {  	s23 =	simm.s32 $0x180;
	s15 =	rddreg [dreg:$0x7];
	[sflag:s12] =	ssyncadd.s32 $0xFFFFFF80  }
0x27: {  	[tilespmem:s23], [sflag:$0x1] =	stream.linear.gather [hbm4b:s15+s6], $0x80, $0x38;
	[tilespmem:$0xC200] =	vst v63  }
0x28: {  	_ =	swait.ge [sflag:s12], $0x80  }
0x29: {  	[sflag:s12] =	ssyncset.done $0x0  }
0x2a: {  	[sflag:s12] =	ssyncadd.s32 $0xFFFFFF80  }
0x2b: {  	v10 =	vld [tilespmem:$0x80];
	_ =	sdelay $0x4  }
0x2c: {  	(v2sf) =	vpush v10, $0x0  }
0x2d: {  	(v2sf) =	vpush v10, $0x1;
	_ =	sdelay $0x1  }
0x2e: {  	(v2sf) =	vpush v10, $0x2;
	_ =	sdelay $0x1  }
0x2f: {  	(v2sf) =	vpush v10, $0x3;
	_ =	sdelay $0x1  }
0x30: {  	(v2sf) =	vpush v10, $0x4;
	_ =	sdelay $0x1  }
0x31: {  	(v2sf) =	vpush v10, $0x5;
	_ =	sdelay $0x1  }
0x32: {  	(v2sf) =	vpush v10, $0x6;
	_ =	sdelay $0x1  }
0x33: {  	(v2sf) =	vpush v10, $0x7;
	_ =	sdelay $0x1  }
0x34: {  	(v2sf) =	vpush v10, $0x8;
	s4 =	spop (v2sf)  }
0x35: {  	s24 =	spop (v2sf)  }
0x36: {  	(v2sf) =	vpush v10, $0x9;
	s8 =	sadd.f32 s24, s4  }
0x37: {  	s25 =	spop (v2sf)  }
0x38: {  	(v2sf) =	vpush v10, $0xA;
	s24 =	sadd.f32 s8, s25  }
0x39: {  	s26 =	spop (v2sf)  }
0x3a: {  	(v2sf) =	vpush v10, $0xB;
	s25 =	sadd.f32 s24, s26  }
0x3b: {  	s28 =	spop (v2sf)  }
0x3c: {  	(v2sf) =	vpush v10, $0xC;
	s1 =	sadd.f32 s25, s28  }
0x3d: {  	s29 =	spop (v2sf)  }
0x3e: {  	(v2sf) =	vpush v10, $0xD;
	s23 =	sadd.f32 s1, s29  }
0x3f: {  	v11 =	vld [tilespmem:$0x180];
	s30 =	spop (v2sf)  }
0x40: {  	(v2sf) =	vpush v10, $0xE;
	s28 =	sadd.f32 s23, s30  }
0x41: {  	s31 =	spop (v2sf)  }
0x42: {  	(v2sf) =	vpush v10, $0xF;
	s29 =	sadd.f32 s28, s31  }
0x43: {  	s2 =	spop (v2sf)  }
0x44: {  	(v2sf) =	vpush v11, $0x0;
	s30 =	sadd.f32 s29, s2  }
0x45: {  	s9 =	spop (v2sf)  }
0x46: {  	s31 =	sadd.f32 s30, s9  }
0x47: {  	s13 =	spop (v2sf)  }
0x48: {  	s2 =	sadd.f32 s31, s13  }
0x49: {  	s14 =	spop (v2sf)  }
0x4a: {  	s13 =	sadd.f32 s2, s14  }
0x4b: {  	s15 =	spop (v2sf)  }
0x4c: {  	v10 =	vld [tilespmem:$0x0];
	s14 =	sadd.f32 s13, s15  }
0x4d: {  	v11 =	vld [tilespmem:$0x100];
	s26 =	spop (v2sf)  }
0x4e: {  	s15 =	sadd.f32 s14, s26  }
0x4f: {  	s9 =	spop (v2sf)  }
0x50: {  	s9 =	sadd.f32 s15, s9  }
0x51: {  	(v2sf) =	vpush v10, $0x0;
	s26 =	spop (v2sf)  }
0x52: {  	(v2sf) =	vpush v11, $0x0;
	s0 =	sadd.f32 s9, s26  }
0x53: {  	(v2sf) =	vpush v10, $0x1;
	s26 =	spop (v2sf)  }
0x54: {  	(v2sf) =	vpush v11, $0x1;
	s26 =	smul.f32 s0, s26  }
0x55: {  	(v2sf) =	vpush v10, $0x2  }
0x56: {  	(v2sf) =	vpush v11, $0x2;
	p0 =	sge.f32 s0, s26  }
0x57: {  	(v2sf) =	vpush v10, $0x3;
	s0 =	simm.s32 $0xF;
	p1 =	sge.f32 s9, s26  }
0x58: {  	(v2sf) =	vpush v11, $0x3;
	s0 =	simm.s32 @!p0 $0x0;
	p0 =	sge.f32 s15, s26  }
0x59: {  	(v2sf) =	vpush v10, $0x4;
	s0 =	simm.s32 @p1 $0xE;
	p1 =	sge.f32 s14, s26  }
0x5a: {  	(v2sf) =	vpush v11, $0x4;
	s0 =	simm.s32 @p0 $0xD;
	p0 =	sge.f32 s13, s26  }
0x5b: {  	s0 =	simm.s32 @p1 $0xC;
	p1 =	sge.f32 s2, s26  }
0x5c: {  	(v2sf) =	vpush v10, $0x5;
	s0 =	simm.s32 @p0 $0xB;
	p0 =	sge.f32 s31, s26  }
0x5d: {  	(v2sf) =	vpush v11, $0x5;
	s0 =	simm.s32 @p1 $0xA;
	p1 =	sge.f32 s30, s26  }
0x5e: {  	s0 =	simm.s32 @p0 $0x9;
	p0 =	sge.f32 s29, s26  }
0x5f: {  	(v2sf) =	vpush v10, $0x6;
	s0 =	simm.s32 @p1 $0x8;
	p1 =	sge.f32 s28, s26  }
0x60: {  	(v2sf) =	vpush v11, $0x6;
	s0 =	simm.s32 @p0 $0x7;
	p0 =	sge.f32 s23, s26;
	s23 =	spop (v2sf)  }
0x61: {  	s0 =	simm.s32 @p1 $0x6;
	p1 =	sge.f32 s1, s26;
	s1 =	spop (v2sf)  }
0x62: {  	(v2sf) =	vpush v10, $0x7;
	s2 =	spop (v2sf)  }
0x63: {  	(v2sf) =	vpush v11, $0x7;
	s0 =	simm.s32 @p0 $0x5;
	p0 =	sge.f32 s25, s26;
	s9 =	spop (v2sf)  }
0x64: {  	s0 =	simm.s32 @p1 $0x4;
	p1 =	sge.f32 s24, s26;
	s13 =	spop (v2sf)  }
0x65: {  	(v2sf) =	vpush v10, $0x8;
	s0 =	simm.s32 @p0 $0x3;
	p0 =	sge.f32 s8, s26;
	s14 =	spop (v2sf)  }
0x66: {  	(v2sf) =	vpush v11, $0x8;
	s0 =	simm.s32 @p1 $0x2;
	p1 =	sge.f32 s4, s26;
	s15 =	spop (v2sf)  }
0x67: {  	(v2sf) =	vpush v10, $0x9;
	s0 =	simm.s32 @p0 $0x1;
	s24 =	spop (v2sf)  }
0x68: {  	(v2sf) =	vpush v11, $0x9;
	s0 =	simm.s32 @p1 $0x0;
	s8 =	spop (v2sf)  }
0x69: {  	(v2sf) =	vpush v10, $0xA;
	p0 =	seq.s32 s0, $0x0;
	s4 =	spop (v2sf)  }
0x6a: {  	(v2sf) =	vpush v11, $0xA;
	s23 =	simm.s32 @!p0 $0x0;
	s1 =	simm.s32 @!p0 $0x0;
	p0 =	seq.s32 s0, $0x1  }
0x6b: {  	(v2sf) =	vpush v10, $0xB;
	s25 =	spop (v2sf);
	s23 =	smov.u32 @p0 s2  }
0x6c: {  	(v2sf) =	vpush v11, $0xB;
	s1 =	smov.u32 @p0 s9;
	p0 =	seq.s32 s0, $0x2;
	s26 =	spop (v2sf)  }
0x6d: {  	(v2sf) =	vpush v10, $0xC;
	s23 =	smov.u32 @p0 s13;
	s1 =	smov.u32 @p0 s14;
	p0 =	seq.s32 s0, $0x3  }
0x6e: {  	(v2sf) =	vpush v11, $0xC;
	s28 =	spop (v2sf);
	s23 =	smov.u32 @p0 s15  }
0x6f: {  	(v2sf) =	vpush v10, $0xD;
	s1 =	smov.u32 @p0 s24;
	p0 =	seq.s32 s0, $0x4;
	s29 =	spop (v2sf)  }
0x70: {  	(v2sf) =	vpush v11, $0xD;
	s23 =	smov.u32 @p0 s8;
	s1 =	smov.u32 @p0 s4;
	p0 =	seq.s32 s0, $0x5  }
0x71: {  	(v2sf) =	vpush v10, $0xE;
	s30 =	spop (v2sf);
	s23 =	smov.u32 @p0 s25  }
0x72: {  	s1 =	smov.u32 @p0 s26;
	p0 =	seq.s32 s0, $0x6;
	s2 =	spop (v2sf)  }
0x73: {  	(v2sf) =	vpush v11, $0xE;
	s23 =	smov.u32 @p0 s28;
	s1 =	smov.u32 @p0 s29;
	p0 =	seq.s32 s0, $0x7  }
0x74: {  	(v2sf) =	vpush v10, $0xF;
	s31 =	spop (v2sf);
	s23 =	smov.u32 @p0 s30  }
0x75: {  	(v2sf) =	vpush v11, $0xF;
	s1 =	smov.u32 @p0 s2;
	p0 =	seq.s32 s0, $0x8;
	s9 =	spop (v2sf)  }
0x76: {  	s23 =	smov.u32 @p0 s31;
	s13 =	spop (v2sf)  }
0x77: {  	s1 =	smov.u32 @p0 s9;
	p0 =	seq.s32 s0, $0x9;
	s14 =	spop (v2sf)  }
0x78: {  	s23 =	smov.u32 @p0 s13;
	s15 =	spop (v2sf)  }
0x79: {  	s1 =	smov.u32 @p0 s14;
	p0 =	seq.s32 s0, $0xA;
	s24 =	spop (v2sf)  }
0x7a: {  	s23 =	smov.u32 @p0 s15;
	s4 =	spop (v2sf)  }
0x7b: {  	s1 =	smov.u32 @p0 s24;
	p0 =	seq.s32 s0, $0xB;
	s8 =	spop (v2sf)  }
0x7c: {  	s23 =	smov.u32 @p0 s4;
	s25 =	spop (v2sf)  }
0x7d: {  	s1 =	smov.u32 @p0 s8;
	p0 =	seq.s32 s0, $0xC;
	s26 =	spop (v2sf)  }
0x7e: {  	s23 =	smov.u32 @p0 s25;
	s28 =	spop (v2sf)  }
0x7f: {  	s1 =	smov.u32 @p0 s26;
	p0 =	seq.s32 s0, $0xD;
	s29 =	spop (v2sf)  }
0x80: {  	s23 =	smov.u32 @p0 s28;
	s30 =	spop (v2sf)  }
.Ltmp2:
0x81: {  	s1 =	smov.u32 @p0 s29;
	p0 =	seq.s32 s0, $0xE;
	(pc) =	sbr.rel .LBB2_2-.Ltmp2, $4  }
0x82: {  	s2 =	spop (v2sf);
	s23 =	smov.u32 @p0 s30  }
0x83: {  	s31 =	spop (v2sf);
	s1 =	smov.u32 @p0 s2;
	p0 =	seq.s32 s0, $0xF  }
0x84: {  	s23 =	smov.u32 @p0 s31;
	s0 =	spop (v2sf)  }
0x85: {  	s25 =	simm.s32 $0x0;
	s1 =	smov.u32 @p0 s0;
	v10 =	vmov s23  }
.LBB2_10:
0x86: {  	_ =	swait.ge [sflag:s0], $0x4000  }
0x87: {  	[sflag:s0] =	ssyncset.done $0x0  }
0x88: {  	[sflag:s0] =	ssyncadd.s32 $0xFFFFC000  }
.LBB2_11:
0x89: {  	s25 =	sadd.s32 $0x1, s25  }
0x8a: {  	p0 =	sne.s32 s25, $0x11  }
.Ltmp3:
0x8b: {  	_ = 	snop;
	(pc) =	sbr.rel @!p0 .LBB2_12-.Ltmp3, $1  }
0x8c: {  	_ =	sdelay $0x3  }
.LBB2_2:
0x8d: {  	s0 =	sshll.u32 s25, $0x5  }
0x8e: {  	s24 =	sor.u32 s10, s0  }
0x8f: {  	p0 =	sgt.u32 s24, $0x20F  }
.Ltmp4:
0x90: {  	_ = 	snop;
	(pc) =	sbr.rel @p0 .LBB2_11-.Ltmp4, $1  }
0x91: {  	_ =	sdelay $0x3  }
0x92: {  	s0 =	sor.u32 s7, s24  }
0x93: {  	p0 =	sne.s32 s25, $0x0;
	s2 =	simm.s32 $0x1;
	s4 =	simm.s32 $0x1  }
0x94: {  	s8 =	simm.s32 $0x1;
	s9 =	simm.s32 $0x1;
	s13 =	simm.s32 $0x1  }
0x95: {  	s26 =	simm.s32 $0x1;
	s28 =	simm.s32 $0x1;
	s14 =	simm.s32 $0x1  }
0x96: {  	s15 =	simm.s32 $0x1;
	s29 =	simm.s32 $0x1;
	s30 =	simm.s32 $0x1  }
0x97: {  	s31 =	simm.s32 $0x1;
	p1 =	sgt.u32 s0, $0x3E;
	s2 =	simm.s32 @!p0 $0x0  }
0x98: {  	p0 =	sgt.u32 s0, $0x5C;
	s4 =	simm.s32 @!p1 $0x0;
	p1 =	sgt.u32 s24, $0x79  }
0x99: {  	s8 =	simm.s32 @!p0 $0x0;
	p0 =	sgt.u32 s24, $0x95;
	s9 =	simm.s32 @!p1 $0x0  }
0x9a: {  	p1 =	sgt.u32 s0, $0xB0;
	s13 =	simm.s32 @!p0 $0x0;
	p0 =	sgt.u32 s0, $0xCA  }
0x9b: {  	s26 =	simm.s32 @!p1 $0x0;
	p1 =	sgt.u32 s24, $0xE3;
	s28 =	simm.s32 @!p0 $0x0  }
0x9c: {  	p0 =	sgt.u32 s24, $0xFB;
	s2 =	sadd.s32 s2, s9;
	s9 =	simm.s32 $0x1  }
0x9d: {  	s14 =	simm.s32 @!p1 $0x0;
	p1 =	sgt.u32 s0, $0x112;
	s15 =	simm.s32 @!p0 $0x0  }
0x9e: {  	p0 =	sgt.u32 s24, $0x13D;
	s2 =	sadd.s32 s13, s2;
	s13 =	simm.s32 $0x1  }
0x9f: {  	s29 =	simm.s32 @!p1 $0x0;
	p1 =	sgt.u32 s24, $0x151;
	s30 =	simm.s32 @!p0 $0x0  }
0xa0: {  	p0 =	sgt.u32 s24, $0x187;
	s2 =	sadd.s32 s14, s2;
	s14 =	simm.s32 $0x1  }
0xa1: {  	s31 =	simm.s32 @!p1 $0x0;
	p1 =	sgt.u32 s24, $0x197;
	s9 =	simm.s32 @!p0 $0x0  }
0xa2: {  	p0 =	sgt.u32 s24, $0x1C1;
	s2 =	sadd.s32 s15, s2;
	s15 =	simm.s32 $0x1  }
0xa3: {  	s13 =	simm.s32 @!p1 $0x0;
	p1 =	sgt.u32 s24, $0x1CD;
	s2 =	sadd.s32 s30, s2  }
0xa4: {  	s14 =	simm.s32 @!p0 $0x0;
	p0 =	sgt.u32 s24, $0x1EB;
	s2 =	sadd.s32 s31, s2  }
0xa5: {  	s15 =	simm.s32 @!p1 $0x0;
	p1 =	sgt.u32 s24, $0x1F3;
	s2 =	sadd.s32 s9, s2  }
0xa6: {  	s9 =	simm.s32 $0x1;
	s2 =	sadd.s32 s13, s2;
	s13 =	simm.s32 $0x1  }
0xa7: {  	s9 =	simm.s32 @!p0 $0x0;
	p0 =	sgt.u32 s24, $0x205;
	s2 =	sadd.s32 s14, s2  }
0xa8: {  	s13 =	simm.s32 @!p1 $0x0;
	s14 =	simm.s32 $0x1;
	s2 =	sadd.s32 s15, s2  }
0xa9: {  	p1 =	sgt.u32 s0, $0x128;
	s14 =	simm.s32 @!p0 $0x0;
	s2 =	sadd.s32 s9, s2  }
0xaa: {  	p0 =	sgt.u32 s24, $0x209;
	s9 =	simm.s32 $0x1;
	s2 =	sadd.s32 s13, s2  }
0xab: {  	s15 =	simm.s32 $0x1;
	s9 =	simm.s32 @!p0 $0x0;
	s2 =	sadd.s32 s14, s2  }
0xac: {  	s13 =	simm.s32 $0x1;
	p0 =	sgt.u32 s0, $0x164;
	s2 =	sadd.s32 s9, s2  }
0xad: {  	s14 =	simm.s32 $0x1;
	s13 =	simm.s32 @!p1 $0x0;
	s2 =	sadd.s32 s4, s2  }
0xae: {  	p1 =	sgt.u32 s0, $0x1A6;
	s14 =	simm.s32 @!p0 $0x0;
	s2 =	sadd.s32 s8, s2  }
0xaf: {  	p0 =	sgt.u32 s0, $0x176;
	s9 =	simm.s32 $0x1;
	s2 =	sadd.s32 s26, s2  }
0xb0: {  	s4 =	simm.s32 $0x1;
	s8 =	simm.s32 $0x1;
	s2 =	sadd.s32 s28, s2  }
0xb1: {  	s4 =	simm.s32 @!p0 $0x0;
	p0 =	sgt.u32 s0, $0x1B4;
	s2 =	sadd.s32 s29, s2  }
0xb2: {  	s8 =	simm.s32 @!p1 $0x0;
	p1 =	sgt.u32 s0, $0x1D8;
	s2 =	sadd.s32 s13, s2  }
0xb3: {  	s9 =	simm.s32 @!p0 $0x0;
	p0 =	sgt.u32 s0, $0x1E2;
	s2 =	sadd.s32 s14, s2  }
0xb4: {  	s15 =	simm.s32 @!p1 $0x0;
	s13 =	simm.s32 $0x1;
	s2 =	sadd.s32 s4, s2  }
0xb5: {  	p1 =	sgt.u32 s0, $0x1FA;
	s13 =	simm.s32 @!p0 $0x0;
	s2 =	sadd.s32 s8, s2  }
0xb6: {  	p0 =	sgt.u32 s0, $0x200;
	s4 =	simm.s32 $0x1;
	s2 =	sadd.s32 s9, s2  }
0xb7: {  	s4 =	simm.s32 @!p1 $0x0;
	s8 =	simm.s32 $0x1;
	s2 =	sadd.s32 s15, s2  }
0xb8: {  	p1 =	sgt.u32 s0, $0x20C;
	s9 =	simm.s32 $0x1;
	s2 =	sadd.s32 s13, s2  }
0xb9: {  	s8 =	simm.s32 @!p0 $0x0;
	p0 =	seq.s32 s0, $0x20F;
	s2 =	sadd.s32 s4, s2  }
0xba: {  	s9 =	simm.s32 @!p1 $0x0;
	s4 =	simm.s32 $0x1;
	s2 =	sadd.s32 s8, s2  }
0xbb: {  	s4 =	simm.s32 @!p0 $0x0;
	s2 =	sadd.s32 s9, s2  }
0xbc: {  	s4 =	sadd.s32 s4, s2  }
0xbd: {  	s2 =	ssub.s32 $0x41, s4  }
0xbe: {  	s2 =	smul.u32 s4, s2;
	_ =	sdelay $0x1  }
0xbf: {  	s2 =	sshrl.u32 s2, $0x1  }
0xc0: {  	s15 =	ssub.s32 s0, s2  }
0xc1: {  	s29 =	sadd.s32 s4, s15  }
0xc2: {  	s31 =	sshll.u32 s29, $0x7  }
0xc3: {  	s9 =	scvt.s32.f32 s31;
	_ =	sdelay $0x1  }
0xc4: {  	s24 =	sshll.u32 s4, $0x13;
	s26 =	sshll.u32 s29, $0xA;
	s13 =	sadd.f32 $1.600000000e+01, s9  }
0xc5: {  	s8 =	sadd.s32 s24, s26;
	s14 =	sadd.f32 $3.200000000e+01, s9  }
0xc6: {  	s26 =	sshrl.u32 s8, $0x3;
	s15 =	sadd.f32 $4.800000000e+01, s9  }
0xc7: {  	p0 =	seq.s32 s0, s2;
	s8 =	sadd.s32 s3, s26;
	s24 =	sadd.f32 $6.400000000e+01, s9  }
0xc8: {  	[tilespmem:s18], [sflag:$0x2] =	stream.strided.gather [hbm4b:s8+s16], $0x4000, s17, s16, $0x38;
	[tilespmem:$0xC200] =	vst v63  }
.Ltmp5:
0xc9: {  	s31 =	sadd.f32 $8.000000000e+01, s9;
	(pc) =	sbr.rel @!p0 .LBB2_4-.Ltmp5, $4  }
0xca: {  	v18 =	vadd.f32 s9, v1;
	v17 =	vadd.f32 s13, v1;
	s13 =	sadd.f32 $9.600000000e+01, s9  }
0xcb: {  	v16 =	vadd.f32 s14, v1;
	v15 =	vadd.f32 s15, v1;
	_ =	swait.ge [sflag:s19], $0x4000;
	s9 =	sadd.f32 $1.120000000e+02, s9  }
0xcc: {  	v14 =	vadd.f32 s24, v1;
	v13 =	vadd.f32 s31, v1;
	s31 =	sshll.u32 s4, $0x7;
	[sflag:s19] =	ssyncset.done $0x0  }
0xcd: {  	s30 =	simm.s32 $0x0;
	s28 =	scvt.s32.f32 s31;
	v12 =	vadd.f32 s13, v1;
	[sflag:s19] =	ssyncadd.s32 $0xFFFFC000;
	v11 =	vadd.f32 s9, v1  }
0xce: {  	v19 =	vmov s30  }
0xcf: {  	v19 =	vand.u32 $0x7E, v19  }
0xd0: {  	v19 =	vbroadcast v19, $0x0;
	_ =	sdelay $0x1  }
0xd1: {  	v20 =	vor.u32 v0, v19;
	_ =	sdelay $0x2  }
0xd2: {  	s0 =	scvt.s32.f32 s30;
	_ =	sdelay $0x1  }
0xd3: {  	s4 =	simm.s32 $0x280;
	s0 =	sadd.f32 s0, s28;
	v20 =	vld.idx.msk [tilespmem:v20+s18+$0x0], $0xffff  }
0xd4: {  	v21 =	vld [tilespmem:s4+$0xFFFFFF80]  }
0xd5: {  	p0 =	slt.f32 s0, s23  }
0xd6: {  	s8 =	smov.u32 s1  }
0xd7: {  	vm8 =	vmmov vm0;
	s8 =	simm.s32 @!p0 $0xBF800000  }
0xd8: {  	vm1 =	vgt.f32 v18, s0;
	vm3 =	vlt.f32 v18, s0;
	vm2 =	vle.f32 v20, s8  }
0xd9: {  	vm8 =	vmneg @p0 vm8;
	vm4 =	vle.f32 v21, s8;
	vm2 =	vmand vm3, vm2  }
0xda: {  	v20 =	vor.u32 v3, v19;
	vm3 =	vmand vm1, vm4;
	vm2 =	vmand vm8, vm2  }
0xdb: {  	vm1 =	vlt.f32 v18, v10;
	vm2 =	vmor vm3, vm2  }
0xdc: {  	vm2 =	vmand vm1, vm2  }
0xdd: {  	s29 =	simm.s32 $0x4280;
	v21 =	vsel vm2, $0x1, v2  }
0xde: {  	[tilespmem:s29+$0xFFFFFF80] =	vst v21  }
0xdf: {  	v20 =	vld.idx.msk [tilespmem:v20+s18+$0x0], $0xffff  }
0xe0: {  	v21 =	vld [tilespmem:s4+$0xFFFFFF90];
	_ =	sdelay $0x3  }
0xe1: {  	vm3 =	vlt.f32 v17, s0;
	vm2 =	vle.f32 v20, s8  }
0xe2: {  	vm5 =	vgt.f32 v17, s0;
	vm4 =	vle.f32 v21, s8;
	vm2 =	vmand vm3, vm2  }
0xe3: {  	v20 =	vor.u32 v4, v19;
	vm3 =	vmand vm5, vm4;
	vm4 =	vmand vm8, vm2  }
0xe4: {  	vm2 =	vlt.f32 v17, v10;
	vm3 =	vmor vm3, vm4  }
0xe5: {  	vm3 =	vmand vm2, vm3  }
0xe6: {  	v21 =	vsel vm3, $0x1, v2  }
0xe7: {  	[tilespmem:s29+$0xFFFFFF90] =	vst v21  }
0xe8: {  	v20 =	vld.idx.msk [tilespmem:v20+s18+$0x0], $0xffff  }
0xe9: {  	v21 =	vld [tilespmem:s4+$0xFFFFFFA0];
	_ =	sdelay $0x3  }
0xea: {  	vm4 =	vlt.f32 v16, s0;
	vm3 =	vle.f32 v20, s8  }
0xeb: {  	vm6 =	vgt.f32 v16, s0;
	vm5 =	vle.f32 v21, s8;
	vm3 =	vmand vm4, vm3  }
0xec: {  	v20 =	vor.u32 v5, v19;
	vm4 =	vmand vm6, vm5;
	vm5 =	vmand vm8, vm3  }
0xed: {  	vm3 =	vlt.f32 v16, v10;
	vm4 =	vmor vm4, vm5  }
0xee: {  	vm4 =	vmand vm3, vm4  }
0xef: {  	v21 =	vsel vm4, $0x1, v2  }
0xf0: {  	[tilespmem:s29+$0xFFFFFFA0] =	vst v21  }
0xf1: {  	v20 =	vld.idx.msk [tilespmem:v20+s18+$0x0], $0xffff  }
0xf2: {  	v21 =	vld [tilespmem:s4+$0xFFFFFFB0];
	_ =	sdelay $0x3  }
0xf3: {  	vm5 =	vlt.f32 v15, s0;
	vm4 =	vle.f32 v20, s8  }
0xf4: {  	vm7 =	vgt.f32 v15, s0;
	vm6 =	vle.f32 v21, s8;
	vm4 =	vmand vm5, vm4  }
0xf5: {  	v20 =	vor.u32 v6, v19;
	vm5 =	vmand vm7, vm6;
	vm6 =	vmand vm8, vm4  }
0xf6: {  	vm4 =	vlt.f32 v15, v10;
	vm5 =	vmor vm5, vm6  }
0xf7: {  	vm5 =	vmand vm4, vm5  }
0xf8: {  	v21 =	vsel vm5, $0x1, v2  }
0xf9: {  	[tilespmem:s29+$0xFFFFFFB0] =	vst v21  }
0xfa: {  	v20 =	vld.idx.msk [tilespmem:v20+s18+$0x0], $0xffff  }
0xfb: {  	v21 =	vld [tilespmem:s4+$0xFFFFFFC0];
	_ =	sdelay $0x3  }
0xfc: {  	vm6 =	vlt.f32 v14, s0;
	vm5 =	vle.f32 v20, s8  }
0xfd: {  	vm9 =	vgt.f32 v14, s0;
	vm7 =	vle.f32 v21, s8;
	vm5 =	vmand vm6, vm5  }
0xfe: {  	v20 =	vor.u32 v7, v19;
	vm6 =	vmand vm9, vm7;
	vm7 =	vmand vm8, vm5  }
0xff: {  	vm5 =	vlt.f32 v14, v10;
	vm6 =	vmor vm6, vm7  }
0x100: {  	vm6 =	vmand vm5, vm6  }
0x101: {  	v21 =	vsel vm6, $0x1, v2  }
0x102: {  	[tilespmem:s29+$0xFFFFFFC0] =	vst v21  }
0x103: {  	v20 =	vld.idx.msk [tilespmem:v20+s18+$0x0], $0xffff  }
0x104: {  	v21 =	vld [tilespmem:s4+$0xFFFFFFD0];
	_ =	sdelay $0x3  }
0x105: {  	vm7 =	vlt.f32 v13, s0;
	vm6 =	vle.f32 v20, s8  }
0x106: {  	vm10 =	vgt.f32 v13, s0;
	vm9 =	vle.f32 v21, s8;
	vm6 =	vmand vm7, vm6  }
0x107: {  	v20 =	vor.u32 v8, v19;
	vm7 =	vmand vm10, vm9;
	vm9 =	vmand vm8, vm6  }
0x108: {  	vm6 =	vlt.f32 v13, v10;
	vm7 =	vmor vm7, vm9  }
0x109: {  	vm7 =	vmand vm6, vm7  }
0x10a: {  	v21 =	vsel vm7, $0x1, v2  }
0x10b: {  	[tilespmem:s29+$0xFFFFFFD0] =	vst v21  }
0x10c: {  	v20 =	vld.idx.msk [tilespmem:v20+s18+$0x0], $0xffff  }
0x10d: {  	v21 =	vld [tilespmem:s4+$0xFFFFFFE0];
	_ =	sdelay $0x3  }
0x10e: {  	vm9 =	vlt.f32 v12, s0;
	vm7 =	vle.f32 v20, s8  }
0x10f: {  	vm11 =	vgt.f32 v12, s0;
	vm10 =	vle.f32 v21, s8;
	vm7 =	vmand vm9, vm7  }
0x110: {  	v19 =	vor.u32 v9, v19;
	vm9 =	vmand vm11, vm10;
	vm10 =	vmand vm8, vm7  }
0x111: {  	vm7 =	vlt.f32 v12, v10;
	vm9 =	vmor vm9, vm10  }
0x112: {  	vm9 =	vmand vm7, vm9  }
0x113: {  	v20 =	vsel vm9, $0x1, v2  }
0x114: {  	[tilespmem:s29+$0xFFFFFFE0] =	vst v20  }
0x115: {  	v19 =	vld.idx.msk [tilespmem:v19+s18+$0x0], $0xffff  }
0x116: {  	v20 =	vld [tilespmem:s4+$0xFFFFFFF0]  }
0x117: {  	s2 =	simm.s32 $0x1  }
0x118: {  	v21 =	vmov s2  }
0x119: {  	v21 =	vand.u32 $0x7F, v21  }
0x11a: {  	vm10 =	vlt.f32 v11, s0;
	vm9 =	vle.f32 v19, s8;
	v19 =	vbroadcast v21, $0x0  }
0x11b: {  	vm12 =	vgt.f32 v11, s0;
	vm11 =	vle.f32 v20, s8;
	vm9 =	vmand vm10, vm9  }
0x11c: {  	vm10 =	vmand vm12, vm11;
	vm9 =	vmand vm8, vm9;
	v20 =	vor.u32 v0, v19  }
0x11d: {  	vm8 =	vlt.f32 v11, v10;
	vm9 =	vmor vm10, vm9  }
0x11e: {  	vm9 =	vmand vm8, vm9  }
0x11f: {  	s24 =	scvt.s32.f32 s2;
	v21 =	vsel vm9, $0x1, v2  }
0x120: {  	[tilespmem:s29+$0xFFFFFFF0] =	vst v21  }
0x121: {  	s0 =	sadd.f32 s24, s28;
	v20 =	vld.idx.msk [tilespmem:v20+s18+$0x0], $0xffff  }
0x122: {  	v21 =	vld [tilespmem:s4+$0x0]  }
0x123: {  	p0 =	slt.f32 s0, s23  }
0x124: {  	s8 =	smov.u32 s1  }
0x125: {  	s8 =	simm.s32 @!p0 $0xBF800000;
	vm12 =	vlt.f32 v18, s0  }
0x126: {  	vm10 =	vgt.f32 v18, s0;
	vm9 =	vmmov vm0;
	vm11 =	vle.f32 v20, s8  }
0x127: {  	vm9 =	vmneg @p0 vm9;
	vm13 =	vle.f32 v21, s8;
	vm11 =	vmand vm12, vm11  }
0x128: {  	v20 =	vor.u32 v3, v19;
	vm10 =	vmand vm10, vm13;
	vm11 =	vmand vm9, vm11  }
0x129: {  	vm10 =	vmor vm10, vm11  }
0x12a: {  	vm10 =	vmand vm1, vm10  }
0x12b: {  	v21 =	vsel vm10, $0x1, v2  }
0x12c: {  	[tilespmem:s29+$0x0] =	vst v21  }
0x12d: {  	v20 =	vld.idx.msk [tilespmem:v20+s18+$0x0], $0xffff  }
0x12e: {  	v21 =	vld [tilespmem:s4+$0x10];
	_ =	sdelay $0x3  }
0x12f: {  	vm11 =	vlt.f32 v17, s0;
	vm10 =	vle.f32 v20, s8  }
0x130: {  	vm13 =	vgt.f32 v17, s0;
	vm12 =	vle.f32 v21, s8;
	vm10 =	vmand vm11, vm10  }
0x131: {  	v20 =	vor.u32 v4, v19;
	vm11 =	vmand vm13, vm12;
	vm10 =	vmand vm9, vm10  }
0x132: {  	vm10 =	vmor vm11, vm10  }
0x133: {  	vm10 =	vmand vm2, vm10  }
0x134: {  	v21 =	vsel vm10, $0x1, v2  }
0x135: {  	[tilespmem:s29+$0x10] =	vst v21  }
0x136: {  	v20 =	vld.idx.msk [tilespmem:v20+s18+$0x0], $0xffff  }
0x137: {  	v21 =	vld [tilespmem:s4+$0x20];
	_ =	sdelay $0x3  }
0x138: {  	vm11 =	vlt.f32 v16, s0;
	vm10 =	vle.f32 v20, s8  }
0x139: {  	vm13 =	vgt.f32 v16, s0;
	vm12 =	vle.f32 v21, s8;
	vm10 =	vmand vm11, vm10  }
0x13a: {  	v20 =	vor.u32 v5, v19;
	vm11 =	vmand vm13, vm12;
	vm10 =	vmand vm9, vm10  }
0x13b: {  	vm10 =	vmor vm11, vm10  }
0x13c: {  	vm10 =	vmand vm3, vm10  }
0x13d: {  	v21 =	vsel vm10, $0x1, v2  }
0x13e: {  	[tilespmem:s29+$0x20] =	vst v21  }
0x13f: {  	v20 =	vld.idx.msk [tilespmem:v20+s18+$0x0], $0xffff  }
0x140: {  	v21 =	vld [tilespmem:s4+$0x30];
	_ =	sdelay $0x3  }
0x141: {  	vm11 =	vlt.f32 v15, s0;
	vm10 =	vle.f32 v20, s8  }
0x142: {  	vm13 =	vgt.f32 v15, s0;
	vm12 =	vle.f32 v21, s8;
	vm10 =	vmand vm11, vm10  }
0x143: {  	v20 =	vor.u32 v6, v19;
	vm11 =	vmand vm13, vm12;
	vm10 =	vmand vm9, vm10  }
0x144: {  	vm10 =	vmor vm11, vm10  }
0x145: {  	vm10 =	vmand vm4, vm10  }
0x146: {  	v21 =	vsel vm10, $0x1, v2  }
0x147: {  	[tilespmem:s29+$0x30] =	vst v21  }
0x148: {  	v20 =	vld.idx.msk [tilespmem:v20+s18+$0x0], $0xffff  }
0x149: {  	v21 =	vld [tilespmem:s4+$0x40];
	_ =	sdelay $0x3  }
0x14a: {  	vm11 =	vlt.f32 v14, s0;
	vm10 =	vle.f32 v20, s8  }
0x14b: {  	vm13 =	vgt.f32 v14, s0;
	vm12 =	vle.f32 v21, s8;
	vm10 =	vmand vm11, vm10  }
0x14c: {  	v20 =	vor.u32 v7, v19;
	vm11 =	vmand vm13, vm12;
	vm10 =	vmand vm9, vm10  }
0x14d: {  	vm10 =	vmor vm11, vm10  }
0x14e: {  	vm10 =	vmand vm5, vm10  }
0x14f: {  	v21 =	vsel vm10, $0x1, v2  }
0x150: {  	[tilespmem:s29+$0x40] =	vst v21  }
0x151: {  	v20 =	vld.idx.msk [tilespmem:v20+s18+$0x0], $0xffff  }
0x152: {  	v21 =	vld [tilespmem:s4+$0x50];
	_ =	sdelay $0x3  }
0x153: {  	vm11 =	vlt.f32 v13, s0;
	vm10 =	vle.f32 v20, s8  }
0x154: {  	vm13 =	vgt.f32 v13, s0;
	vm12 =	vle.f32 v21, s8;
	vm10 =	vmand vm11, vm10  }
0x155: {  	v20 =	vor.u32 v8, v19;
	vm11 =	vmand vm13, vm12;
	vm10 =	vmand vm9, vm10  }
0x156: {  	vm10 =	vmor vm11, vm10  }
0x157: {  	vm10 =	vmand vm6, vm10  }
0x158: {  	v21 =	vsel vm10, $0x1, v2  }
0x159: {  	[tilespmem:s29+$0x50] =	vst v21  }
0x15a: {  	v20 =	vld.idx.msk [tilespmem:v20+s18+$0x0], $0xffff  }
0x15b: {  	v21 =	vld [tilespmem:s4+$0x60];
	_ =	sdelay $0x3  }
0x15c: {  	vm11 =	vlt.f32 v12, s0;
	vm10 =	vle.f32 v20, s8  }
0x15d: {  	vm13 =	vgt.f32 v12, s0;
	vm12 =	vle.f32 v21, s8;
	vm10 =	vmand vm11, vm10  }
0x15e: {  	v19 =	vor.u32 v9, v19;
	vm11 =	vmand vm13, vm12;
	vm10 =	vmand vm9, vm10  }
0x15f: {  	vm10 =	vmor vm11, vm10  }
0x160: {  	vm10 =	vmand vm7, vm10  }
0x161: {  	v20 =	vsel vm10, $0x1, v2  }
0x162: {  	[tilespmem:s29+$0x60] =	vst v20  }
0x163: {  	v19 =	vld.idx.msk [tilespmem:v19+s18+$0x0], $0xffff  }
0x164: {  	v20 =	vld [tilespmem:s4+$0x70];
	_ =	sdelay $0x1  }
0x165: {  	s31 =	simm.s32 $0x2  }
0x166: {  	v21 =	vmov s31;
	vm13 =	vgt.f32 v11, s0  }
0x167: {  	vm10 =	vlt.f32 v11, s0;
	vm11 =	vle.f32 v19, s8;
	v19 =	vand.u32 $0x7E, v21  }
0x168: {  	vm12 =	vle.f32 v20, s8;
	vm10 =	vmand vm10, vm11;
	v19 =	vbroadcast v19, $0x0  }
0x169: {  	vm11 =	vmand vm13, vm12;
	vm9 =	vmand vm9, vm10  }
0x16a: {  	vm9 =	vmor vm11, vm9;
	v20 =	vor.u32 v0, v19  }
0x16b: {  	vm9 =	vmand vm8, vm9  }
0x16c: {  	s30 =	simm.s32 $0x380;
	s0 =	simm.s32 $0x4;
	v21 =	vsel vm9, $0x1, v2  }
.LBB2_8:
0x16d: {  	s2 =	scvt.s32.f32 s31  }
0x16e: {  	[tilespmem:s29+$0x70] =	vst v21;
	s29 =	sadd.s32 $0x100, s29;
	s8 =	smov.u32 s0;
	s4 =	sadd.s32 $0x2, s0  }
0x16f: {  	p0 =	slt.u32 s0, $0x7E;
	v20 =	vld.idx.msk [tilespmem:v20+s18+$0x0], $0xffff;
	s0 =	sadd.f32 s2, s28;
	_ =	sdelay $0x1  }
0x170: {  	v21 =	vld [tilespmem:s30+$0xFFFFFF80];
	p1 =	slt.f32 s0, s23  }
0x171: {  	s24 =	smov.u32 s1  }
0x172: {  	s24 =	simm.s32 @!p1 $0xBF800000  }
0x173: {  	vm11 =	vlt.f32 v18, s0;
	vm9 =	vle.f32 v20, s24  }
0x174: {  	vm10 =	vgt.f32 v18, s0;
	vm11 =	vmand vm11, vm9;
	vm9 =	vmmov vm0  }
0x175: {  	vm12 =	vle.f32 v21, s24;
	vm9 =	vmneg @p1 vm9  }
0x176: {  	v20 =	vor.u32 v3, v19;
	vm10 =	vmand vm10, vm12;
	vm11 =	vmand vm9, vm11  }
0x177: {  	vm10 =	vmor vm10, vm11  }
0x178: {  	vm10 =	vmand vm1, vm10  }
0x179: {  	v21 =	vsel vm10, $0x1, v2  }
0x17a: {  	[tilespmem:s29+$0xFFFFFF80] =	vst v21  }
0x17b: {  	v20 =	vld.idx.msk [tilespmem:v20+s18+$0x0], $0xffff;
	_ =	sdelay $0x1  }
0x17c: {  	v21 =	vld [tilespmem:s30+$0xFFFFFF90];
	_ =	sdelay $0x3  }
0x17d: {  	vm11 =	vlt.f32 v17, s0;
	vm10 =	vle.f32 v20, s24  }
0x17e: {  	vm13 =	vgt.f32 v17, s0;
	vm10 =	vmand vm11, vm10;
	vm12 =	vle.f32 v21, s24  }
0x17f: {  	v20 =	vor.u32 v4, v19;
	vm10 =	vmand vm9, vm10;
	vm11 =	vmand vm13, vm12  }
0x180: {  	vm10 =	vmor vm11, vm10  }
0x181: {  	vm10 =	vmand vm2, vm10  }
0x182: {  	v21 =	vsel vm10, $0x1, v2  }
0x183: {  	[tilespmem:s29+$0xFFFFFF90] =	vst v21  }
0x184: {  	v20 =	vld.idx.msk [tilespmem:v20+s18+$0x0], $0xffff;
	_ =	sdelay $0x1  }
0x185: {  	v21 =	vld [tilespmem:s30+$0xFFFFFFA0];
	_ =	sdelay $0x3  }
0x186: {  	vm11 =	vlt.f32 v16, s0;
	vm10 =	vle.f32 v20, s24  }
0x187: {  	vm13 =	vgt.f32 v16, s0;
	vm10 =	vmand vm11, vm10;
	vm12 =	vle.f32 v21, s24  }
0x188: {  	v20 =	vor.u32 v5, v19;
	vm10 =	vmand vm9, vm10;
	vm11 =	vmand vm13, vm12  }
0x189: {  	vm10 =	vmor vm11, vm10  }
0x18a: {  	vm10 =	vmand vm3, vm10  }
0x18b: {  	v21 =	vsel vm10, $0x1, v2  }
0x18c: {  	[tilespmem:s29+$0xFFFFFFA0] =	vst v21  }
0x18d: {  	v20 =	vld.idx.msk [tilespmem:v20+s18+$0x0], $0xffff;
	_ =	sdelay $0x1  }
0x18e: {  	v21 =	vld [tilespmem:s30+$0xFFFFFFB0];
	_ =	sdelay $0x3  }
0x18f: {  	vm11 =	vlt.f32 v15, s0;
	vm10 =	vle.f32 v20, s24  }
0x190: {  	vm13 =	vgt.f32 v15, s0;
	vm10 =	vmand vm11, vm10;
	vm12 =	vle.f32 v21, s24  }
0x191: {  	v20 =	vor.u32 v6, v19;
	vm10 =	vmand vm9, vm10;
	vm11 =	vmand vm13, vm12  }
0x192: {  	vm10 =	vmor vm11, vm10  }
0x193: {  	vm10 =	vmand vm4, vm10  }
0x194: {  	v21 =	vsel vm10, $0x1, v2  }
0x195: {  	[tilespmem:s29+$0xFFFFFFB0] =	vst v21  }
0x196: {  	v20 =	vld.idx.msk [tilespmem:v20+s18+$0x0], $0xffff;
	_ =	sdelay $0x1  }
0x197: {  	v21 =	vld [tilespmem:s30+$0xFFFFFFC0];
	_ =	sdelay $0x3  }
0x198: {  	vm11 =	vlt.f32 v14, s0;
	vm10 =	vle.f32 v20, s24  }
0x199: {  	vm13 =	vgt.f32 v14, s0;
	vm10 =	vmand vm11, vm10;
	vm12 =	vle.f32 v21, s24  }
0x19a: {  	v20 =	vor.u32 v7, v19;
	vm10 =	vmand vm9, vm10;
	vm11 =	vmand vm13, vm12  }
0x19b: {  	vm10 =	vmor vm11, vm10  }
0x19c: {  	vm10 =	vmand vm5, vm10  }
0x19d: {  	v21 =	vsel vm10, $0x1, v2  }
0x19e: {  	[tilespmem:s29+$0xFFFFFFC0] =	vst v21  }
0x19f: {  	v20 =	vld.idx.msk [tilespmem:v20+s18+$0x0], $0xffff;
	_ =	sdelay $0x1  }
0x1a0: {  	v21 =	vld [tilespmem:s30+$0xFFFFFFD0];
	_ =	sdelay $0x3  }
0x1a1: {  	vm11 =	vlt.f32 v13, s0;
	vm10 =	vle.f32 v20, s24  }
0x1a2: {  	vm13 =	vgt.f32 v13, s0;
	vm10 =	vmand vm11, vm10;
	vm12 =	vle.f32 v21, s24  }
0x1a3: {  	v20 =	vor.u32 v8, v19;
	vm10 =	vmand vm9, vm10;
	vm11 =	vmand vm13, vm12  }
0x1a4: {  	vm10 =	vmor vm11, vm10  }
0x1a5: {  	vm10 =	vmand vm6, vm10  }
0x1a6: {  	v21 =	vsel vm10, $0x1, v2  }
0x1a7: {  	[tilespmem:s29+$0xFFFFFFD0] =	vst v21  }
0x1a8: {  	v20 =	vld.idx.msk [tilespmem:v20+s18+$0x0], $0xffff;
	_ =	sdelay $0x1  }
0x1a9: {  	v21 =	vld [tilespmem:s30+$0xFFFFFFE0];
	_ =	sdelay $0x3  }
0x1aa: {  	vm11 =	vlt.f32 v12, s0;
	vm10 =	vle.f32 v20, s24  }
0x1ab: {  	vm13 =	vgt.f32 v12, s0;
	vm10 =	vmand vm11, vm10;
	vm12 =	vle.f32 v21, s24  }
0x1ac: {  	v19 =	vor.u32 v9, v19;
	vm10 =	vmand vm9, vm10;
	vm11 =	vmand vm13, vm12  }
0x1ad: {  	vm10 =	vmor vm11, vm10  }
0x1ae: {  	vm10 =	vmand vm7, vm10  }
0x1af: {  	v20 =	vsel vm10, $0x1, v2  }
0x1b0: {  	[tilespmem:s29+$0xFFFFFFE0] =	vst v20  }
0x1b1: {  	v19 =	vld.idx.msk [tilespmem:v19+s18+$0x0], $0xffff;
	_ =	sdelay $0x1  }
0x1b2: {  	v20 =	vld [tilespmem:s30+$0xFFFFFFF0]  }
0x1b3: {  	s2 =	sadd.s32 $0x1, s31;
	s31 =	smov.u32 s8  }
0x1b4: {  	s8 =	scvt.s32.f32 s2;
	v21 =	vmov s2  }
0x1b5: {  	v21 =	vand.u32 $0x7F, v21  }
0x1b6: {  	s8 =	sadd.f32 s8, s28;
	vm11 =	vlt.f32 v11, s0;
	vm10 =	vle.f32 v19, s24;
	v19 =	vbroadcast v21, $0x0  }
0x1b7: {  	vm13 =	vgt.f32 v11, s0;
	vm10 =	vmand vm11, vm10;
	vm12 =	vle.f32 v20, s24  }
0x1b8: {  	p1 =	slt.f32 s8, s23;
	vm9 =	vmand vm9, vm10;
	v20 =	vor.u32 v0, v19;
	vm11 =	vmand vm13, vm12  }
0x1b9: {  	vm9 =	vmor vm11, vm9  }
0x1ba: {  	vm9 =	vmand vm8, vm9  }
0x1bb: {  	v21 =	vsel vm9, $0x1, v2  }
0x1bc: {  	[tilespmem:s29+$0xFFFFFFF0] =	vst v21  }
0x1bd: {  	v20 =	vld.idx.msk [tilespmem:v20+s18+$0x0], $0xffff;
	_ =	sdelay $0x1  }
0x1be: {  	v21 =	vld [tilespmem:s30+$0x0]  }
0x1bf: {  	s0 =	smov.u32 s1  }
0x1c0: {  	s0 =	simm.s32 @!p1 $0xBF800000  }
0x1c1: {  	vm11 =	vlt.f32 v18, s8;
	vm9 =	vle.f32 v20, s0  }
0x1c2: {  	vm10 =	vgt.f32 v18, s8;
	vm11 =	vmand vm11, vm9;
	vm9 =	vmmov vm0  }
0x1c3: {  	vm12 =	vle.f32 v21, s0;
	vm9 =	vmneg @p1 vm9  }
0x1c4: {  	v20 =	vor.u32 v3, v19;
	vm10 =	vmand vm10, vm12;
	vm11 =	vmand vm9, vm11  }
0x1c5: {  	vm10 =	vmor vm10, vm11  }
0x1c6: {  	vm10 =	vmand vm1, vm10  }
0x1c7: {  	v21 =	vsel vm10, $0x1, v2  }
0x1c8: {  	[tilespmem:s29+$0x0] =	vst v21  }
0x1c9: {  	v20 =	vld.idx.msk [tilespmem:v20+s18+$0x0], $0xffff  }
0x1ca: {  	v21 =	vld [tilespmem:s30+$0x10];
	_ =	sdelay $0x4  }
0x1cb: {  	vm12 =	vlt.f32 v17, s8;
	vm11 =	vle.f32 v20, s0;
	vm10 =	vle.f32 v21, s0  }
0x1cc: {  	vm13 =	vgt.f32 v17, s8;
	vm11 =	vmand vm12, vm11  }
0x1cd: {  	v20 =	vor.u32 v4, v19;
	vm10 =	vmand vm13, vm10;
	vm11 =	vmand vm9, vm11  }
0x1ce: {  	vm10 =	vmor vm10, vm11  }
0x1cf: {  	vm10 =	vmand vm2, vm10  }
0x1d0: {  	v21 =	vsel vm10, $0x1, v2  }
0x1d1: {  	[tilespmem:s29+$0x10] =	vst v21  }
0x1d2: {  	v20 =	vld.idx.msk [tilespmem:v20+s18+$0x0], $0xffff  }
0x1d3: {  	v21 =	vld [tilespmem:s30+$0x20];
	_ =	sdelay $0x4  }
0x1d4: {  	vm12 =	vlt.f32 v16, s8;
	vm11 =	vle.f32 v20, s0;
	vm10 =	vle.f32 v21, s0  }
0x1d5: {  	vm13 =	vgt.f32 v16, s8;
	vm11 =	vmand vm12, vm11  }
0x1d6: {  	v20 =	vor.u32 v5, v19;
	vm10 =	vmand vm13, vm10;
	vm11 =	vmand vm9, vm11  }
0x1d7: {  	vm10 =	vmor vm10, vm11  }
0x1d8: {  	vm10 =	vmand vm3, vm10  }
0x1d9: {  	v21 =	vsel vm10, $0x1, v2  }
0x1da: {  	[tilespmem:s29+$0x20] =	vst v21  }
0x1db: {  	v20 =	vld.idx.msk [tilespmem:v20+s18+$0x0], $0xffff  }
0x1dc: {  	v21 =	vld [tilespmem:s30+$0x30];
	_ =	sdelay $0x4  }
0x1dd: {  	vm12 =	vlt.f32 v15, s8;
	vm11 =	vle.f32 v20, s0;
	vm10 =	vle.f32 v21, s0  }
0x1de: {  	vm13 =	vgt.f32 v15, s8;
	vm11 =	vmand vm12, vm11  }
0x1df: {  	v20 =	vor.u32 v6, v19;
	vm10 =	vmand vm13, vm10;
	vm11 =	vmand vm9, vm11  }
0x1e0: {  	vm10 =	vmor vm10, vm11  }
0x1e1: {  	vm10 =	vmand vm4, vm10  }
0x1e2: {  	v21 =	vsel vm10, $0x1, v2  }
0x1e3: {  	[tilespmem:s29+$0x30] =	vst v21  }
0x1e4: {  	v20 =	vld.idx.msk [tilespmem:v20+s18+$0x0], $0xffff  }
0x1e5: {  	v21 =	vld [tilespmem:s30+$0x40];
	_ =	sdelay $0x4  }
0x1e6: {  	vm12 =	vlt.f32 v14, s8;
	vm11 =	vle.f32 v20, s0;
	vm10 =	vle.f32 v21, s0  }
0x1e7: {  	vm13 =	vgt.f32 v14, s8;
	vm11 =	vmand vm12, vm11  }
0x1e8: {  	v20 =	vor.u32 v7, v19;
	vm10 =	vmand vm13, vm10;
	vm11 =	vmand vm9, vm11  }
0x1e9: {  	vm10 =	vmor vm10, vm11  }
0x1ea: {  	vm10 =	vmand vm5, vm10  }
0x1eb: {  	v21 =	vsel vm10, $0x1, v2  }
0x1ec: {  	[tilespmem:s29+$0x40] =	vst v21  }
0x1ed: {  	v20 =	vld.idx.msk [tilespmem:v20+s18+$0x0], $0xffff  }
0x1ee: {  	v21 =	vld [tilespmem:s30+$0x50];
	_ =	sdelay $0x4  }
0x1ef: {  	vm12 =	vlt.f32 v13, s8;
	vm11 =	vle.f32 v20, s0;
	vm10 =	vle.f32 v21, s0  }
0x1f0: {  	vm13 =	vgt.f32 v13, s8;
	vm11 =	vmand vm12, vm11  }
0x1f1: {  	v20 =	vor.u32 v8, v19;
	vm10 =	vmand vm13, vm10;
	vm11 =	vmand vm9, vm11  }
0x1f2: {  	vm10 =	vmor vm10, vm11  }
0x1f3: {  	vm10 =	vmand vm6, vm10  }
0x1f4: {  	v21 =	vsel vm10, $0x1, v2  }
0x1f5: {  	[tilespmem:s29+$0x50] =	vst v21  }
0x1f6: {  	v20 =	vld.idx.msk [tilespmem:v20+s18+$0x0], $0xffff  }
0x1f7: {  	v21 =	vld [tilespmem:s30+$0x60];
	_ =	sdelay $0x4  }
0x1f8: {  	vm12 =	vlt.f32 v12, s8;
	vm11 =	vle.f32 v20, s0;
	vm10 =	vle.f32 v21, s0  }
0x1f9: {  	vm13 =	vgt.f32 v12, s8;
	vm11 =	vmand vm12, vm11  }
0x1fa: {  	v19 =	vor.u32 v9, v19;
	vm10 =	vmand vm13, vm10;
	vm11 =	vmand vm9, vm11  }
0x1fb: {  	vm10 =	vmor vm10, vm11  }
0x1fc: {  	vm10 =	vmand vm7, vm10  }
0x1fd: {  	v20 =	vsel vm10, $0x1, v2  }
0x1fe: {  	[tilespmem:s29+$0x60] =	vst v20  }
0x1ff: {  	v20 =	vld.idx.msk [tilespmem:v19+s18+$0x0], $0xffff  }
0x200: {  	v21 =	vld [tilespmem:s30+$0x70];
	_ =	sdelay $0x2  }
0x201: {  	v19 =	vmov s31  }
0x202: {  	vm10 =	vlt.f32 v11, s8;
	v19 =	vand.u32 $0x7E, v19  }
0x203: {  	v19 =	vbroadcast v19, $0x0;
	vm12 =	vle.f32 v20, s0;
	vm11 =	vle.f32 v21, s0  }
.Ltmp6:
0x204: {  	vm13 =	vgt.f32 v11, s8;
	vm10 =	vmand vm10, vm12;
	(pc) =	sbr.rel @p0 .LBB2_8-.Ltmp6, $4  }
0x205: {  	v20 =	vor.u32 v0, v19;
	vm11 =	vmand vm13, vm11;
	vm9 =	vmand vm9, vm10  }
0x206: {  	vm9 =	vmor vm11, vm9  }
0x207: {  	vm9 =	vmand vm8, vm9  }
0x208: {  	s30 =	sadd.s32 $0x100, s30;
	s0 =	smov.u32 s4;
	v21 =	vsel vm9, $0x1, v2  }
0x209: {  	_ =	sdelay $0x1  }
0x20a: {  	s0 =	scvt.s32.f32 s31  }
0x20b: {  	[tilespmem:s29+$0x70] =	vst v21  }
0x20c: {  	v20 =	vld.idx.msk [tilespmem:v20+s18+$0x0], $0xffff;
	s0 =	sadd.f32 s0, s28  }
0x20d: {  	v21 =	vld [tilespmem:s30+$0xFFFFFF80]  }
0x20e: {  	p0 =	slt.f32 s0, s23  }
0x20f: {  	s8 =	smov.u32 s1  }
0x210: {  	vm9 =	vmmov vm0;
	s8 =	simm.s32 @!p0 $0xBF800000  }
0x211: {  	vm10 =	vgt.f32 v18, s0;
	vm12 =	vlt.f32 v18, s0;
	vm11 =	vle.f32 v20, s8  }
0x212: {  	vm9 =	vmneg @p0 vm9;
	vm13 =	vle.f32 v21, s8;
	vm11 =	vmand vm12, vm11  }
0x213: {  	v32 =	vor.u32 v3, v19;
	vm10 =	vmand vm10, vm13;
	vm11 =	vmand vm9, vm11  }
0x214: {  	vm10 =	vmor vm10, vm11  }
0x215: {  	vm10 =	vmand vm1, vm10  }
0x216: {  	s4 =	sadd.s32 $0x100, s29;
	v33 =	vsel vm10, $0x1, v2  }
0x217: {  	[tilespmem:s4+$0xFFFFFF80] =	vst v33  }
0x218: {  	v20 =	vld.idx.msk [tilespmem:v32+s18+$0x0], $0xffff  }
0x219: {  	v21 =	vld [tilespmem:s30+$0xFFFFFF90];
	_ =	sdelay $0x3  }
0x21a: {  	vm11 =	vlt.f32 v17, s0;
	vm10 =	vle.f32 v20, s8  }
0x21b: {  	vm13 =	vgt.f32 v17, s0;
	vm12 =	vle.f32 v21, s8;
	vm10 =	vmand vm11, vm10  }
0x21c: {  	v34 =	vor.u32 v4, v19;
	vm13 =	vmand vm13, vm12;
	vm10 =	vmand vm9, vm10  }
0x21d: {  	vm10 =	vmor vm13, vm10  }
0x21e: {  	vm10 =	vmand vm2, vm10  }
0x21f: {  	v35 =	vsel vm10, $0x1, v2  }
0x220: {  	[tilespmem:s4+$0xFFFFFF90] =	vst v35  }
0x221: {  	v20 =	vld.idx.msk [tilespmem:v34+s18+$0x0], $0xffff  }
0x222: {  	v21 =	vld [tilespmem:s30+$0xFFFFFFA0];
	_ =	sdelay $0x3  }
0x223: {  	vm11 =	vlt.f32 v16, s0;
	vm10 =	vle.f32 v20, s8  }
0x224: {  	vm13 =	vgt.f32 v16, s0;
	vm12 =	vle.f32 v21, s8;
	vm10 =	vmand vm11, vm10  }
0x225: {  	v36 =	vor.u32 v5, v19;
	vm14 =	vmand vm13, vm12;
	vm10 =	vmand vm9, vm10  }
0x226: {  	vm10 =	vmor vm14, vm10  }
0x227: {  	vm10 =	vmand vm3, vm10  }
0x228: {  	v37 =	vsel vm10, $0x1, v2  }
0x229: {  	[tilespmem:s4+$0xFFFFFFA0] =	vst v37  }
0x22a: {  	v20 =	vld.idx.msk [tilespmem:v36+s18+$0x0], $0xffff  }
0x22b: {  	v21 =	vld [tilespmem:s30+$0xFFFFFFB0];
	_ =	sdelay $0x3  }
0x22c: {  	vm11 =	vlt.f32 v15, s0;
	vm10 =	vle.f32 v20, s8  }
0x22d: {  	vm13 =	vgt.f32 v15, s0;
	vm12 =	vle.f32 v21, s8;
	vm10 =	vmand vm11, vm10  }
0x22e: {  	v38 =	vor.u32 v6, v19;
	vm15 =	vmand vm13, vm12;
	vm10 =	vmand vm9, vm10  }
0x22f: {  	vm10 =	vmor vm15, vm10  }
0x230: {  	vm10 =	vmand vm4, vm10  }
0x231: {  	v39 =	vsel vm10, $0x1, v2  }
0x232: {  	[tilespmem:s4+$0xFFFFFFB0] =	vst v39  }
0x233: {  	v20 =	vld.idx.msk [tilespmem:v38+s18+$0x0], $0xffff  }
0x234: {  	v21 =	vld [tilespmem:s30+$0xFFFFFFC0];
	_ =	sdelay $0x3  }
0x235: {  	vm11 =	vlt.f32 v14, s0;
	vm10 =	vle.f32 v20, s8  }
0x236: {  	vm13 =	vgt.f32 v14, s0;
	vm12 =	vle.f32 v21, s8;
	vm10 =	vmand vm11, vm10  }
0x237: {  	v40 =	vor.u32 v7, v19;
	vm12 =	vmand vm13, vm12;
	vm10 =	vmand vm9, vm10  }
0x238: {  	vm10 =	vmor vm12, vm10  }
0x239: {  	vm10 =	vmand vm5, vm10  }
0x23a: {  	v41 =	vsel vm10, $0x1, v2  }
0x23b: {  	[tilespmem:s4+$0xFFFFFFC0] =	vst v41  }
0x23c: {  	v20 =	vld.idx.msk [tilespmem:v40+s18+$0x0], $0xffff  }
0x23d: {  	v21 =	vld [tilespmem:s30+$0xFFFFFFD0];
	_ =	sdelay $0x3  }
0x23e: {  	vm11 =	vlt.f32 v13, s0;
	vm10 =	vle.f32 v20, s8  }
0x23f: {  	vm13 =	vgt.f32 v13, s0;
	vm12 =	vle.f32 v21, s8;
	vm10 =	vmand vm11, vm10  }
0x240: {  	v42 =	vor.u32 v8, v19;
	vm13 =	vmand vm13, vm12;
	vm10 =	vmand vm9, vm10  }
0x241: {  	vm10 =	vmor vm13, vm10  }
0x242: {  	vm10 =	vmand vm6, vm10  }
0x243: {  	v43 =	vsel vm10, $0x1, v2  }
0x244: {  	[tilespmem:s4+$0xFFFFFFD0] =	vst v43  }
0x245: {  	v20 =	vld.idx.msk [tilespmem:v42+s18+$0x0], $0xffff  }
0x246: {  	v21 =	vld [tilespmem:s30+$0xFFFFFFE0];
	_ =	sdelay $0x3  }
0x247: {  	vm11 =	vlt.f32 v12, s0;
	vm10 =	vle.f32 v20, s8  }
0x248: {  	vm13 =	vgt.f32 v12, s0;
	vm12 =	vle.f32 v21, s8;
	vm10 =	vmand vm11, vm10  }
0x249: {  	v44 =	vor.u32 v9, v19;
	vm14 =	vmand vm13, vm12;
	vm10 =	vmand vm9, vm10  }
0x24a: {  	vm10 =	vmor vm14, vm10  }
0x24b: {  	vm10 =	vmand vm7, vm10  }
0x24c: {  	v45 =	vsel vm10, $0x1, v2  }
0x24d: {  	[tilespmem:s4+$0xFFFFFFE0] =	vst v45  }
0x24e: {  	v19 =	vld.idx.msk [tilespmem:v44+s18+$0x0], $0xffff  }
0x24f: {  	v20 =	vld [tilespmem:s30+$0xFFFFFFF0]  }
0x250: {  	s2 =	sadd.s32 $0x1, s31  }
0x251: {  	v46 =	vmov s2  }
0x252: {  	v21 =	vand.u32 $0x7F, v46  }
0x253: {  	vm11 =	vlt.f32 v11, s0;
	v47 =	vbroadcast v21, $0x0;
	vm10 =	vle.f32 v19, s8  }
0x254: {  	vm13 =	vgt.f32 v11, s0;
	vm12 =	vle.f32 v20, s8;
	vm10 =	vmand vm11, vm10  }
0x255: {  	v48 =	vor.u32 v0, v47;
	vm15 =	vmand vm13, vm12;
	vm9 =	vmand vm9, vm10  }
0x256: {  	vm9 =	vmor vm15, vm9  }
0x257: {  	vm9 =	vmand vm8, vm9  }
0x258: {  	s29 =	scvt.s32.f32 s2;
	v49 =	vsel vm9, $0x1, v2  }
0x259: {  	[tilespmem:s4+$0xFFFFFFF0] =	vst v49  }
0x25a: {  	s0 =	sadd.f32 s29, s28;
	v20 =	vld.idx.msk [tilespmem:v48+s18+$0x0], $0xffff  }
0x25b: {  	v21 =	vld [tilespmem:s30+$0x0]  }
0x25c: {  	p0 =	slt.f32 s0, s23  }
0x25d: {  	s8 =	smov.u32 s1  }
0x25e: {  	s8 =	simm.s32 @!p0 $0xBF800000;
	vm12 =	vlt.f32 v18, s0  }
0x25f: {  	vm10 =	vgt.f32 v18, s0;
	vm9 =	vmmov vm0;
	vm11 =	vle.f32 v20, s8  }
0x260: {  	vm9 =	vmneg @p0 vm9;
	vm13 =	vle.f32 v21, s8;
	vm11 =	vmand vm12, vm11  }
0x261: {  	v50 =	vor.u32 v3, v47;
	vm10 =	vmand vm10, vm13;
	vm11 =	vmand vm9, vm11  }
0x262: {  	vm10 =	vmor vm10, vm11  }
0x263: {  	vm1 =	vmand vm1, vm10  }
0x264: {  	v51 =	vsel vm1, $0x1, v2  }
0x265: {  	[tilespmem:s4+$0x0] =	vst v51  }
0x266: {  	v18 =	vld.idx.msk [tilespmem:v50+s18+$0x0], $0xffff  }
0x267: {  	v20 =	vld [tilespmem:s30+$0x10];
	_ =	sdelay $0x3  }
0x268: {  	vm10 =	vlt.f32 v17, s0;
	vm1 =	vle.f32 v18, s8  }
0x269: {  	vm12 =	vgt.f32 v17, s0;
	vm11 =	vle.f32 v20, s8;
	vm1 =	vmand vm10, vm1  }
0x26a: {  	v52 =	vor.u32 v4, v47;
	vm12 =	vmand vm12, vm11;
	vm1 =	vmand vm9, vm1  }
0x26b: {  	vm1 =	vmor vm12, vm1  }
0x26c: {  	vm1 =	vmand vm2, vm1  }
0x26d: {  	v53 =	vsel vm1, $0x1, v2  }
0x26e: {  	[tilespmem:s4+$0x10] =	vst v53  }
0x26f: {  	v17 =	vld.idx.msk [tilespmem:v52+s18+$0x0], $0xffff  }
0x270: {  	v18 =	vld [tilespmem:s30+$0x20];
	_ =	sdelay $0x3  }
0x271: {  	vm2 =	vlt.f32 v16, s0;
	vm1 =	vle.f32 v17, s8  }
0x272: {  	vm14 =	vgt.f32 v16, s0;
	vm13 =	vle.f32 v18, s8;
	vm1 =	vmand vm2, vm1  }
0x273: {  	v54 =	vor.u32 v5, v47;
	vm2 =	vmand vm14, vm13;
	vm1 =	vmand vm9, vm1  }
0x274: {  	vm1 =	vmor vm2, vm1  }
0x275: {  	vm1 =	vmand vm3, vm1  }
0x276: {  	v55 =	vsel vm1, $0x1, v2  }
0x277: {  	[tilespmem:s4+$0x20] =	vst v55  }
0x278: {  	v16 =	vld.idx.msk [tilespmem:v54+s18+$0x0], $0xffff  }
0x279: {  	v17 =	vld [tilespmem:s30+$0x30];
	_ =	sdelay $0x3  }
0x27a: {  	vm2 =	vlt.f32 v15, s0;
	vm1 =	vle.f32 v16, s8  }
0x27b: {  	vm15 =	vgt.f32 v15, s0;
	vm3 =	vle.f32 v17, s8;
	vm1 =	vmand vm2, vm1  }
0x27c: {  	v56 =	vor.u32 v6, v47;
	vm2 =	vmand vm15, vm3;
	vm1 =	vmand vm9, vm1  }
0x27d: {  	vm1 =	vmor vm2, vm1  }
0x27e: {  	vm1 =	vmand vm4, vm1  }
0x27f: {  	v57 =	vsel vm1, $0x1, v2  }
0x280: {  	[tilespmem:s4+$0x30] =	vst v57  }
0x281: {  	v15 =	vld.idx.msk [tilespmem:v56+s18+$0x0], $0xffff  }
0x282: {  	v16 =	vld [tilespmem:s30+$0x40];
	_ =	sdelay $0x3  }
0x283: {  	vm2 =	vlt.f32 v14, s0;
	vm1 =	vle.f32 v15, s8  }
0x284: {  	vm12 =	vgt.f32 v14, s0;
	vm3 =	vle.f32 v16, s8;
	vm1 =	vmand vm2, vm1  }
0x285: {  	v58 =	vor.u32 v7, v47;
	vm2 =	vmand vm12, vm3;
	vm1 =	vmand vm9, vm1  }
0x286: {  	vm1 =	vmor vm2, vm1  }
0x287: {  	vm1 =	vmand vm5, vm1  }
0x288: {  	v59 =	vsel vm1, $0x1, v2  }
0x289: {  	[tilespmem:s4+$0x40] =	vst v59  }
0x28a: {  	v14 =	vld.idx.msk [tilespmem:v58+s18+$0x0], $0xffff  }
0x28b: {  	v15 =	vld [tilespmem:s30+$0x50];
	_ =	sdelay $0x3  }
0x28c: {  	vm2 =	vlt.f32 v13, s0;
	vm1 =	vle.f32 v14, s8  }
0x28d: {  	vm13 =	vgt.f32 v13, s0;
	vm3 =	vle.f32 v15, s8;
	vm1 =	vmand vm2, vm1  }
0x28e: {  	v60 =	vor.u32 v8, v47;
	vm2 =	vmand vm13, vm3;
	vm1 =	vmand vm9, vm1  }
0x28f: {  	vm1 =	vmor vm2, vm1  }
0x290: {  	vm1 =	vmand vm6, vm1  }
0x291: {  	v61 =	vsel vm1, $0x1, v2  }
0x292: {  	[tilespmem:s4+$0x50] =	vst v61  }
0x293: {  	v13 =	vld.idx.msk [tilespmem:v60+s18+$0x0], $0xffff  }
0x294: {  	v14 =	vld [tilespmem:s30+$0x60];
	_ =	sdelay $0x3  }
0x295: {  	vm2 =	vlt.f32 v12, s0;
	vm1 =	vle.f32 v13, s8  }
0x296: {  	vm14 =	vgt.f32 v12, s0;
	vm3 =	vle.f32 v14, s8;
	vm1 =	vmand vm2, vm1  }
0x297: {  	v62 =	vor.u32 v9, v47;
	vm2 =	vmand vm14, vm3;
	vm1 =	vmand vm9, vm1  }
0x298: {  	vm1 =	vmor vm2, vm1  }
0x299: {  	vm1 =	vmand vm7, vm1  }
0x29a: {  	v63 =	vsel vm1, $0x1, v2  }
0x29b: {  	[tilespmem:s4+$0x60] =	vst v63  }
0x29c: {  	v12 =	vld.idx.msk [tilespmem:v62+s18+$0x0], $0xffff  }
0x29d: {  	v13 =	vld [tilespmem:s30+$0x70];
	_ =	sdelay $0x3  }
0x29e: {  	vm1 =	vlt.f32 v11, s0;
	vm2 =	vle.f32 v12, s8  }
0x29f: {  	vm15 =	vgt.f32 v11, s0;
	vm3 =	vle.f32 v13, s8;
	vm1 =	vmand vm1, vm2  }
0x2a0: {  	vm2 =	vmand vm15, vm3;
	vm1 =	vmand vm9, vm1  }
.Ltmp7:
0x2a1: {  	vm1 =	vmor vm2, vm1;
	(pc) =	sbr.rel .LBB2_10-.Ltmp7, $4  }
0x2a2: {  	vm1 =	vmand vm8, vm1  }
0x2a3: {  	v11 =	vsel vm1, $0x1, v2  }
0x2a4: {  	s31 =	sadd.s32 s5, s26;
	s0 =	simm.s32 $0x1;
	[tilespmem:s4+$0x70] =	vst v11  }
0x2a5: {  	[hbm4b:s31+s16] =	stream.strided.scatter [tilespmem:s20], [sflag:$0x1], $0x4000, s17, s16, $0x38;
	[tilespmem:$0xC200] =	vst v63  }
.LBB2_4:
0x2a6: {  	s31 =	simm.s32 $0x4300;
	s8 =	simm.s32 $0x300  }
.LBB2_5:
0x2a7: {  	s0 =	scvt.s32.f32 s30;
	_ =	sdelay $0x1  }
0x2a8: {  	v19 =	vmov s30;
	v20 =	vld [tilespmem:s8+$0xFFFFFF00];
	s0 =	sadd.f32 s0, s28  }
0x2a9: {  	v19 =	vand.u32 $0x7C, v19  }
0x2aa: {  	v19 =	vbroadcast v19, $0x0;
	p0 =	slt.f32 s0, s23  }
0x2ab: {  	s0 =	smov.u32 s1  }
0x2ac: {  	v21 =	vor.u32 v0, v19;
	s0 =	simm.s32 @!p0 $0xBF800000  }
0x2ad: {  	vm1 =	vlt.f32 v18, v10;
	vm2 =	vle.f32 v20, s0  }
0x2ae: {  	vm2 =	vmand vm1, vm2  }
0x2af: {  	v20 =	vsel vm2, $0x1, v2  }
0x2b0: {  	[tilespmem:s31+$0xFFFFFF00] =	vst v20  }
0x2b1: {  	[tilespmem:v21+s21+$0x0] =	vst.idx.msk $0xffff, v20  }
0x2b2: {  	v20 =	vld [tilespmem:s8+$0xFFFFFF10];
	_ =	sdelay $0x3  }
0x2b3: {  	v37 =	vor.u32 v3, v19  }
0x2b4: {  	vm2 =	vlt.f32 v17, v10;
	vm3 =	vle.f32 v20, s0  }
0x2b5: {  	vm3 =	vmand vm2, vm3  }
0x2b6: {  	v20 =	vsel vm3, $0x1, v2  }
0x2b7: {  	[tilespmem:s31+$0xFFFFFF10] =	vst v20  }
0x2b8: {  	[tilespmem:v37+s21+$0x0] =	vst.idx.msk $0xffff, v20  }
0x2b9: {  	v20 =	vld [tilespmem:s8+$0xFFFFFF20];
	_ =	sdelay $0x3  }
0x2ba: {  	v38 =	vor.u32 v4, v19  }
0x2bb: {  	vm3 =	vlt.f32 v16, v10;
	vm4 =	vle.f32 v20, s0  }
0x2bc: {  	vm4 =	vmand vm3, vm4  }
0x2bd: {  	v20 =	vsel vm4, $0x1, v2  }
0x2be: {  	[tilespmem:s31+$0xFFFFFF20] =	vst v20  }
0x2bf: {  	[tilespmem:v38+s21+$0x0] =	vst.idx.msk $0xffff, v20  }
0x2c0: {  	v20 =	vld [tilespmem:s8+$0xFFFFFF30];
	_ =	sdelay $0x3  }
0x2c1: {  	v39 =	vor.u32 v5, v19  }
0x2c2: {  	vm4 =	vlt.f32 v15, v10;
	vm5 =	vle.f32 v20, s0  }
0x2c3: {  	vm5 =	vmand vm4, vm5  }
0x2c4: {  	v20 =	vsel vm5, $0x1, v2  }
0x2c5: {  	[tilespmem:s31+$0xFFFFFF30] =	vst v20  }
0x2c6: {  	[tilespmem:v39+s21+$0x0] =	vst.idx.msk $0xffff, v20  }
0x2c7: {  	v20 =	vld [tilespmem:s8+$0xFFFFFF40];
	_ =	sdelay $0x3  }
0x2c8: {  	v40 =	vor.u32 v6, v19  }
0x2c9: {  	vm5 =	vlt.f32 v14, v10;
	vm6 =	vle.f32 v20, s0  }
0x2ca: {  	vm6 =	vmand vm5, vm6  }
0x2cb: {  	v20 =	vsel vm6, $0x1, v2  }
0x2cc: {  	[tilespmem:s31+$0xFFFFFF40] =	vst v20  }
0x2cd: {  	[tilespmem:v40+s21+$0x0] =	vst.idx.msk $0xffff, v20  }
0x2ce: {  	v20 =	vld [tilespmem:s8+$0xFFFFFF50];
	_ =	sdelay $0x3  }
0x2cf: {  	v41 =	vor.u32 v7, v19  }
0x2d0: {  	vm6 =	vlt.f32 v13, v10;
	vm7 =	vle.f32 v20, s0  }
0x2d1: {  	vm7 =	vmand vm6, vm7  }
0x2d2: {  	v20 =	vsel vm7, $0x1, v2  }
0x2d3: {  	[tilespmem:s31+$0xFFFFFF50] =	vst v20  }
0x2d4: {  	[tilespmem:v41+s21+$0x0] =	vst.idx.msk $0xffff, v20  }
0x2d5: {  	v20 =	vld [tilespmem:s8+$0xFFFFFF60];
	_ =	sdelay $0x3  }
0x2d6: {  	v42 =	vor.u32 v8, v19  }
0x2d7: {  	vm7 =	vlt.f32 v12, v10;
	vm8 =	vle.f32 v20, s0  }
0x2d8: {  	vm8 =	vmand vm7, vm8  }
0x2d9: {  	v20 =	vsel vm8, $0x1, v2  }
0x2da: {  	[tilespmem:s31+$0xFFFFFF60] =	vst v20  }
0x2db: {  	[tilespmem:v42+s21+$0x0] =	vst.idx.msk $0xffff, v20  }
0x2dc: {  	v20 =	vld [tilespmem:s8+$0xFFFFFF70];
	_ =	sdelay $0x3  }
0x2dd: {  	v19 =	vor.u32 v9, v19  }
0x2de: {  	vm8 =	vlt.f32 v11, v10;
	vm9 =	vle.f32 v20, s0  }
0x2df: {  	vm9 =	vmand vm8, vm9  }
0x2e0: {  	s9 =	sadd.s32 $0x1, s30;
	v20 =	vsel vm9, $0x1, v2  }
0x2e1: {  	s2 =	scvt.s32.f32 s9;
	[tilespmem:s31+$0xFFFFFF70] =	vst v20  }
0x2e2: {  	[tilespmem:v19+s21+$0x0] =	vst.idx.msk $0xffff, v20  }
0x2e3: {  	s2 =	sadd.f32 s2, s28;
	v19 =	vmov s9;
	v20 =	vld [tilespmem:s8+$0xFFFFFF80]  }
0x2e4: {  	v19 =	vand.u32 $0x7D, v19  }
0x2e5: {  	p0 =	slt.f32 s2, s23;
	v19 =	vbroadcast v19, $0x0  }
0x2e6: {  	s0 =	smov.u32 s1  }
0x2e7: {  	s0 =	simm.s32 @!p0 $0xBF800000;
	v43 =	vor.u32 v0, v19  }
0x2e8: {  	vm15 =	vle.f32 v20, s0  }
0x2e9: {  	vm9 =	vmand vm1, vm15  }
0x2ea: {  	v20 =	vsel vm9, $0x1, v2  }
0x2eb: {  	[tilespmem:s31+$0xFFFFFF80] =	vst v20  }
0x2ec: {  	[tilespmem:v43+s21+$0x0] =	vst.idx.msk $0xffff, v20  }
0x2ed: {  	v20 =	vld [tilespmem:s8+$0xFFFFFF90];
	_ =	sdelay $0x3  }
0x2ee: {  	v44 =	vor.u32 v3, v19  }
0x2ef: {  	vm12 =	vle.f32 v20, s0  }
0x2f0: {  	vm9 =	vmand vm2, vm12  }
0x2f1: {  	v20 =	vsel vm9, $0x1, v2  }
0x2f2: {  	[tilespmem:s31+$0xFFFFFF90] =	vst v20  }
0x2f3: {  	[tilespmem:v44+s21+$0x0] =	vst.idx.msk $0xffff, v20  }
0x2f4: {  	v20 =	vld [tilespmem:s8+$0xFFFFFFA0];
	_ =	sdelay $0x3  }
0x2f5: {  	v45 =	vor.u32 v4, v19  }
0x2f6: {  	vm13 =	vle.f32 v20, s0  }
0x2f7: {  	vm9 =	vmand vm3, vm13  }
0x2f8: {  	v20 =	vsel vm9, $0x1, v2  }
0x2f9: {  	[tilespmem:s31+$0xFFFFFFA0] =	vst v20  }
0x2fa: {  	[tilespmem:v45+s21+$0x0] =	vst.idx.msk $0xffff, v20  }
0x2fb: {  	v20 =	vld [tilespmem:s8+$0xFFFFFFB0];
	_ =	sdelay $0x3  }
0x2fc: {  	v46 =	vor.u32 v5, v19  }
0x2fd: {  	vm14 =	vle.f32 v20, s0  }
0x2fe: {  	vm9 =	vmand vm4, vm14  }
0x2ff: {  	v20 =	vsel vm9, $0x1, v2  }
0x300: {  	[tilespmem:s31+$0xFFFFFFB0] =	vst v20  }
0x301: {  	[tilespmem:v46+s21+$0x0] =	vst.idx.msk $0xffff, v20  }
0x302: {  	v20 =	vld [tilespmem:s8+$0xFFFFFFC0];
	_ =	sdelay $0x3  }
0x303: {  	v47 =	vor.u32 v6, v19  }
0x304: {  	vm15 =	vle.f32 v20, s0  }
0x305: {  	vm9 =	vmand vm5, vm15  }
0x306: {  	v20 =	vsel vm9, $0x1, v2  }
0x307: {  	[tilespmem:s31+$0xFFFFFFC0] =	vst v20  }
0x308: {  	[tilespmem:v47+s21+$0x0] =	vst.idx.msk $0xffff, v20  }
0x309: {  	v20 =	vld [tilespmem:s8+$0xFFFFFFD0];
	_ =	sdelay $0x3  }
0x30a: {  	v48 =	vor.u32 v7, v19  }
0x30b: {  	vm12 =	vle.f32 v20, s0  }
0x30c: {  	vm9 =	vmand vm6, vm12  }
0x30d: {  	v20 =	vsel vm9, $0x1, v2  }
0x30e: {  	[tilespmem:s31+$0xFFFFFFD0] =	vst v20  }
0x30f: {  	[tilespmem:v48+s21+$0x0] =	vst.idx.msk $0xffff, v20  }
0x310: {  	v20 =	vld [tilespmem:s8+$0xFFFFFFE0];
	_ =	sdelay $0x3  }
0x311: {  	v49 =	vor.u32 v8, v19  }
0x312: {  	vm13 =	vle.f32 v20, s0  }
0x313: {  	vm9 =	vmand vm7, vm13  }
0x314: {  	v20 =	vsel vm9, $0x1, v2  }
0x315: {  	[tilespmem:s31+$0xFFFFFFE0] =	vst v20  }
0x316: {  	[tilespmem:v49+s21+$0x0] =	vst.idx.msk $0xffff, v20  }
0x317: {  	v20 =	vld [tilespmem:s8+$0xFFFFFFF0];
	_ =	sdelay $0x3  }
0x318: {  	v19 =	vor.u32 v9, v19  }
0x319: {  	vm14 =	vle.f32 v20, s0  }
0x31a: {  	vm9 =	vmand vm8, vm14  }
0x31b: {  	s13 =	sadd.s32 $0x2, s30;
	v20 =	vsel vm9, $0x1, v2  }
0x31c: {  	s14 =	scvt.s32.f32 s13;
	[tilespmem:s31+$0xFFFFFFF0] =	vst v20  }
0x31d: {  	[tilespmem:v19+s21+$0x0] =	vst.idx.msk $0xffff, v20  }
0x31e: {  	s2 =	sadd.f32 s14, s28;
	v19 =	vmov s13;
	v20 =	vld [tilespmem:s8+$0x0]  }
0x31f: {  	v19 =	vand.u32 $0x7E, v19  }
0x320: {  	p0 =	slt.f32 s2, s23;
	v19 =	vbroadcast v19, $0x0  }
0x321: {  	s0 =	smov.u32 s1  }
0x322: {  	s0 =	simm.s32 @!p0 $0xBF800000;
	v50 =	vor.u32 v0, v19  }
0x323: {  	vm15 =	vle.f32 v20, s0  }
0x324: {  	vm9 =	vmand vm1, vm15  }
0x325: {  	v20 =	vsel vm9, $0x1, v2  }
0x326: {  	[tilespmem:s31+$0x0] =	vst v20  }
0x327: {  	[tilespmem:v50+s21+$0x0] =	vst.idx.msk $0xffff, v20  }
0x328: {  	v20 =	vld [tilespmem:s8+$0x10];
	_ =	sdelay $0x3  }
0x329: {  	v51 =	vor.u32 v3, v19  }
0x32a: {  	vm12 =	vle.f32 v20, s0  }
0x32b: {  	vm9 =	vmand vm2, vm12  }
0x32c: {  	v20 =	vsel vm9, $0x1, v2  }
0x32d: {  	[tilespmem:s31+$0x10] =	vst v20  }
0x32e: {  	[tilespmem:v51+s21+$0x0] =	vst.idx.msk $0xffff, v20  }
0x32f: {  	v20 =	vld [tilespmem:s8+$0x20];
	_ =	sdelay $0x3  }
0x330: {  	v52 =	vor.u32 v4, v19  }
0x331: {  	vm13 =	vle.f32 v20, s0  }
0x332: {  	vm9 =	vmand vm3, vm13  }
0x333: {  	v20 =	vsel vm9, $0x1, v2  }
0x334: {  	[tilespmem:s31+$0x20] =	vst v20  }
0x335: {  	[tilespmem:v52+s21+$0x0] =	vst.idx.msk $0xffff, v20  }
0x336: {  	v20 =	vld [tilespmem:s8+$0x30];
	_ =	sdelay $0x3  }
0x337: {  	v53 =	vor.u32 v5, v19  }
0x338: {  	vm14 =	vle.f32 v20, s0  }
0x339: {  	vm9 =	vmand vm4, vm14  }
0x33a: {  	v20 =	vsel vm9, $0x1, v2  }
0x33b: {  	[tilespmem:s31+$0x30] =	vst v20  }
0x33c: {  	[tilespmem:v53+s21+$0x0] =	vst.idx.msk $0xffff, v20  }
0x33d: {  	v20 =	vld [tilespmem:s8+$0x40];
	_ =	sdelay $0x3  }
0x33e: {  	v54 =	vor.u32 v6, v19  }
0x33f: {  	vm15 =	vle.f32 v20, s0  }
0x340: {  	vm9 =	vmand vm5, vm15  }
0x341: {  	v20 =	vsel vm9, $0x1, v2  }
0x342: {  	[tilespmem:s31+$0x40] =	vst v20  }
0x343: {  	[tilespmem:v54+s21+$0x0] =	vst.idx.msk $0xffff, v20  }
0x344: {  	v20 =	vld [tilespmem:s8+$0x50];
	_ =	sdelay $0x3  }
0x345: {  	v55 =	vor.u32 v7, v19  }
0x346: {  	vm12 =	vle.f32 v20, s0  }
0x347: {  	vm9 =	vmand vm6, vm12  }
0x348: {  	v20 =	vsel vm9, $0x1, v2  }
0x349: {  	[tilespmem:s31+$0x50] =	vst v20  }
0x34a: {  	[tilespmem:v55+s21+$0x0] =	vst.idx.msk $0xffff, v20  }
0x34b: {  	v20 =	vld [tilespmem:s8+$0x60];
	_ =	sdelay $0x3  }
0x34c: {  	v56 =	vor.u32 v8, v19  }
0x34d: {  	vm13 =	vle.f32 v20, s0  }
0x34e: {  	vm9 =	vmand vm7, vm13  }
0x34f: {  	v20 =	vsel vm9, $0x1, v2  }
0x350: {  	[tilespmem:s31+$0x60] =	vst v20  }
0x351: {  	[tilespmem:v56+s21+$0x0] =	vst.idx.msk $0xffff, v20  }
0x352: {  	v20 =	vld [tilespmem:s8+$0x70];
	_ =	sdelay $0x3  }
0x353: {  	v19 =	vor.u32 v9, v19  }
0x354: {  	vm14 =	vle.f32 v20, s0  }
0x355: {  	vm9 =	vmand vm8, vm14  }
0x356: {  	s15 =	sadd.s32 $0x3, s30;
	v20 =	vsel vm9, $0x1, v2  }
0x357: {  	s24 =	scvt.s32.f32 s15;
	[tilespmem:s31+$0x70] =	vst v20  }
0x358: {  	[tilespmem:v19+s21+$0x0] =	vst.idx.msk $0xffff, v20  }
0x359: {  	s2 =	sadd.f32 s24, s28;
	v19 =	vmov s15;
	v20 =	vld [tilespmem:s8+$0x80]  }
0x35a: {  	v19 =	vand.u32 $0x7F, v19  }
0x35b: {  	p0 =	slt.f32 s2, s23;
	v19 =	vbroadcast v19, $0x0  }
0x35c: {  	s0 =	smov.u32 s1  }
0x35d: {  	s0 =	simm.s32 @!p0 $0xBF800000;
	v57 =	vor.u32 v0, v19  }
0x35e: {  	vm15 =	vle.f32 v20, s0  }
0x35f: {  	vm1 =	vmand vm1, vm15  }
0x360: {  	v20 =	vsel vm1, $0x1, v2  }
0x361: {  	[tilespmem:s31+$0x80] =	vst v20  }
0x362: {  	[tilespmem:v57+s21+$0x0] =	vst.idx.msk $0xffff, v20  }
0x363: {  	v20 =	vld [tilespmem:s8+$0x90];
	_ =	sdelay $0x3  }
0x364: {  	v58 =	vor.u32 v3, v19  }
0x365: {  	vm1 =	vle.f32 v20, s0  }
0x366: {  	vm1 =	vmand vm2, vm1  }
0x367: {  	v20 =	vsel vm1, $0x1, v2  }
0x368: {  	[tilespmem:s31+$0x90] =	vst v20  }
0x369: {  	[tilespmem:v58+s21+$0x0] =	vst.idx.msk $0xffff, v20  }
0x36a: {  	v20 =	vld [tilespmem:s8+$0xA0];
	_ =	sdelay $0x3  }
0x36b: {  	v59 =	vor.u32 v4, v19  }
0x36c: {  	vm1 =	vle.f32 v20, s0  }
0x36d: {  	vm1 =	vmand vm3, vm1  }
0x36e: {  	v20 =	vsel vm1, $0x1, v2  }
0x36f: {  	[tilespmem:s31+$0xA0] =	vst v20  }
0x370: {  	[tilespmem:v59+s21+$0x0] =	vst.idx.msk $0xffff, v20  }
0x371: {  	v20 =	vld [tilespmem:s8+$0xB0];
	_ =	sdelay $0x3  }
0x372: {  	v60 =	vor.u32 v5, v19  }
0x373: {  	vm1 =	vle.f32 v20, s0  }
0x374: {  	vm1 =	vmand vm4, vm1  }
0x375: {  	v20 =	vsel vm1, $0x1, v2  }
0x376: {  	[tilespmem:s31+$0xB0] =	vst v20  }
0x377: {  	[tilespmem:v60+s21+$0x0] =	vst.idx.msk $0xffff, v20  }
0x378: {  	v20 =	vld [tilespmem:s8+$0xC0];
	_ =	sdelay $0x3  }
0x379: {  	v61 =	vor.u32 v6, v19  }
0x37a: {  	vm1 =	vle.f32 v20, s0  }
0x37b: {  	vm1 =	vmand vm5, vm1  }
0x37c: {  	v20 =	vsel vm1, $0x1, v2  }
0x37d: {  	[tilespmem:s31+$0xC0] =	vst v20  }
0x37e: {  	[tilespmem:v61+s21+$0x0] =	vst.idx.msk $0xffff, v20  }
0x37f: {  	v20 =	vld [tilespmem:s8+$0xD0];
	_ =	sdelay $0x3  }
0x380: {  	v62 =	vor.u32 v7, v19  }
0x381: {  	vm1 =	vle.f32 v20, s0  }
0x382: {  	vm1 =	vmand vm6, vm1  }
0x383: {  	v20 =	vsel vm1, $0x1, v2  }
0x384: {  	[tilespmem:s31+$0xD0] =	vst v20  }
0x385: {  	[tilespmem:v62+s21+$0x0] =	vst.idx.msk $0xffff, v20  }
0x386: {  	v20 =	vld [tilespmem:s8+$0xE0];
	_ =	sdelay $0x3  }
0x387: {  	v63 =	vor.u32 v8, v19  }
0x388: {  	vm1 =	vle.f32 v20, s0  }
0x389: {  	vm1 =	vmand vm7, vm1  }
0x38a: {  	v20 =	vsel vm1, $0x1, v2  }
0x38b: {  	[tilespmem:s31+$0xE0] =	vst v20  }
0x38c: {  	[tilespmem:v63+s21+$0x0] =	vst.idx.msk $0xffff, v20  }
0x38d: {  	v20 =	vld [tilespmem:s8+$0xF0];
	_ =	sdelay $0x3  }
0x38e: {  	p0 =	slt.u32 s30, $0x7C;
	v19 =	vor.u32 v9, v19  }
.Ltmp8:
0x38f: {  	vm1 =	vle.f32 v20, s0;
	(pc) =	sbr.rel @p0 .LBB2_5-.Ltmp8, $4  }
0x390: {  	vm1 =	vmand vm8, vm1  }
0x391: {  	v20 =	vsel vm1, $0x1, v2  }
0x392: {  	[tilespmem:s31+$0xF0] =	vst v20  }
0x393: {  	s30 =	sadd.s32 $0x4, s30;
	s8 =	sadd.s32 $0x200, s8;
	s31 =	sadd.s32 $0x200, s31;
	[tilespmem:v19+s21+$0x0] =	vst.idx.msk $0xffff, v20  }
0x394: {  	s0 =	sadd.s32 s5, s26;
	s2 =	sshll.u32 s29, $0x13  }
0x395: {  	[hbm4b:s0+s16] =	stream.strided.scatter [tilespmem:s20], [sflag:$0x2], $0x4000, s17, s16, $0x38;
	[tilespmem:$0xC200] =	vst v63  }
.Ltmp9:
0x396: {  	s4 =	sshll.u32 s4, $0xA;
	s0 =	simm.s32 $0x2;
	(pc) =	sbr.rel .LBB2_10-.Ltmp9, $4  }
0x397: {  	s2 =	sadd.s32 s4, s2;
	_ =	swait.ge [sflag:s0], $0x4000  }
0x398: {  	s2 =	sshrl.u32 s2, $0x3;
	[sflag:s0] =	ssyncset.done $0x0  }
0x399: {  	s2 =	sadd.s32 s5, s2;
	[sflag:s0] =	ssyncadd.s32 $0xFFFFC000  }
0x39a: {  	[hbm4b:s2+s16] =	stream.strided.scatter [tilespmem:s21], [sflag:$0x2], $0x4000, s17, s16, $0x38;
	[tilespmem:$0xC200] =	vst v63  }
.LBB2_13:
0x39b: {  	_ =	sfence.sel $0x180000  }
0x39c: {  	[bflag:$0x0] =	sbarrier.arrive $0xFFFF  }
0x39d: {  	_ =	strace $0x90000047  }
0x39e: {  	s0 =	stileid.u32;
	[bflag:$0x2] =	sbarrier.arrive $0xFFFF  }
0x39f: {  	p0 =	sne.s32 s0, $0x0;
	s0 =	rddreg [dreg:$0x6]  }
0x3a0: {  	s0 =	sadd.s32 @!p0 $0x100000, s0  }
0x3a1: {  	[sflag:s0] =	ssyncadd.tile.s32 @!p0 $0x1;
	_ =	shalt  }
.Lfunc_end2:
_tile_overlayer_lowered:
.L_overlay_start_2:
0x3a2: {  	(tag) =	ssettag $0x2  }
0x3a3: {  	s0 =	rddreg [dreg:$0x0];
	s2 =	stileid.u32  }
0x3a4: {  	s1 =	rddreg [dreg:$0x1];
	p0 =	sne.s32 s2, $0x0  }
0x3a5: {  	s3 =	rddreg [dreg:$0x2];
	[bflag:$0x3] =	sbarrier.arrive $0xFFFF;
	s2 =	simm.s32 @!p0 $0x1C01  }
0x3a6: {  	[timem:s3], [sflag:s2] =	dma.local @!p0 [hbm:s0], s1  }
0x3a7: {  	s0 =	simm.s32 @!p0 $0x1  }
0x3a8: {  	_ =	swait.ge @!p0 [sflag:s0], s1  }
0x3a9: {  	s1 =	ssub.s32 @!p0 $0x0, s1;
	[sflag:s0] =	ssyncset.done @!p0 $0x0  }
0x3aa: {  	[sflag:s0] =	ssyncadd.s32 @!p0 s1  }
0x3ab: {  	[bflag:$0x3] =	sbarrier.arrive $0xFFFF  }
0x3ac: {  	_ =	shalt  }

</sc_bundles>
